<compile_context>
chip_gen: v7x
topology: tpu7x:2x2x1
jax: 0.10.2.dev20260603
libtpu: 0.0.44.dev20260713+nightly
codegen_flags: <defaults>
</compile_context>

<pallas_src>
import functools

import jax
import jax.numpy as jnp
from jax import lax
from jax.experimental import pallas as pl
from jax.experimental.pallas import tpu as pltpu
from jax.experimental.pallas import tpu_sc as plsc

N = 10000
D_IN = 128
D_H = 16
E = 320000

NC, NS = 2, 16
NW = NC * NS
CHUNK = 128
NPAD = 10240
EPAD = 327680
CPT = EPAD // (NW * CHUNK)
ET = CPT * CHUNK
NPT = NPAD // NS
GR = 8
NGR = CPT // GR

_mesh = plsc.VectorSubcoreMesh(
    core_axis_name="c", subcore_axis_name="s", num_cores=NC, num_subcores=NS)



@functools.partial(
    pl.kernel, mesh=_mesh,
    out_type=jax.ShapeDtypeStruct((NC * NPAD,), jnp.float32),
    scratch_types=[
        pltpu.VMEM((CPT, CHUNK), jnp.int32),
        pltpu.VMEM((CHUNK,), jnp.float32),
        pltpu.VMEM((NPT,), jnp.float32),
        pltpu.VMEM_SHARED((NPAD,), jnp.float32),
        pltpu.SemaphoreType.DMA,
    ],
)
def _sc_deg(dst_hbm, ones_hbm, zeros_hbm, out_hbm, dstbuf, ones_v, stage, acc,
            ssem):
    c = lax.axis_index("c")
    s = lax.axis_index("s")
    wid = c * NS + s
    pltpu.sync_copy(ones_hbm, ones_v)
    pltpu.sync_copy(zeros_hbm.at[pl.ds(0, NPT)], stage)
    pltpu.sync_copy(stage, acc.at[pl.ds(s * NPT, NPT)])
    pltpu.sync_copy(dst_hbm.at[pl.ds(wid * CPT, CPT)], dstbuf)
    plsc.subcore_barrier()

    def group(g, carry):
        base = g * GR
        scs = [pltpu.async_copy(ones_v, acc.at[dstbuf.at[base + k]], ssem,
                                add=True)
               for k in range(GR)]
        for d in scs:
            d.wait()
        return carry

    lax.fori_loop(0, NGR, group, 0)
    plsc.subcore_barrier()
    pltpu.sync_copy(acc.at[pl.ds(s * NPT, NPT)], stage)
    pltpu.sync_copy(stage, out_hbm.at[pl.ds(c * NPAD + s * NPT, NPT)])



@functools.partial(
    pl.kernel, mesh=_mesh,
    out_type=jax.ShapeDtypeStruct((NC * NPAD, D_H), jnp.float32),
    scratch_types=[
        pltpu.VMEM((CPT, CHUNK), jnp.int32),
        pltpu.VMEM((CPT, CHUNK), jnp.int32),
        pltpu.VMEM((GR, CHUNK, D_H), jnp.float32),
        pltpu.VMEM((CHUNK, D_H), jnp.float32),
        pltpu.VMEM_SHARED((NPAD, D_H), jnp.float32),
        pltpu.VMEM_SHARED((NPAD, D_H), jnp.float32),
        pltpu.SemaphoreType.DMA,
        pltpu.SemaphoreType.DMA,
    ],
    compiler_params=pltpu.CompilerParams(use_tc_tiling_on_sc=False),
)
def _sc_agg1(q1_hbm, src_hbm, dst_hbm, zeros_hbm, out_hbm,
             srcbuf, dstbuf, rows, stage, qtab, acc, gsem, ssem):
    c = lax.axis_index("c")
    s = lax.axis_index("s")
    wid = c * NS + s
    pltpu.sync_copy(zeros_hbm, stage)

    def zero(k, carry):
        pltpu.sync_copy(stage, acc.at[pl.ds(s * NPT + k * CHUNK, CHUNK)])
        return carry

    lax.fori_loop(0, NPT // CHUNK, zero, 0)

    def load_q(k, carry):
        off = s * NPT + k * CHUNK
        pltpu.sync_copy(q1_hbm.at[pl.ds(off, CHUNK)], stage)
        pltpu.sync_copy(stage, qtab.at[pl.ds(off, CHUNK)])
        return carry

    lax.fori_loop(0, NPT // CHUNK, load_q, 0)
    pltpu.sync_copy(src_hbm.at[pl.ds(wid * CPT, CPT)], srcbuf)
    pltpu.sync_copy(dst_hbm.at[pl.ds(wid * CPT, CPT)], dstbuf)
    plsc.subcore_barrier()

    def group(g, carry):
        base = g * GR
        gds = [pltpu.async_copy(qtab.at[srcbuf.at[base + k]], rows.at[k], gsem)
               for k in range(GR)]
        scs = []
        for k in range(GR):
            gds[k].wait()
            scs.append(pltpu.async_copy(rows.at[k], acc.at[dstbuf.at[base + k]],
                                        ssem, add=True))
        for d in scs:
            d.wait()
        return carry

    lax.fori_loop(0, NGR, group, 0)
    plsc.subcore_barrier()

    def wb(k, carry):
        off = s * NPT + k * CHUNK
        pltpu.sync_copy(acc.at[pl.ds(off, CHUNK)], stage)
        pltpu.sync_copy(stage, out_hbm.at[pl.ds(c * NPAD + off, CHUNK)])
        return carry

    lax.fori_loop(0, NPT // CHUNK, wb, 0)



@functools.partial(
    pl.kernel, mesh=_mesh,
    out_type=jax.ShapeDtypeStruct((NC * NPAD,), jnp.float32),
    scratch_types=[
        pltpu.VMEM((CPT, CHUNK), jnp.int32),
        pltpu.VMEM((CPT, CHUNK), jnp.int32),
        pltpu.VMEM((GR, CHUNK), jnp.float32),
        pltpu.VMEM((NPT,), jnp.float32),
        pltpu.VMEM_SHARED((NPAD,), jnp.float32),
        pltpu.VMEM_SHARED((NPAD,), jnp.float32),
        pltpu.SemaphoreType.DMA,
        pltpu.SemaphoreType.DMA,
    ],
)
def _sc_agg2(q2_hbm, src_hbm, dst_hbm, zeros_hbm, out_hbm,
             srcbuf, dstbuf, vals, stage, qtab, acc, gsem, ssem):
    c = lax.axis_index("c")
    s = lax.axis_index("s")
    wid = c * NS + s
    pltpu.sync_copy(zeros_hbm.at[pl.ds(0, NPT)], stage)
    pltpu.sync_copy(stage, acc.at[pl.ds(s * NPT, NPT)])
    pltpu.sync_copy(q2_hbm.at[pl.ds(s * NPT, NPT)], stage)
    pltpu.sync_copy(stage, qtab.at[pl.ds(s * NPT, NPT)])
    pltpu.sync_copy(src_hbm.at[pl.ds(wid * CPT, CPT)], srcbuf)
    pltpu.sync_copy(dst_hbm.at[pl.ds(wid * CPT, CPT)], dstbuf)
    plsc.subcore_barrier()

    def group(g, carry):
        base = g * GR
        gds = [pltpu.async_copy(qtab.at[srcbuf.at[base + k]], vals.at[k], gsem)
               for k in range(GR)]
        scs = []
        for k in range(GR):
            gds[k].wait()
            scs.append(pltpu.async_copy(vals.at[k], acc.at[dstbuf.at[base + k]],
                                        ssem, add=True))
        for d in scs:
            d.wait()
        return carry

    lax.fori_loop(0, NGR, group, 0)
    plsc.subcore_barrier()
    pltpu.sync_copy(acc.at[pl.ds(s * NPT, NPT)], stage)
    pltpu.sync_copy(stage, out_hbm.at[pl.ds(c * NPAD + s * NPT, NPT)])



def _tca_body(x_ref, w1_ref, degp_ref, q1_ref, dinv_ref):
    deg = degp_ref[0] + degp_ref[1] + 1.0
    dinv = lax.rsqrt(deg)
    xw = jnp.dot(x_ref[...], w1_ref[...], preferred_element_type=jnp.float32)
    q1_ref[...] = xw * dinv
    dinv_ref[...] = dinv


_tca = pl.pallas_call(
    _tca_body,
    out_shape=[jax.ShapeDtypeStruct((NPAD, D_H), jnp.float32),
               jax.ShapeDtypeStruct((NPAD, 1), jnp.float32)],
)


def _tcb_body(aggp_ref, q1_ref, dinv_ref, b1_ref, w2_ref, q2_ref):
    agg = aggp_ref[0] + aggp_ref[1] + q1_ref[...]
    h = jnp.maximum(dinv_ref[...] * agg + b1_ref[...], 0.0)
    q2 = jnp.dot(h, w2_ref[...], preferred_element_type=jnp.float32)
    q2_ref[...] = q2 * dinv_ref[...]


_tcb = pl.pallas_call(
    _tcb_body,
    out_shape=jax.ShapeDtypeStruct((NPAD, 1), jnp.float32),
)


def _tcc_body(a2p_ref, q2_ref, dinv_ref, b2_ref, out_ref):
    out_ref[...] = dinv_ref[...] * (a2p_ref[0] + a2p_ref[1] + q2_ref[...]) \
        + b2_ref[...]


_tcc = pl.pallas_call(
    _tcc_body,
    out_shape=jax.ShapeDtypeStruct((NPAD, 1), jnp.float32),
)


def kernel(x, edge_index, W1, b1, W2, b2):
    pad = (jnp.arange(EPAD - E, dtype=jnp.int32) % (NPAD - N)) + N
    srcp = jnp.concatenate([edge_index[0], pad]).reshape(EPAD // CHUNK, CHUNK)
    dstp = jnp.concatenate([edge_index[1], pad]).reshape(EPAD // CHUNK, CHUNK)
    xpad = jnp.pad(x, ((0, NPAD - N), (0, 0)))

    ones_c = jnp.ones((CHUNK,), jnp.float32)
    zeros_r = jnp.zeros((CHUNK, D_H), jnp.float32)
    zeros_n = jnp.zeros((NPT,), jnp.float32)

    degp = _sc_deg(dstp, ones_c, zeros_n)
    q1, dinv = _tca(xpad, W1, degp.reshape(NC, NPAD, 1))
    aggp = _sc_agg1(q1, srcp, dstp, zeros_r).reshape(NC, NPAD, D_H)
    q2 = _tcb(aggp, q1, dinv, b1.reshape(1, D_H), W2)
    a2p = _sc_agg2(q2.reshape(NPAD), srcp, dstp, zeros_n)
    out = _tcc(a2p.reshape(NC, NPAD, 1), q2, dinv, b2.reshape(1, 1))
    return out[:N]

# --- scband reference (transcript-rebuilt; emitter-appended) ---
"""Pipeline reference for scband-gcn-79946521248145 (READ-ONLY COPY).

The authoritative reference and input builder live on the scoring server;
editing this copy changes nothing except your own understanding.
"""

import jax, jax.numpy as jnp
import numpy as np

N = 10000
E = 320000
D_IN = 128
D_H = 16
D_OUT = 1


def setup_inputs(seed: int = 0) -> dict:
    key = jax.random.key(seed)
    k1, k2, k3, k4 = jax.random.split(key, 4)
    x = jax.random.normal(k1, (N, D_IN), dtype=jnp.float32)
    edge_index = jax.random.randint(k2, (2, E), 0, N, dtype=jnp.int32)
    W1 = jax.random.normal(k3, (D_IN, D_H), dtype=jnp.float32) * (1.0 / np.sqrt(D_IN))
    b1 = jnp.zeros((D_H,), dtype=jnp.float32)
    W2 = jax.random.normal(k4, (D_H, D_OUT), dtype=jnp.float32) * (1.0 / np.sqrt(D_H))
    b2 = jnp.zeros((D_OUT,), dtype=jnp.float32)
    return {"x": x, "edge_index": edge_index, "W1": W1, "b1": b1, "W2": W2, "b2": b2}


def _gcn_conv(x, src, dst, W, b, num_nodes):
    # GCNConv: x' = D^{-1/2} (A + I) D^{-1/2} X W + b (self-loops already in src/dst)
    xw = x @ W
    ones = jnp.ones((dst.shape[0],), dtype=xw.dtype)
    deg = jax.ops.segment_sum(ones, dst, num_segments=num_nodes)
    dinv = jnp.where(deg > 0, 1.0 / jnp.sqrt(deg), 0.0)
    norm = dinv[src] * dinv[dst]
    msg = xw[src] * norm[:, None]
    out = jax.ops.segment_sum(msg, dst, num_segments=num_nodes)
    return out + b


def reference(x, edge_index, W1, b1, W2, b2):
    num_nodes = x.shape[0]
    loop = jnp.arange(num_nodes, dtype=edge_index.dtype)
    src = jnp.concatenate([edge_index[0], loop])
    dst = jnp.concatenate([edge_index[1], loop])
    h = _gcn_conv(x, src, dst, W1, b1, num_nodes)
    h = jax.nn.relu(h)
    # dropout is identity in eval mode
    out = _gcn_conv(h, src, dst, W2, b2, num_nodes)
    return out

if __name__ == "__main__":
    import jax
    _d = setup_inputs()
    print(jax.jit(kernel)(*tuple(_d.values())))

</pallas_src>

<mosaic_0001>
#map = affine_map<(d0, d1) -> (0, 0)>
#map1 = affine_map<(d0, d1) -> (0)>
module attributes {stable_mosaic.version = 14 : i64} {
  func.func @_sc_deg(%arg0: i32, %arg1: i32, %arg2: memref<2560x128xi32, #tpu.memory_space<hbm>>, %arg3: memref<128xf32, #tpu.memory_space<hbm>>, %arg4: memref<640xf32, #tpu.memory_space<hbm>>, %arg5: memref<20480xf32, #tpu.memory_space<hbm>>, %arg6: memref<80x128xi32, #tpu.memory_space<vmem>>, %arg7: memref<128xf32, #tpu.memory_space<vmem>>, %arg8: memref<640xf32, #tpu.memory_space<vmem>>, %arg9: memref<10240xf32, #tpu.memory_space<vmem_shared>>, %arg10: memref<!tpu.dma_semaphore, #tpu.memory_space<semaphore_mem>>) attributes {dimension_semantics = [#tpu.dimension_semantics<core_parallel>, #tpu.dimension_semantics<subcore_parallel>], iteration_bounds = array<i64: 2, 16>, scalar_prefetch = 0 : i64, scratch_operands = 5 : i64, tpu.core_type = #tpu.core_type<sc_vector_subcore>, window_params = [{transform_indices = #map}, {transform_indices = #map1}, {transform_indices = #map1}, {transform_indices = #map1}]} {
    %mul3A = arith.constant 16 : i32
    %mul3A_0 = arith.muli %arg0, %mul3A : i32
    %add3A = arith.addi %mul3A_0, %arg1 : i32
    "tpu.region"() ({
      %run_scoped3A = tpu.sem_alloc : memref<!tpu.dma_semaphore, #tpu.memory_space<semaphore_mem>>
      tpu.enqueue_dma source(%arg3 : memref<128xf32, #tpu.memory_space<hbm>>) target(%arg7 : memref<128xf32, #tpu.memory_space<vmem>>) target_semaphore(%run_scoped3A : memref<!tpu.dma_semaphore, #tpu.memory_space<semaphore_mem>>)
      tpu.wait_dma2 semaphore(%run_scoped3A : memref<!tpu.dma_semaphore, #tpu.memory_space<semaphore_mem>>) src(%arg3 : memref<128xf32, #tpu.memory_space<hbm>>) dst(%arg7 : memref<128xf32, #tpu.memory_space<vmem>>)
      tpu.yield
    }) : () -> ()
    "tpu.region"() ({
      %run_scoped3A = tpu.sem_alloc : memref<!tpu.dma_semaphore, #tpu.memory_space<semaphore_mem>>
      %dma_start3A = arith.constant 0 : i32
      %dma_start3A_18 = tpu.memref_slice %arg4[%dma_start3A] : memref<640xf32, #tpu.memory_space<hbm>> -> memref<640xf32, #tpu.memory_space<hbm>>
      %dma_start3A_19 = arith.constant 0 : i32
      %dma_start3A_20 = tpu.memref_slice %arg4[%dma_start3A_19] : memref<640xf32, #tpu.memory_space<hbm>> -> memref<640xf32, #tpu.memory_space<hbm>>
      tpu.enqueue_dma source(%dma_start3A_20 : memref<640xf32, #tpu.memory_space<hbm>>) target(%arg8 : memref<640xf32, #tpu.memory_space<vmem>>) target_semaphore(%run_scoped3A : memref<!tpu.dma_semaphore, #tpu.memory_space<semaphore_mem>>)
      %dma_wait3A = arith.constant 0 : i32
      %dma_wait3A_21 = tpu.memref_slice %arg4[%dma_wait3A] : memref<640xf32, #tpu.memory_space<hbm>> -> memref<640xf32, #tpu.memory_space<hbm>>
      %dma_wait3A_22 = arith.constant 0 : i32
      %dma_wait3A_23 = tpu.memref_slice %arg4[%dma_wait3A_22] : memref<640xf32, #tpu.memory_space<hbm>> -> memref<640xf32, #tpu.memory_space<hbm>>
      tpu.wait_dma2 semaphore(%run_scoped3A : memref<!tpu.dma_semaphore, #tpu.memory_space<semaphore_mem>>) src(%dma_wait3A_23 : memref<640xf32, #tpu.memory_space<hbm>>) dst(%arg8 : memref<640xf32, #tpu.memory_space<vmem>>)
      tpu.yield
    }) : () -> ()
    %mul3A_1 = arith.constant 640 : i32
    %mul3A_2 = arith.muli %arg1, %mul3A_1 : i32
    "tpu.region"() ({
      %run_scoped3A = tpu.sem_alloc : memref<!tpu.dma_semaphore, #tpu.memory_space<semaphore_mem>>
      %dma_start3A = tpu.memref_slice %arg9[%mul3A_2] : memref<10240xf32, #tpu.memory_space<vmem_shared>> -> memref<640xf32, #tpu.memory_space<vmem_shared>>
      %dma_start3A_18 = tpu.memref_slice %arg9[%mul3A_2] : memref<10240xf32, #tpu.memory_space<vmem_shared>> -> memref<640xf32, #tpu.memory_space<vmem_shared>>
      tpu.enqueue_dma source(%arg8 : memref<640xf32, #tpu.memory_space<vmem>>) target(%dma_start3A_18 : memref<640xf32, #tpu.memory_space<vmem_shared>>) target_semaphore(%run_scoped3A : memref<!tpu.dma_semaphore, #tpu.memory_space<semaphore_mem>>)
      %dma_wait3A = tpu.memref_slice %arg9[%mul3A_2] : memref<10240xf32, #tpu.memory_space<vmem_shared>> -> memref<640xf32, #tpu.memory_space<vmem_shared>>
      %dma_wait3A_19 = tpu.memref_slice %arg9[%mul3A_2] : memref<10240xf32, #tpu.memory_space<vmem_shared>> -> memref<640xf32, #tpu.memory_space<vmem_shared>>
      tpu.wait_dma2 semaphore(%run_scoped3A : memref<!tpu.dma_semaphore, #tpu.memory_space<semaphore_mem>>) src(%arg8 : memref<640xf32, #tpu.memory_space<vmem>>) dst(%dma_wait3A_19 : memref<640xf32, #tpu.memory_space<vmem_shared>>)
      tpu.yield
    }) : () -> ()
    %mul3A_3 = arith.constant 80 : i32
    %mul3A_4 = arith.muli %add3A, %mul3A_3 : i32
    "tpu.region"() ({
      %run_scoped3A = tpu.sem_alloc : memref<!tpu.dma_semaphore, #tpu.memory_space<semaphore_mem>>
      %dma_start3A = arith.constant 0 : i32
      %dma_start3A_18 = tpu.memref_slice %arg2[%mul3A_4, %dma_start3A] : memref<2560x128xi32, #tpu.memory_space<hbm>> -> memref<80x128xi32, #tpu.memory_space<hbm>>
      %dma_start3A_19 = arith.constant 0 : i32
      %dma_start3A_20 = tpu.memref_slice %arg2[%mul3A_4, %dma_start3A_19] : memref<2560x128xi32, #tpu.memory_space<hbm>> -> memref<80x128xi32, #tpu.memory_space<hbm>>
      tpu.enqueue_dma source(%dma_start3A_20 : memref<80x128xi32, #tpu.memory_space<hbm>>) target(%arg6 : memref<80x128xi32, #tpu.memory_space<vmem>>) target_semaphore(%run_scoped3A : memref<!tpu.dma_semaphore, #tpu.memory_space<semaphore_mem>>)
      %dma_wait3A = arith.constant 0 : i32
      %dma_wait3A_21 = tpu.memref_slice %arg2[%mul3A_4, %dma_wait3A] : memref<2560x128xi32, #tpu.memory_space<hbm>> -> memref<80x128xi32, #tpu.memory_space<hbm>>
      %dma_wait3A_22 = arith.constant 0 : i32
      %dma_wait3A_23 = tpu.memref_slice %arg2[%mul3A_4, %dma_wait3A_22] : memref<2560x128xi32, #tpu.memory_space<hbm>> -> memref<80x128xi32, #tpu.memory_space<hbm>>
      tpu.wait_dma2 semaphore(%run_scoped3A : memref<!tpu.dma_semaphore, #tpu.memory_space<semaphore_mem>>) src(%dma_wait3A_23 : memref<80x128xi32, #tpu.memory_space<hbm>>) dst(%arg6 : memref<80x128xi32, #tpu.memory_space<vmem>>)
      tpu.yield
    }) : () -> ()
    %barrier3A = arith.constant 0 : index
    tpu.barrier barrier_id(%barrier3A)
    %scan3A = arith.constant 0 : i32
    %scan3A_5 = arith.constant 0 : i32
    %scan3A_6 = arith.constant 10 : i32
    %scan3A_7 = arith.addi %scan3A_5, %scan3A_6 : i32
    %scan3A_8 = arith.constant 1 : i32
    scf.for %scan3A_18 = %scan3A_5 to %scan3A_7 step %scan3A_8  : i32 {
      %mul3A_19 = arith.constant 8 : i32
      %mul3A_20 = arith.muli %scan3A_18, %mul3A_19 : i32
      %add3A_21 = arith.constant 0 : i32
      %add3A_22 = arith.addi %mul3A_20, %add3A_21 : i32
      %dma_start3A = arith.constant 0 : i32
      %dma_start3A_23 = tpu.memref_slice %arg6[%add3A_22, %dma_start3A] : memref<80x128xi32, #tpu.memory_space<vmem>> -> memref<1x128xi32, #tpu.memory_space<vmem>>
      %dma_start3A_24 = tpu.memref_squeeze %dma_start3A_23 : memref<1x128xi32, #tpu.memory_space<vmem>> -> memref<128xi32, #tpu.memory_space<vmem>>
      %dma_start3A_25 = arith.constant 0 : i32
      %dma_start3A_26 = tpu.memref_slice %arg9[%dma_start3A_25] : memref<10240xf32, #tpu.memory_space<vmem_shared>> -> memref<10240xf32, #tpu.memory_space<vmem_shared>>
      tpu.enqueue_indirect_dma source(%arg7 : memref<128xf32, #tpu.memory_space<vmem>>) target(%dma_start3A_26 : memref<10240xf32, #tpu.memory_space<vmem_shared>>) offsets(%dma_start3A_24 : memref<128xi32, #tpu.memory_space<vmem>>) semaphore(%arg10 : memref<!tpu.dma_semaphore, #tpu.memory_space<semaphore_mem>>) {add = true}
      %add3A_27 = arith.constant 1 : i32
      %add3A_28 = arith.addi %mul3A_20, %add3A_27 : i32
      %dma_start3A_29 = arith.constant 0 : i32
      %dma_start3A_30 = tpu.memref_slice %arg6[%add3A_28, %dma_start3A_29] : memref<80x128xi32, #tpu.memory_space<vmem>> -> memref<1x128xi32, #tpu.memory_space<vmem>>
      %dma_start3A_31 = tpu.memref_squeeze %dma_start3A_30 : memref<1x128xi32, #tpu.memory_space<vmem>> -> memref<128xi32, #tpu.memory_space<vmem>>
      %dma_start3A_32 = arith.constant 0 : i32
      %dma_start3A_33 = tpu.memref_slice %arg9[%dma_start3A_32] : memref<10240xf32, #tpu.memory_space<vmem_shared>> -> memref<10240xf32, #tpu.memory_space<vmem_shared>>
      tpu.enqueue_indirect_dma source(%arg7 : memref<128xf32, #tpu.memory_space<vmem>>) target(%dma_start3A_33 : memref<10240xf32, #tpu.memory_space<vmem_shared>>) offsets(%dma_start3A_31 : memref<128xi32, #tpu.memory_space<vmem>>) semaphore(%arg10 : memref<!tpu.dma_semaphore, #tpu.memory_space<semaphore_mem>>) {add = true}
      %add3A_34 = arith.constant 2 : i32
      %add3A_35 = arith.addi %mul3A_20, %add3A_34 : i32
      %dma_start3A_36 = arith.constant 0 : i32
      %dma_start3A_37 = tpu.memref_slice %arg6[%add3A_35, %dma_start3A_36] : memref<80x128xi32, #tpu.memory_space<vmem>> -> memref<1x128xi32, #tpu.memory_space<vmem>>
      %dma_start3A_38 = tpu.memref_squeeze %dma_start3A_37 : memref<1x128xi32, #tpu.memory_space<vmem>> -> memref<128xi32, #tpu.memory_space<vmem>>
      %dma_start3A_39 = arith.constant 0 : i32
      %dma_start3A_40 = tpu.memref_slice %arg9[%dma_start3A_39] : memref<10240xf32, #tpu.memory_space<vmem_shared>> -> memref<10240xf32, #tpu.memory_space<vmem_shared>>
      tpu.enqueue_indirect_dma source(%arg7 : memref<128xf32, #tpu.memory_space<vmem>>) target(%dma_start3A_40 : memref<10240xf32, #tpu.memory_space<vmem_shared>>) offsets(%dma_start3A_38 : memref<128xi32, #tpu.memory_space<vmem>>) semaphore(%arg10 : memref<!tpu.dma_semaphore, #tpu.memory_space<semaphore_mem>>) {add = true}
      %add3A_41 = arith.constant 3 : i32
      %add3A_42 = arith.addi %mul3A_20, %add3A_41 : i32
      %dma_start3A_43 = arith.constant 0 : i32
      %dma_start3A_44 = tpu.memref_slice %arg6[%add3A_42, %dma_start3A_43] : memref<80x128xi32, #tpu.memory_space<vmem>> -> memref<1x128xi32, #tpu.memory_space<vmem>>
      %dma_start3A_45 = tpu.memref_squeeze %dma_start3A_44 : memref<1x128xi32, #tpu.memory_space<vmem>> -> memref<128xi32, #tpu.memory_space<vmem>>
      %dma_start3A_46 = arith.constant 0 : i32
      %dma_start3A_47 = tpu.memref_slice %arg9[%dma_start3A_46] : memref<10240xf32, #tpu.memory_space<vmem_shared>> -> memref<10240xf32, #tpu.memory_space<vmem_shared>>
      tpu.enqueue_indirect_dma source(%arg7 : memref<128xf32, #tpu.memory_space<vmem>>) target(%dma_start3A_47 : memref<10240xf32, #tpu.memory_space<vmem_shared>>) offsets(%dma_start3A_45 : memref<128xi32, #tpu.memory_space<vmem>>) semaphore(%arg10 : memref<!tpu.dma_semaphore, #tpu.memory_space<semaphore_mem>>) {add = true}
      %add3A_48 = arith.constant 4 : i32
      %add3A_49 = arith.addi %mul3A_20, %add3A_48 : i32
      %dma_start3A_50 = arith.constant 0 : i32
      %dma_start3A_51 = tpu.memref_slice %arg6[%add3A_49, %dma_start3A_50] : memref<80x128xi32, #tpu.memory_space<vmem>> -> memref<1x128xi32, #tpu.memory_space<vmem>>
      %dma_start3A_52 = tpu.memref_squeeze %dma_start3A_51 : memref<1x128xi32, #tpu.memory_space<vmem>> -> memref<128xi32, #tpu.memory_space<vmem>>
      %dma_start3A_53 = arith.constant 0 : i32
      %dma_start3A_54 = tpu.memref_slice %arg9[%dma_start3A_53] : memref<10240xf32, #tpu.memory_space<vmem_shared>> -> memref<10240xf32, #tpu.memory_space<vmem_shared>>
      tpu.enqueue_indirect_dma source(%arg7 : memref<128xf32, #tpu.memory_space<vmem>>) target(%dma_start3A_54 : memref<10240xf32, #tpu.memory_space<vmem_shared>>) offsets(%dma_start3A_52 : memref<128xi32, #tpu.memory_space<vmem>>) semaphore(%arg10 : memref<!tpu.dma_semaphore, #tpu.memory_space<semaphore_mem>>) {add = true}
      %add3A_55 = arith.constant 5 : i32
      %add3A_56 = arith.addi %mul3A_20, %add3A_55 : i32
      %dma_start3A_57 = arith.constant 0 : i32
      %dma_start3A_58 = tpu.memref_slice %arg6[%add3A_56, %dma_start3A_57] : memref<80x128xi32, #tpu.memory_space<vmem>> -> memref<1x128xi32, #tpu.memory_space<vmem>>
      %dma_start3A_59 = tpu.memref_squeeze %dma_start3A_58 : memref<1x128xi32, #tpu.memory_space<vmem>> -> memref<128xi32, #tpu.memory_space<vmem>>
      %dma_start3A_60 = arith.constant 0 : i32
      %dma_start3A_61 = tpu.memref_slice %arg9[%dma_start3A_60] : memref<10240xf32, #tpu.memory_space<vmem_shared>> -> memref<10240xf32, #tpu.memory_space<vmem_shared>>
      tpu.enqueue_indirect_dma source(%arg7 : memref<128xf32, #tpu.memory_space<vmem>>) target(%dma_start3A_61 : memref<10240xf32, #tpu.memory_space<vmem_shared>>) offsets(%dma_start3A_59 : memref<128xi32, #tpu.memory_space<vmem>>) semaphore(%arg10 : memref<!tpu.dma_semaphore, #tpu.memory_space<semaphore_mem>>) {add = true}
      %add3A_62 = arith.constant 6 : i32
      %add3A_63 = arith.addi %mul3A_20, %add3A_62 : i32
      %dma_start3A_64 = arith.constant 0 : i32
      %dma_start3A_65 = tpu.memref_slice %arg6[%add3A_63, %dma_start3A_64] : memref<80x128xi32, #tpu.memory_space<vmem>> -> memref<1x128xi32, #tpu.memory_space<vmem>>
      %dma_start3A_66 = tpu.memref_squeeze %dma_start3A_65 : memref<1x128xi32, #tpu.memory_space<vmem>> -> memref<128xi32, #tpu.memory_space<vmem>>
      %dma_start3A_67 = arith.constant 0 : i32
      %dma_start3A_68 = tpu.memref_slice %arg9[%dma_start3A_67] : memref<10240xf32, #tpu.memory_space<vmem_shared>> -> memref<10240xf32, #tpu.memory_space<vmem_shared>>
      tpu.enqueue_indirect_dma source(%arg7 : memref<128xf32, #tpu.memory_space<vmem>>) target(%dma_start3A_68 : memref<10240xf32, #tpu.memory_space<vmem_shared>>) offsets(%dma_start3A_66 : memref<128xi32, #tpu.memory_space<vmem>>) semaphore(%arg10 : memref<!tpu.dma_semaphore, #tpu.memory_space<semaphore_mem>>) {add = true}
      %add3A_69 = arith.constant 7 : i32
      %add3A_70 = arith.addi %mul3A_20, %add3A_69 : i32
      %dma_start3A_71 = arith.constant 0 : i32
      %dma_start3A_72 = tpu.memref_slice %arg6[%add3A_70, %dma_start3A_71] : memref<80x128xi32, #tpu.memory_space<vmem>> -> memref<1x128xi32, #tpu.memory_space<vmem>>
      %dma_start3A_73 = tpu.memref_squeeze %dma_start3A_72 : memref<1x128xi32, #tpu.memory_space<vmem>> -> memref<128xi32, #tpu.memory_space<vmem>>
      %dma_start3A_74 = arith.constant 0 : i32
      %dma_start3A_75 = tpu.memref_slice %arg9[%dma_start3A_74] : memref<10240xf32, #tpu.memory_space<vmem_shared>> -> memref<10240xf32, #tpu.memory_space<vmem_shared>>
      tpu.enqueue_indirect_dma source(%arg7 : memref<128xf32, #tpu.memory_space<vmem>>) target(%dma_start3A_75 : memref<10240xf32, #tpu.memory_space<vmem_shared>>) offsets(%dma_start3A_73 : memref<128xi32, #tpu.memory_space<vmem>>) semaphore(%arg10 : memref<!tpu.dma_semaphore, #tpu.memory_space<semaphore_mem>>) {add = true}
      %dma_wait3A = arith.constant 0 : i32
      %dma_wait3A_76 = tpu.memref_slice %arg6[%add3A_22, %dma_wait3A] : memref<80x128xi32, #tpu.memory_space<vmem>> -> memref<1x128xi32, #tpu.memory_space<vmem>>
      %dma_wait3A_77 = tpu.memref_squeeze %dma_wait3A_76 : memref<1x128xi32, #tpu.memory_space<vmem>> -> memref<128xi32, #tpu.memory_space<vmem>>
      %dma_wait3A_78 = arith.constant 0 : i32
      %dma_wait3A_79 = tpu.memref_slice %arg9[%dma_wait3A_78] : memref<10240xf32, #tpu.memory_space<vmem_shared>> -> memref<10240xf32, #tpu.memory_space<vmem_shared>>
      tpu.wait_indirect_dma semaphore(%arg10 : memref<!tpu.dma_semaphore, #tpu.memory_space<semaphore_mem>>) src(%arg7 : memref<128xf32, #tpu.memory_space<vmem>>) dst(%dma_wait3A_79 : memref<10240xf32, #tpu.memory_space<vmem_shared>>)
      %dma_wait3A_80 = arith.constant 0 : i32
      %dma_wait3A_81 = tpu.memref_slice %arg6[%add3A_28, %dma_wait3A_80] : memref<80x128xi32, #tpu.memory_space<vmem>> -> memref<1x128xi32, #tpu.memory_space<vmem>>
      %dma_wait3A_82 = tpu.memref_squeeze %dma_wait3A_81 : memref<1x128xi32, #tpu.memory_space<vmem>> -> memref<128xi32, #tpu.memory_space<vmem>>
      %dma_wait3A_83 = arith.constant 0 : i32
      %dma_wait3A_84 = tpu.memref_slice %arg9[%dma_wait3A_83] : memref<10240xf32, #tpu.memory_space<vmem_shared>> -> memref<10240xf32, #tpu.memory_space<vmem_shared>>
      tpu.wait_indirect_dma semaphore(%arg10 : memref<!tpu.dma_semaphore, #tpu.memory_space<semaphore_mem>>) src(%arg7 : memref<128xf32, #tpu.memory_space<vmem>>) dst(%dma_wait3A_84 : memref<10240xf32, #tpu.memory_space<vmem_shared>>)
      %dma_wait3A_85 = arith.constant 0 : i32
      %dma_wait3A_86 = tpu.memref_slice %arg6[%add3A_35, %dma_wait3A_85] : memref<80x128xi32, #tpu.memory_space<vmem>> -> memref<1x128xi32, #tpu.memory_space<vmem>>
      %dma_wait3A_87 = tpu.memref_squeeze %dma_wait3A_86 : memref<1x128xi32, #tpu.memory_space<vmem>> -> memref<128xi32, #tpu.memory_space<vmem>>
      %dma_wait3A_88 = arith.constant 0 : i32
      %dma_wait3A_89 = tpu.memref_slice %arg9[%dma_wait3A_88] : memref<10240xf32, #tpu.memory_space<vmem_shared>> -> memref<10240xf32, #tpu.memory_space<vmem_shared>>
      tpu.wait_indirect_dma semaphore(%arg10 : memref<!tpu.dma_semaphore, #tpu.memory_space<semaphore_mem>>) src(%arg7 : memref<128xf32, #tpu.memory_space<vmem>>) dst(%dma_wait3A_89 : memref<10240xf32, #tpu.memory_space<vmem_shared>>)
      %dma_wait3A_90 = arith.constant 0 : i32
      %dma_wait3A_91 = tpu.memref_slice %arg6[%add3A_42, %dma_wait3A_90] : memref<80x128xi32, #tpu.memory_space<vmem>> -> memref<1x128xi32, #tpu.memory_space<vmem>>
      %dma_wait3A_92 = tpu.memref_squeeze %dma_wait3A_91 : memref<1x128xi32, #tpu.memory_space<vmem>> -> memref<128xi32, #tpu.memory_space<vmem>>
      %dma_wait3A_93 = arith.constant 0 : i32
      %dma_wait3A_94 = tpu.memref_slice %arg9[%dma_wait3A_93] : memref<10240xf32, #tpu.memory_space<vmem_shared>> -> memref<10240xf32, #tpu.memory_space<vmem_shared>>
      tpu.wait_indirect_dma semaphore(%arg10 : memref<!tpu.dma_semaphore, #tpu.memory_space<semaphore_mem>>) src(%arg7 : memref<128xf32, #tpu.memory_space<vmem>>) dst(%dma_wait3A_94 : memref<10240xf32, #tpu.memory_space<vmem_shared>>)
      %dma_wait3A_95 = arith.constant 0 : i32
      %dma_wait3A_96 = tpu.memref_slice %arg6[%add3A_49, %dma_wait3A_95] : memref<80x128xi32, #tpu.memory_space<vmem>> -> memref<1x128xi32, #tpu.memory_space<vmem>>
      %dma_wait3A_97 = tpu.memref_squeeze %dma_wait3A_96 : memref<1x128xi32, #tpu.memory_space<vmem>> -> memref<128xi32, #tpu.memory_space<vmem>>
      %dma_wait3A_98 = arith.constant 0 : i32
      %dma_wait3A_99 = tpu.memref_slice %arg9[%dma_wait3A_98] : memref<10240xf32, #tpu.memory_space<vmem_shared>> -> memref<10240xf32, #tpu.memory_space<vmem_shared>>
      tpu.wait_indirect_dma semaphore(%arg10 : memref<!tpu.dma_semaphore, #tpu.memory_space<semaphore_mem>>) src(%arg7 : memref<128xf32, #tpu.memory_space<vmem>>) dst(%dma_wait3A_99 : memref<10240xf32, #tpu.memory_space<vmem_shared>>)
      %dma_wait3A_100 = arith.constant 0 : i32
      %dma_wait3A_101 = tpu.memref_slice %arg6[%add3A_56, %dma_wait3A_100] : memref<80x128xi32, #tpu.memory_space<vmem>> -> memref<1x128xi32, #tpu.memory_space<vmem>>
      %dma_wait3A_102 = tpu.memref_squeeze %dma_wait3A_101 : memref<1x128xi32, #tpu.memory_space<vmem>> -> memref<128xi32, #tpu.memory_space<vmem>>
      %dma_wait3A_103 = arith.constant 0 : i32
      %dma_wait3A_104 = tpu.memref_slice %arg9[%dma_wait3A_103] : memref<10240xf32, #tpu.memory_space<vmem_shared>> -> memref<10240xf32, #tpu.memory_space<vmem_shared>>
      tpu.wait_indirect_dma semaphore(%arg10 : memref<!tpu.dma_semaphore, #tpu.memory_space<semaphore_mem>>) src(%arg7 : memref<128xf32, #tpu.memory_space<vmem>>) dst(%dma_wait3A_104 : memref<10240xf32, #tpu.memory_space<vmem_shared>>)
      %dma_wait3A_105 = arith.constant 0 : i32
      %dma_wait3A_106 = tpu.memref_slice %arg6[%add3A_63, %dma_wait3A_105] : memref<80x128xi32, #tpu.memory_space<vmem>> -> memref<1x128xi32, #tpu.memory_space<vmem>>
      %dma_wait3A_107 = tpu.memref_squeeze %dma_wait3A_106 : memref<1x128xi32, #tpu.memory_space<vmem>> -> memref<128xi32, #tpu.memory_space<vmem>>
      %dma_wait3A_108 = arith.constant 0 : i32
      %dma_wait3A_109 = tpu.memref_slice %arg9[%dma_wait3A_108] : memref<10240xf32, #tpu.memory_space<vmem_shared>> -> memref<10240xf32, #tpu.memory_space<vmem_shared>>
      tpu.wait_indirect_dma semaphore(%arg10 : memref<!tpu.dma_semaphore, #tpu.memory_space<semaphore_mem>>) src(%arg7 : memref<128xf32, #tpu.memory_space<vmem>>) dst(%dma_wait3A_109 : memref<10240xf32, #tpu.memory_space<vmem_shared>>)
      %dma_wait3A_110 = arith.constant 0 : i32
      %dma_wait3A_111 = tpu.memref_slice %arg6[%add3A_70, %dma_wait3A_110] : memref<80x128xi32, #tpu.memory_space<vmem>> -> memref<1x128xi32, #tpu.memory_space<vmem>>
      %dma_wait3A_112 = tpu.memref_squeeze %dma_wait3A_111 : memref<1x128xi32, #tpu.memory_space<vmem>> -> memref<128xi32, #tpu.memory_space<vmem>>
      %dma_wait3A_113 = arith.constant 0 : i32
      %dma_wait3A_114 = tpu.memref_slice %arg9[%dma_wait3A_113] : memref<10240xf32, #tpu.memory_space<vmem_shared>> -> memref<10240xf32, #tpu.memory_space<vmem_shared>>
      tpu.wait_indirect_dma semaphore(%arg10 : memref<!tpu.dma_semaphore, #tpu.memory_space<semaphore_mem>>) src(%arg7 : memref<128xf32, #tpu.memory_space<vmem>>) dst(%dma_wait3A_114 : memref<10240xf32, #tpu.memory_space<vmem_shared>>)
    }
    %scan3A_9 = arith.constant 10 : i32
    %barrier3A_10 = arith.constant 0 : index
    tpu.barrier barrier_id(%barrier3A_10)
    %mul3A_11 = arith.constant 640 : i32
    %mul3A_12 = arith.muli %arg1, %mul3A_11 : i32
    "tpu.region"() ({
      %run_scoped3A = tpu.sem_alloc : memref<!tpu.dma_semaphore, #tpu.memory_space<semaphore_mem>>
      %dma_start3A = tpu.memref_slice %arg9[%mul3A_12] : memref<10240xf32, #tpu.memory_space<vmem_shared>> -> memref<640xf32, #tpu.memory_space<vmem_shared>>
      %dma_start3A_18 = tpu.memref_slice %arg9[%mul3A_12] : memref<10240xf32, #tpu.memory_space<vmem_shared>> -> memref<640xf32, #tpu.memory_space<vmem_shared>>
      tpu.enqueue_dma source(%dma_start3A_18 : memref<640xf32, #tpu.memory_space<vmem_shared>>) target(%arg8 : memref<640xf32, #tpu.memory_space<vmem>>) target_semaphore(%run_scoped3A : memref<!tpu.dma_semaphore, #tpu.memory_space<semaphore_mem>>)
      %dma_wait3A = tpu.memref_slice %arg9[%mul3A_12] : memref<10240xf32, #tpu.memory_space<vmem_shared>> -> memref<640xf32, #tpu.memory_space<vmem_shared>>
      %dma_wait3A_19 = tpu.memref_slice %arg9[%mul3A_12] : memref<10240xf32, #tpu.memory_space<vmem_shared>> -> memref<640xf32, #tpu.memory_space<vmem_shared>>
      tpu.wait_dma2 semaphore(%run_scoped3A : memref<!tpu.dma_semaphore, #tpu.memory_space<semaphore_mem>>) src(%dma_wait3A_19 : memref<640xf32, #tpu.memory_space<vmem_shared>>) dst(%arg8 : memref<640xf32, #tpu.memory_space<vmem>>)
      tpu.yield
    }) : () -> ()
    %mul3A_13 = arith.constant 10240 : i32
    %mul3A_14 = arith.muli %arg0, %mul3A_13 : i32
    %mul3A_15 = arith.constant 640 : i32
    %mul3A_16 = arith.muli %arg1, %mul3A_15 : i32
    %add3A_17 = arith.addi %mul3A_14, %mul3A_16 : i32
    "tpu.region"() ({
      %run_scoped3A = tpu.sem_alloc : memref<!tpu.dma_semaphore, #tpu.memory_space<semaphore_mem>>
      %dma_start3A = tpu.memref_slice %arg5[%add3A_17] : memref<20480xf32, #tpu.memory_space<hbm>> -> memref<640xf32, #tpu.memory_space<hbm>>
      %dma_start3A_18 = tpu.memref_slice %arg5[%add3A_17] : memref<20480xf32, #tpu.memory_space<hbm>> -> memref<640xf32, #tpu.memory_space<hbm>>
      tpu.enqueue_dma source(%arg8 : memref<640xf32, #tpu.memory_space<vmem>>) target(%dma_start3A_18 : memref<640xf32, #tpu.memory_space<hbm>>) target_semaphore(%run_scoped3A : memref<!tpu.dma_semaphore, #tpu.memory_space<semaphore_mem>>)
      %dma_wait3A = tpu.memref_slice %arg5[%add3A_17] : memref<20480xf32, #tpu.memory_space<hbm>> -> memref<640xf32, #tpu.memory_space<hbm>>
      %dma_wait3A_19 = tpu.memref_slice %arg5[%add3A_17] : memref<20480xf32, #tpu.memory_space<hbm>> -> memref<640xf32, #tpu.memory_space<hbm>>
      tpu.wait_dma2 semaphore(%run_scoped3A : memref<!tpu.dma_semaphore, #tpu.memory_space<semaphore_mem>>) src(%arg8 : memref<640xf32, #tpu.memory_space<vmem>>) dst(%dma_wait3A_19 : memref<640xf32, #tpu.memory_space<hbm>>)
      tpu.yield
    }) : () -> ()
    return
  }
}

#map = affine_map<(d0, d1) -> (0, 0)>
module attributes {stable_mosaic.version = 14 : i64} {
  func.func @_sc_agg1(%arg0: i32, %arg1: i32, %arg2: memref<10240x16xf32, #tpu.memory_space<hbm>>, %arg3: memref<2560x128xi32, #tpu.memory_space<hbm>>, %arg4: memref<2560x128xi32, #tpu.memory_space<hbm>>, %arg5: memref<128x16xf32, #tpu.memory_space<hbm>>, %arg6: memref<20480x16xf32, #tpu.memory_space<hbm>>, %arg7: memref<80x128xi32, #tpu.memory_space<vmem>>, %arg8: memref<80x128xi32, #tpu.memory_space<vmem>>, %arg9: memref<8x128x16xf32, #tpu.memory_space<vmem>>, %arg10: memref<128x16xf32, #tpu.memory_space<vmem>>, %arg11: memref<10240x16xf32, #tpu.memory_space<vmem_shared>>, %arg12: memref<10240x16xf32, #tpu.memory_space<vmem_shared>>, %arg13: memref<!tpu.dma_semaphore, #tpu.memory_space<semaphore_mem>>, %arg14: memref<!tpu.dma_semaphore, #tpu.memory_space<semaphore_mem>>) attributes {dimension_semantics = [#tpu.dimension_semantics<core_parallel>, #tpu.dimension_semantics<subcore_parallel>], iteration_bounds = array<i64: 2, 16>, scalar_prefetch = 0 : i64, scratch_operands = 8 : i64, tpu.core_type = #tpu.core_type<sc_vector_subcore>, window_params = [{transform_indices = #map}, {transform_indices = #map}, {transform_indices = #map}, {transform_indices = #map}, {transform_indices = #map}]} {
    %mul3A = arith.constant 16 : i32
    %mul3A_0 = arith.muli %arg0, %mul3A : i32
    %add3A = arith.addi %mul3A_0, %arg1 : i32
    "tpu.region"() ({
      %run_scoped3A = tpu.sem_alloc : memref<!tpu.dma_semaphore, #tpu.memory_space<semaphore_mem>>
      tpu.enqueue_dma source(%arg5 : memref<128x16xf32, #tpu.memory_space<hbm>>) target(%arg10 : memref<128x16xf32, #tpu.memory_space<vmem>>) target_semaphore(%run_scoped3A : memref<!tpu.dma_semaphore, #tpu.memory_space<semaphore_mem>>)
      tpu.wait_dma2 semaphore(%run_scoped3A : memref<!tpu.dma_semaphore, #tpu.memory_space<semaphore_mem>>) src(%arg5 : memref<128x16xf32, #tpu.memory_space<hbm>>) dst(%arg10 : memref<128x16xf32, #tpu.memory_space<vmem>>)
      tpu.yield
    }) : () -> ()
    %scan3A = arith.constant 0 : i32
    %scan3A_1 = arith.constant 0 : i32
    %scan3A_2 = arith.constant 5 : i32
    %scan3A_3 = arith.addi %scan3A_1, %scan3A_2 : i32
    %scan3A_4 = arith.constant 1 : i32
    scf.for %scan3A_29 = %scan3A_1 to %scan3A_3 step %scan3A_4  : i32 {
      %mul3A_30 = arith.constant 640 : i32
      %mul3A_31 = arith.muli %arg1, %mul3A_30 : i32
      %mul3A_32 = arith.constant 128 : i32
      %mul3A_33 = arith.muli %scan3A_29, %mul3A_32 : i32
      %add3A_34 = arith.addi %mul3A_31, %mul3A_33 : i32
      "tpu.region"() ({
        %run_scoped3A = tpu.sem_alloc : memref<!tpu.dma_semaphore, #tpu.memory_space<semaphore_mem>>
        %dma_start3A = arith.constant 0 : i32
        %dma_start3A_35 = tpu.memref_slice %arg12[%add3A_34, %dma_start3A] : memref<10240x16xf32, #tpu.memory_space<vmem_shared>> -> memref<128x16xf32, #tpu.memory_space<vmem_shared>>
        %dma_start3A_36 = arith.constant 0 : i32
        %dma_start3A_37 = tpu.memref_slice %arg12[%add3A_34, %dma_start3A_36] : memref<10240x16xf32, #tpu.memory_space<vmem_shared>> -> memref<128x16xf32, #tpu.memory_space<vmem_shared>>
        tpu.enqueue_dma source(%arg10 : memref<128x16xf32, #tpu.memory_space<vmem>>) target(%dma_start3A_37 : memref<128x16xf32, #tpu.memory_space<vmem_shared>>) target_semaphore(%run_scoped3A : memref<!tpu.dma_semaphore, #tpu.memory_space<semaphore_mem>>)
        %dma_wait3A = arith.constant 0 : i32
        %dma_wait3A_38 = tpu.memref_slice %arg12[%add3A_34, %dma_wait3A] : memref<10240x16xf32, #tpu.memory_space<vmem_shared>> -> memref<128x16xf32, #tpu.memory_space<vmem_shared>>
        %dma_wait3A_39 = arith.constant 0 : i32
        %dma_wait3A_40 = tpu.memref_slice %arg12[%add3A_34, %dma_wait3A_39] : memref<10240x16xf32, #tpu.memory_space<vmem_shared>> -> memref<128x16xf32, #tpu.memory_space<vmem_shared>>
        tpu.wait_dma2 semaphore(%run_scoped3A : memref<!tpu.dma_semaphore, #tpu.memory_space<semaphore_mem>>) src(%arg10 : memref<128x16xf32, #tpu.memory_space<vmem>>) dst(%dma_wait3A_40 : memref<128x16xf32, #tpu.memory_space<vmem_shared>>)
        tpu.yield
      }) : () -> ()
    }
    %scan3A_5 = arith.constant 5 : i32
    %scan3A_6 = arith.constant 0 : i32
    %scan3A_7 = arith.constant 0 : i32
    %scan3A_8 = arith.constant 5 : i32
    %scan3A_9 = arith.addi %scan3A_7, %scan3A_8 : i32
    %scan3A_10 = arith.constant 1 : i32
    scf.for %scan3A_29 = %scan3A_7 to %scan3A_9 step %scan3A_10  : i32 {
      %mul3A_30 = arith.constant 640 : i32
      %mul3A_31 = arith.muli %arg1, %mul3A_30 : i32
      %mul3A_32 = arith.constant 128 : i32
      %mul3A_33 = arith.muli %scan3A_29, %mul3A_32 : i32
      %add3A_34 = arith.addi %mul3A_31, %mul3A_33 : i32
      "tpu.region"() ({
        %run_scoped3A = tpu.sem_alloc : memref<!tpu.dma_semaphore, #tpu.memory_space<semaphore_mem>>
        %dma_start3A = arith.constant 0 : i32
        %dma_start3A_35 = tpu.memref_slice %arg2[%add3A_34, %dma_start3A] : memref<10240x16xf32, #tpu.memory_space<hbm>> -> memref<128x16xf32, #tpu.memory_space<hbm>>
        %dma_start3A_36 = arith.constant 0 : i32
        %dma_start3A_37 = tpu.memref_slice %arg2[%add3A_34, %dma_start3A_36] : memref<10240x16xf32, #tpu.memory_space<hbm>> -> memref<128x16xf32, #tpu.memory_space<hbm>>
        tpu.enqueue_dma source(%dma_start3A_37 : memref<128x16xf32, #tpu.memory_space<hbm>>) target(%arg10 : memref<128x16xf32, #tpu.memory_space<vmem>>) target_semaphore(%run_scoped3A : memref<!tpu.dma_semaphore, #tpu.memory_space<semaphore_mem>>)
        %dma_wait3A = arith.constant 0 : i32
        %dma_wait3A_38 = tpu.memref_slice %arg2[%add3A_34, %dma_wait3A] : memref<10240x16xf32, #tpu.memory_space<hbm>> -> memref<128x16xf32, #tpu.memory_space<hbm>>
        %dma_wait3A_39 = arith.constant 0 : i32
        %dma_wait3A_40 = tpu.memref_slice %arg2[%add3A_34, %dma_wait3A_39] : memref<10240x16xf32, #tpu.memory_space<hbm>> -> memref<128x16xf32, #tpu.memory_space<hbm>>
        tpu.wait_dma2 semaphore(%run_scoped3A : memref<!tpu.dma_semaphore, #tpu.memory_space<semaphore_mem>>) src(%dma_wait3A_40 : memref<128x16xf32, #tpu.memory_space<hbm>>) dst(%arg10 : memref<128x16xf32, #tpu.memory_space<vmem>>)
        tpu.yield
      }) : () -> ()
      "tpu.region"() ({
        %run_scoped3A = tpu.sem_alloc : memref<!tpu.dma_semaphore, #tpu.memory_space<semaphore_mem>>
        %dma_start3A = arith.constant 0 : i32
        %dma_start3A_35 = tpu.memref_slice %arg11[%add3A_34, %dma_start3A] : memref<10240x16xf32, #tpu.memory_space<vmem_shared>> -> memref<128x16xf32, #tpu.memory_space<vmem_shared>>
        %dma_start3A_36 = arith.constant 0 : i32
        %dma_start3A_37 = tpu.memref_slice %arg11[%add3A_34, %dma_start3A_36] : memref<10240x16xf32, #tpu.memory_space<vmem_shared>> -> memref<128x16xf32, #tpu.memory_space<vmem_shared>>
        tpu.enqueue_dma source(%arg10 : memref<128x16xf32, #tpu.memory_space<vmem>>) target(%dma_start3A_37 : memref<128x16xf32, #tpu.memory_space<vmem_shared>>) target_semaphore(%run_scoped3A : memref<!tpu.dma_semaphore, #tpu.memory_space<semaphore_mem>>)
        %dma_wait3A = arith.constant 0 : i32
        %dma_wait3A_38 = tpu.memref_slice %arg11[%add3A_34, %dma_wait3A] : memref<10240x16xf32, #tpu.memory_space<vmem_shared>> -> memref<128x16xf32, #tpu.memory_space<vmem_shared>>
        %dma_wait3A_39 = arith.constant 0 : i32
        %dma_wait3A_40 = tpu.memref_slice %arg11[%add3A_34, %dma_wait3A_39] : memref<10240x16xf32, #tpu.memory_space<vmem_shared>> -> memref<128x16xf32, #tpu.memory_space<vmem_shared>>
        tpu.wait_dma2 semaphore(%run_scoped3A : memref<!tpu.dma_semaphore, #tpu.memory_space<semaphore_mem>>) src(%arg10 : memref<128x16xf32, #tpu.memory_space<vmem>>) dst(%dma_wait3A_40 : memref<128x16xf32, #tpu.memory_space<vmem_shared>>)
        tpu.yield
      }) : () -> ()
    }
    %scan3A_11 = arith.constant 5 : i32
    %mul3A_12 = arith.constant 80 : i32
    %mul3A_13 = arith.muli %add3A, %mul3A_12 : i32
    "tpu.region"() ({
      %run_scoped3A = tpu.sem_alloc : memref<!tpu.dma_semaphore, #tpu.memory_space<semaphore_mem>>
      %dma_start3A = arith.constant 0 : i32
      %dma_start3A_29 = tpu.memref_slice %arg3[%mul3A_13, %dma_start3A] : memref<2560x128xi32, #tpu.memory_space<hbm>> -> memref<80x128xi32, #tpu.memory_space<hbm>>
      %dma_start3A_30 = arith.constant 0 : i32
      %dma_start3A_31 = tpu.memref_slice %arg3[%mul3A_13, %dma_start3A_30] : memref<2560x128xi32, #tpu.memory_space<hbm>> -> memref<80x128xi32, #tpu.memory_space<hbm>>
      tpu.enqueue_dma source(%dma_start3A_31 : memref<80x128xi32, #tpu.memory_space<hbm>>) target(%arg7 : memref<80x128xi32, #tpu.memory_space<vmem>>) target_semaphore(%run_scoped3A : memref<!tpu.dma_semaphore, #tpu.memory_space<semaphore_mem>>)
      %dma_wait3A = arith.constant 0 : i32
      %dma_wait3A_32 = tpu.memref_slice %arg3[%mul3A_13, %dma_wait3A] : memref<2560x128xi32, #tpu.memory_space<hbm>> -> memref<80x128xi32, #tpu.memory_space<hbm>>
      %dma_wait3A_33 = arith.constant 0 : i32
      %dma_wait3A_34 = tpu.memref_slice %arg3[%mul3A_13, %dma_wait3A_33] : memref<2560x128xi32, #tpu.memory_space<hbm>> -> memref<80x128xi32, #tpu.memory_space<hbm>>
      tpu.wait_dma2 semaphore(%run_scoped3A : memref<!tpu.dma_semaphore, #tpu.memory_space<semaphore_mem>>) src(%dma_wait3A_34 : memref<80x128xi32, #tpu.memory_space<hbm>>) dst(%arg7 : memref<80x128xi32, #tpu.memory_space<vmem>>)
      tpu.yield
    }) : () -> ()
    %mul3A_14 = arith.constant 80 : i32
    %mul3A_15 = arith.muli %add3A, %mul3A_14 : i32
    "tpu.region"() ({
      %run_scoped3A = tpu.sem_alloc : memref<!tpu.dma_semaphore, #tpu.memory_space<semaphore_mem>>
      %dma_start3A = arith.constant 0 : i32
      %dma_start3A_29 = tpu.memref_slice %arg4[%mul3A_15, %dma_start3A] : memref<2560x128xi32, #tpu.memory_space<hbm>> -> memref<80x128xi32, #tpu.memory_space<hbm>>
      %dma_start3A_30 = arith.constant 0 : i32
      %dma_start3A_31 = tpu.memref_slice %arg4[%mul3A_15, %dma_start3A_30] : memref<2560x128xi32, #tpu.memory_space<hbm>> -> memref<80x128xi32, #tpu.memory_space<hbm>>
      tpu.enqueue_dma source(%dma_start3A_31 : memref<80x128xi32, #tpu.memory_space<hbm>>) target(%arg8 : memref<80x128xi32, #tpu.memory_space<vmem>>) target_semaphore(%run_scoped3A : memref<!tpu.dma_semaphore, #tpu.memory_space<semaphore_mem>>)
      %dma_wait3A = arith.constant 0 : i32
      %dma_wait3A_32 = tpu.memref_slice %arg4[%mul3A_15, %dma_wait3A] : memref<2560x128xi32, #tpu.memory_space<hbm>> -> memref<80x128xi32, #tpu.memory_space<hbm>>
      %dma_wait3A_33 = arith.constant 0 : i32
      %dma_wait3A_34 = tpu.memref_slice %arg4[%mul3A_15, %dma_wait3A_33] : memref<2560x128xi32, #tpu.memory_space<hbm>> -> memref<80x128xi32, #tpu.memory_space<hbm>>
      tpu.wait_dma2 semaphore(%run_scoped3A : memref<!tpu.dma_semaphore, #tpu.memory_space<semaphore_mem>>) src(%dma_wait3A_34 : memref<80x128xi32, #tpu.memory_space<hbm>>) dst(%arg8 : memref<80x128xi32, #tpu.memory_space<vmem>>)
      tpu.yield
    }) : () -> ()
    %barrier3A = arith.constant 0 : index
    tpu.barrier barrier_id(%barrier3A)
    %scan3A_16 = arith.constant 0 : i32
    %scan3A_17 = arith.constant 0 : i32
    %scan3A_18 = arith.constant 10 : i32
    %scan3A_19 = arith.addi %scan3A_17, %scan3A_18 : i32
    %scan3A_20 = arith.constant 1 : i32
    scf.for %scan3A_29 = %scan3A_17 to %scan3A_19 step %scan3A_20  : i32 {
      %mul3A_30 = arith.constant 8 : i32
      %mul3A_31 = arith.muli %scan3A_29, %mul3A_30 : i32
      %add3A_32 = arith.constant 0 : i32
      %add3A_33 = arith.addi %mul3A_31, %add3A_32 : i32
      %dma_start3A = arith.constant 0 : i32
      %dma_start3A_34 = arith.constant 0 : i32
      %dma_start3A_35 = arith.constant 0 : i32
      %dma_start3A_36 = tpu.memref_slice %arg9[%dma_start3A, %dma_start3A_34, %dma_start3A_35] : memref<8x128x16xf32, #tpu.memory_space<vmem>> -> memref<1x128x16xf32, #tpu.memory_space<vmem>>
      %dma_start3A_37 = tpu.memref_squeeze %dma_start3A_36 : memref<1x128x16xf32, #tpu.memory_space<vmem>> -> memref<128x16xf32, #tpu.memory_space<vmem>>
      %dma_start3A_38 = arith.constant 0 : i32
      %dma_start3A_39 = tpu.memref_slice %arg7[%add3A_33, %dma_start3A_38] : memref<80x128xi32, #tpu.memory_space<vmem>> -> memref<1x128xi32, #tpu.memory_space<vmem>>
      %dma_start3A_40 = tpu.memref_squeeze %dma_start3A_39 : memref<1x128xi32, #tpu.memory_space<vmem>> -> memref<128xi32, #tpu.memory_space<vmem>>
      %dma_start3A_41 = arith.constant 0 : i32
      %dma_start3A_42 = arith.constant 0 : i32
      %dma_start3A_43 = tpu.memref_slice %arg11[%dma_start3A_41, %dma_start3A_42] : memref<10240x16xf32, #tpu.memory_space<vmem_shared>> -> memref<10240x16xf32, #tpu.memory_space<vmem_shared>>
      tpu.enqueue_indirect_dma source(%dma_start3A_43 : memref<10240x16xf32, #tpu.memory_space<vmem_shared>>) target(%dma_start3A_37 : memref<128x16xf32, #tpu.memory_space<vmem>>) offsets(%dma_start3A_40 : memref<128xi32, #tpu.memory_space<vmem>>) semaphore(%arg13 : memref<!tpu.dma_semaphore, #tpu.memory_space<semaphore_mem>>)
      %add3A_44 = arith.constant 1 : i32
      %add3A_45 = arith.addi %mul3A_31, %add3A_44 : i32
      %dma_start3A_46 = arith.constant 1 : i32
      %dma_start3A_47 = arith.constant 0 : i32
      %dma_start3A_48 = arith.constant 0 : i32
      %dma_start3A_49 = tpu.memref_slice %arg9[%dma_start3A_46, %dma_start3A_47, %dma_start3A_48] : memref<8x128x16xf32, #tpu.memory_space<vmem>> -> memref<1x128x16xf32, #tpu.memory_space<vmem>>
      %dma_start3A_50 = tpu.memref_squeeze %dma_start3A_49 : memref<1x128x16xf32, #tpu.memory_space<vmem>> -> memref<128x16xf32, #tpu.memory_space<vmem>>
      %dma_start3A_51 = arith.constant 0 : i32
      %dma_start3A_52 = tpu.memref_slice %arg7[%add3A_45, %dma_start3A_51] : memref<80x128xi32, #tpu.memory_space<vmem>> -> memref<1x128xi32, #tpu.memory_space<vmem>>
      %dma_start3A_53 = tpu.memref_squeeze %dma_start3A_52 : memref<1x128xi32, #tpu.memory_space<vmem>> -> memref<128xi32, #tpu.memory_space<vmem>>
      %dma_start3A_54 = arith.constant 0 : i32
      %dma_start3A_55 = arith.constant 0 : i32
      %dma_start3A_56 = tpu.memref_slice %arg11[%dma_start3A_54, %dma_start3A_55] : memref<10240x16xf32, #tpu.memory_space<vmem_shared>> -> memref<10240x16xf32, #tpu.memory_space<vmem_shared>>
      tpu.enqueue_indirect_dma source(%dma_start3A_56 : memref<10240x16xf32, #tpu.memory_space<vmem_shared>>) target(%dma_start3A_50 : memref<128x16xf32, #tpu.memory_space<vmem>>) offsets(%dma_start3A_53 : memref<128xi32, #tpu.memory_space<vmem>>) semaphore(%arg13 : memref<!tpu.dma_semaphore, #tpu.memory_space<semaphore_mem>>)
      %add3A_57 = arith.constant 2 : i32
      %add3A_58 = arith.addi %mul3A_31, %add3A_57 : i32
      %dma_start3A_59 = arith.constant 2 : i32
      %dma_start3A_60 = arith.constant 0 : i32
      %dma_start3A_61 = arith.constant 0 : i32
      %dma_start3A_62 = tpu.memref_slice %arg9[%dma_start3A_59, %dma_start3A_60, %dma_start3A_61] : memref<8x128x16xf32, #tpu.memory_space<vmem>> -> memref<1x128x16xf32, #tpu.memory_space<vmem>>
      %dma_start3A_63 = tpu.memref_squeeze %dma_start3A_62 : memref<1x128x16xf32, #tpu.memory_space<vmem>> -> memref<128x16xf32, #tpu.memory_space<vmem>>
      %dma_start3A_64 = arith.constant 0 : i32
      %dma_start3A_65 = tpu.memref_slice %arg7[%add3A_58, %dma_start3A_64] : memref<80x128xi32, #tpu.memory_space<vmem>> -> memref<1x128xi32, #tpu.memory_space<vmem>>
      %dma_start3A_66 = tpu.memref_squeeze %dma_start3A_65 : memref<1x128xi32, #tpu.memory_space<vmem>> -> memref<128xi32, #tpu.memory_space<vmem>>
      %dma_start3A_67 = arith.constant 0 : i32
      %dma_start3A_68 = arith.constant 0 : i32
      %dma_start3A_69 = tpu.memref_slice %arg11[%dma_start3A_67, %dma_start3A_68] : memref<10240x16xf32, #tpu.memory_space<vmem_shared>> -> memref<10240x16xf32, #tpu.memory_space<vmem_shared>>
      tpu.enqueue_indirect_dma source(%dma_start3A_69 : memref<10240x16xf32, #tpu.memory_space<vmem_shared>>) target(%dma_start3A_63 : memref<128x16xf32, #tpu.memory_space<vmem>>) offsets(%dma_start3A_66 : memref<128xi32, #tpu.memory_space<vmem>>) semaphore(%arg13 : memref<!tpu.dma_semaphore, #tpu.memory_space<semaphore_mem>>)
      %add3A_70 = arith.constant 3 : i32
      %add3A_71 = arith.addi %mul3A_31, %add3A_70 : i32
      %dma_start3A_72 = arith.constant 3 : i32
      %dma_start3A_73 = arith.constant 0 : i32
      %dma_start3A_74 = arith.constant 0 : i32
      %dma_start3A_75 = tpu.memref_slice %arg9[%dma_start3A_72, %dma_start3A_73, %dma_start3A_74] : memref<8x128x16xf32, #tpu.memory_space<vmem>> -> memref<1x128x16xf32, #tpu.memory_space<vmem>>
      %dma_start3A_76 = tpu.memref_squeeze %dma_start3A_75 : memref<1x128x16xf32, #tpu.memory_space<vmem>> -> memref<128x16xf32, #tpu.memory_space<vmem>>
      %dma_start3A_77 = arith.constant 0 : i32
      %dma_start3A_78 = tpu.memref_slice %arg7[%add3A_71, %dma_start3A_77] : memref<80x128xi32, #tpu.memory_space<vmem>> -> memref<1x128xi32, #tpu.memory_space<vmem>>
      %dma_start3A_79 = tpu.memref_squeeze %dma_start3A_78 : memref<1x128xi32, #tpu.memory_space<vmem>> -> memref<128xi32, #tpu.memory_space<vmem>>
      %dma_start3A_80 = arith.constant 0 : i32
      %dma_start3A_81 = arith.constant 0 : i32
      %dma_start3A_82 = tpu.memref_slice %arg11[%dma_start3A_80, %dma_start3A_81] : memref<10240x16xf32, #tpu.memory_space<vmem_shared>> -> memref<10240x16xf32, #tpu.memory_space<vmem_shared>>
      tpu.enqueue_indirect_dma source(%dma_start3A_82 : memref<10240x16xf32, #tpu.memory_space<vmem_shared>>) target(%dma_start3A_76 : memref<128x16xf32, #tpu.memory_space<vmem>>) offsets(%dma_start3A_79 : memref<128xi32, #tpu.memory_space<vmem>>) semaphore(%arg13 : memref<!tpu.dma_semaphore, #tpu.memory_space<semaphore_mem>>)
      %add3A_83 = arith.constant 4 : i32
      %add3A_84 = arith.addi %mul3A_31, %add3A_83 : i32
      %dma_start3A_85 = arith.constant 4 : i32
      %dma_start3A_86 = arith.constant 0 : i32
      %dma_start3A_87 = arith.constant 0 : i32
      %dma_start3A_88 = tpu.memref_slice %arg9[%dma_start3A_85, %dma_start3A_86, %dma_start3A_87] : memref<8x128x16xf32, #tpu.memory_space<vmem>> -> memref<1x128x16xf32, #tpu.memory_space<vmem>>
      %dma_start3A_89 = tpu.memref_squeeze %dma_start3A_88 : memref<1x128x16xf32, #tpu.memory_space<vmem>> -> memref<128x16xf32, #tpu.memory_space<vmem>>
      %dma_start3A_90 = arith.constant 0 : i32
      %dma_start3A_91 = tpu.memref_slice %arg7[%add3A_84, %dma_start3A_90] : memref<80x128xi32, #tpu.memory_space<vmem>> -> memref<1x128xi32, #tpu.memory_space<vmem>>
      %dma_start3A_92 = tpu.memref_squeeze %dma_start3A_91 : memref<1x128xi32, #tpu.memory_space<vmem>> -> memref<128xi32, #tpu.memory_space<vmem>>
      %dma_start3A_93 = arith.constant 0 : i32
      %dma_start3A_94 = arith.constant 0 : i32
      %dma_start3A_95 = tpu.memref_slice %arg11[%dma_start3A_93, %dma_start3A_94] : memref<10240x16xf32, #tpu.memory_space<vmem_shared>> -> memref<10240x16xf32, #tpu.memory_space<vmem_shared>>
      tpu.enqueue_indirect_dma source(%dma_start3A_95 : memref<10240x16xf32, #tpu.memory_space<vmem_shared>>) target(%dma_start3A_89 : memref<128x16xf32, #tpu.memory_space<vmem>>) offsets(%dma_start3A_92 : memref<128xi32, #tpu.memory_space<vmem>>) semaphore(%arg13 : memref<!tpu.dma_semaphore, #tpu.memory_space<semaphore_mem>>)
      %add3A_96 = arith.constant 5 : i32
      %add3A_97 = arith.addi %mul3A_31, %add3A_96 : i32
      %dma_start3A_98 = arith.constant 5 : i32
      %dma_start3A_99 = arith.constant 0 : i32
      %dma_start3A_100 = arith.constant 0 : i32
      %dma_start3A_101 = tpu.memref_slice %arg9[%dma_start3A_98, %dma_start3A_99, %dma_start3A_100] : memref<8x128x16xf32, #tpu.memory_space<vmem>> -> memref<1x128x16xf32, #tpu.memory_space<vmem>>
      %dma_start3A_102 = tpu.memref_squeeze %dma_start3A_101 : memref<1x128x16xf32, #tpu.memory_space<vmem>> -> memref<128x16xf32, #tpu.memory_space<vmem>>
      %dma_start3A_103 = arith.constant 0 : i32
      %dma_start3A_104 = tpu.memref_slice %arg7[%add3A_97, %dma_start3A_103] : memref<80x128xi32, #tpu.memory_space<vmem>> -> memref<1x128xi32, #tpu.memory_space<vmem>>
      %dma_start3A_105 = tpu.memref_squeeze %dma_start3A_104 : memref<1x128xi32, #tpu.memory_space<vmem>> -> memref<128xi32, #tpu.memory_space<vmem>>
      %dma_start3A_106 = arith.constant 0 : i32
      %dma_start3A_107 = arith.constant 0 : i32
      %dma_start3A_108 = tpu.memref_slice %arg11[%dma_start3A_106, %dma_start3A_107] : memref<10240x16xf32, #tpu.memory_space<vmem_shared>> -> memref<10240x16xf32, #tpu.memory_space<vmem_shared>>
      tpu.enqueue_indirect_dma source(%dma_start3A_108 : memref<10240x16xf32, #tpu.memory_space<vmem_shared>>) target(%dma_start3A_102 : memref<128x16xf32, #tpu.memory_space<vmem>>) offsets(%dma_start3A_105 : memref<128xi32, #tpu.memory_space<vmem>>) semaphore(%arg13 : memref<!tpu.dma_semaphore, #tpu.memory_space<semaphore_mem>>)
      %add3A_109 = arith.constant 6 : i32
      %add3A_110 = arith.addi %mul3A_31, %add3A_109 : i32
      %dma_start3A_111 = arith.constant 6 : i32
      %dma_start3A_112 = arith.constant 0 : i32
      %dma_start3A_113 = arith.constant 0 : i32
      %dma_start3A_114 = tpu.memref_slice %arg9[%dma_start3A_111, %dma_start3A_112, %dma_start3A_113] : memref<8x128x16xf32, #tpu.memory_space<vmem>> -> memref<1x128x16xf32, #tpu.memory_space<vmem>>
      %dma_start3A_115 = tpu.memref_squeeze %dma_start3A_114 : memref<1x128x16xf32, #tpu.memory_space<vmem>> -> memref<128x16xf32, #tpu.memory_space<vmem>>
      %dma_start3A_116 = arith.constant 0 : i32
      %dma_start3A_117 = tpu.memref_slice %arg7[%add3A_110, %dma_start3A_116] : memref<80x128xi32, #tpu.memory_space<vmem>> -> memref<1x128xi32, #tpu.memory_space<vmem>>
      %dma_start3A_118 = tpu.memref_squeeze %dma_start3A_117 : memref<1x128xi32, #tpu.memory_space<vmem>> -> memref<128xi32, #tpu.memory_space<vmem>>
      %dma_start3A_119 = arith.constant 0 : i32
      %dma_start3A_120 = arith.constant 0 : i32
      %dma_start3A_121 = tpu.memref_slice %arg11[%dma_start3A_119, %dma_start3A_120] : memref<10240x16xf32, #tpu.memory_space<vmem_shared>> -> memref<10240x16xf32, #tpu.memory_space<vmem_shared>>
      tpu.enqueue_indirect_dma source(%dma_start3A_121 : memref<10240x16xf32, #tpu.memory_space<vmem_shared>>) target(%dma_start3A_115 : memref<128x16xf32, #tpu.memory_space<vmem>>) offsets(%dma_start3A_118 : memref<128xi32, #tpu.memory_space<vmem>>) semaphore(%arg13 : memref<!tpu.dma_semaphore, #tpu.memory_space<semaphore_mem>>)
      %add3A_122 = arith.constant 7 : i32
      %add3A_123 = arith.addi %mul3A_31, %add3A_122 : i32
      %dma_start3A_124 = arith.constant 7 : i32
      %dma_start3A_125 = arith.constant 0 : i32
      %dma_start3A_126 = arith.constant 0 : i32
      %dma_start3A_127 = tpu.memref_slice %arg9[%dma_start3A_124, %dma_start3A_125, %dma_start3A_126] : memref<8x128x16xf32, #tpu.memory_space<vmem>> -> memref<1x128x16xf32, #tpu.memory_space<vmem>>
      %dma_start3A_128 = tpu.memref_squeeze %dma_start3A_127 : memref<1x128x16xf32, #tpu.memory_space<vmem>> -> memref<128x16xf32, #tpu.memory_space<vmem>>
      %dma_start3A_129 = arith.constant 0 : i32
      %dma_start3A_130 = tpu.memref_slice %arg7[%add3A_123, %dma_start3A_129] : memref<80x128xi32, #tpu.memory_space<vmem>> -> memref<1x128xi32, #tpu.memory_space<vmem>>
      %dma_start3A_131 = tpu.memref_squeeze %dma_start3A_130 : memref<1x128xi32, #tpu.memory_space<vmem>> -> memref<128xi32, #tpu.memory_space<vmem>>
      %dma_start3A_132 = arith.constant 0 : i32
      %dma_start3A_133 = arith.constant 0 : i32
      %dma_start3A_134 = tpu.memref_slice %arg11[%dma_start3A_132, %dma_start3A_133] : memref<10240x16xf32, #tpu.memory_space<vmem_shared>> -> memref<10240x16xf32, #tpu.memory_space<vmem_shared>>
      tpu.enqueue_indirect_dma source(%dma_start3A_134 : memref<10240x16xf32, #tpu.memory_space<vmem_shared>>) target(%dma_start3A_128 : memref<128x16xf32, #tpu.memory_space<vmem>>) offsets(%dma_start3A_131 : memref<128xi32, #tpu.memory_space<vmem>>) semaphore(%arg13 : memref<!tpu.dma_semaphore, #tpu.memory_space<semaphore_mem>>)
      %dma_wait3A = arith.constant 0 : i32
      %dma_wait3A_135 = arith.constant 0 : i32
      %dma_wait3A_136 = arith.constant 0 : i32
      %dma_wait3A_137 = tpu.memref_slice %arg9[%dma_wait3A, %dma_wait3A_135, %dma_wait3A_136] : memref<8x128x16xf32, #tpu.memory_space<vmem>> -> memref<1x128x16xf32, #tpu.memory_space<vmem>>
      %dma_wait3A_138 = tpu.memref_squeeze %dma_wait3A_137 : memref<1x128x16xf32, #tpu.memory_space<vmem>> -> memref<128x16xf32, #tpu.memory_space<vmem>>
      %dma_wait3A_139 = arith.constant 0 : i32
      %dma_wait3A_140 = tpu.memref_slice %arg7[%add3A_33, %dma_wait3A_139] : memref<80x128xi32, #tpu.memory_space<vmem>> -> memref<1x128xi32, #tpu.memory_space<vmem>>
      %dma_wait3A_141 = tpu.memref_squeeze %dma_wait3A_140 : memref<1x128xi32, #tpu.memory_space<vmem>> -> memref<128xi32, #tpu.memory_space<vmem>>
      %dma_wait3A_142 = arith.constant 0 : i32
      %dma_wait3A_143 = arith.constant 0 : i32
      %dma_wait3A_144 = tpu.memref_slice %arg11[%dma_wait3A_142, %dma_wait3A_143] : memref<10240x16xf32, #tpu.memory_space<vmem_shared>> -> memref<10240x16xf32, #tpu.memory_space<vmem_shared>>
      tpu.wait_indirect_dma semaphore(%arg13 : memref<!tpu.dma_semaphore, #tpu.memory_space<semaphore_mem>>) src(%dma_wait3A_144 : memref<10240x16xf32, #tpu.memory_space<vmem_shared>>) dst(%dma_wait3A_138 : memref<128x16xf32, #tpu.memory_space<vmem>>)
      %add3A_145 = arith.constant 0 : i32
      %add3A_146 = arith.addi %mul3A_31, %add3A_145 : i32
      %dma_start3A_147 = arith.constant 0 : i32
      %dma_start3A_148 = arith.constant 0 : i32
      %dma_start3A_149 = arith.constant 0 : i32
      %dma_start3A_150 = tpu.memref_slice %arg9[%dma_start3A_147, %dma_start3A_148, %dma_start3A_149] : memref<8x128x16xf32, #tpu.memory_space<vmem>> -> memref<1x128x16xf32, #tpu.memory_space<vmem>>
      %dma_start3A_151 = tpu.memref_squeeze %dma_start3A_150 : memref<1x128x16xf32, #tpu.memory_space<vmem>> -> memref<128x16xf32, #tpu.memory_space<vmem>>
      %dma_start3A_152 = arith.constant 0 : i32
      %dma_start3A_153 = tpu.memref_slice %arg8[%add3A_146, %dma_start3A_152] : memref<80x128xi32, #tpu.memory_space<vmem>> -> memref<1x128xi32, #tpu.memory_space<vmem>>
      %dma_start3A_154 = tpu.memref_squeeze %dma_start3A_153 : memref<1x128xi32, #tpu.memory_space<vmem>> -> memref<128xi32, #tpu.memory_space<vmem>>
      %dma_start3A_155 = arith.constant 0 : i32
      %dma_start3A_156 = arith.constant 0 : i32
      %dma_start3A_157 = tpu.memref_slice %arg12[%dma_start3A_155, %dma_start3A_156] : memref<10240x16xf32, #tpu.memory_space<vmem_shared>> -> memref<10240x16xf32, #tpu.memory_space<vmem_shared>>
      tpu.enqueue_indirect_dma source(%dma_start3A_151 : memref<128x16xf32, #tpu.memory_space<vmem>>) target(%dma_start3A_157 : memref<10240x16xf32, #tpu.memory_space<vmem_shared>>) offsets(%dma_start3A_154 : memref<128xi32, #tpu.memory_space<vmem>>) semaphore(%arg14 : memref<!tpu.dma_semaphore, #tpu.memory_space<semaphore_mem>>) {add = true}
      %dma_wait3A_158 = arith.constant 1 : i32
      %dma_wait3A_159 = arith.constant 0 : i32
      %dma_wait3A_160 = arith.constant 0 : i32
      %dma_wait3A_161 = tpu.memref_slice %arg9[%dma_wait3A_158, %dma_wait3A_159, %dma_wait3A_160] : memref<8x128x16xf32, #tpu.memory_space<vmem>> -> memref<1x128x16xf32, #tpu.memory_space<vmem>>
      %dma_wait3A_162 = tpu.memref_squeeze %dma_wait3A_161 : memref<1x128x16xf32, #tpu.memory_space<vmem>> -> memref<128x16xf32, #tpu.memory_space<vmem>>
      %dma_wait3A_163 = arith.constant 0 : i32
      %dma_wait3A_164 = tpu.memref_slice %arg7[%add3A_45, %dma_wait3A_163] : memref<80x128xi32, #tpu.memory_space<vmem>> -> memref<1x128xi32, #tpu.memory_space<vmem>>
      %dma_wait3A_165 = tpu.memref_squeeze %dma_wait3A_164 : memref<1x128xi32, #tpu.memory_space<vmem>> -> memref<128xi32, #tpu.memory_space<vmem>>
      %dma_wait3A_166 = arith.constant 0 : i32
      %dma_wait3A_167 = arith.constant 0 : i32
      %dma_wait3A_168 = tpu.memref_slice %arg11[%dma_wait3A_166, %dma_wait3A_167] : memref<10240x16xf32, #tpu.memory_space<vmem_shared>> -> memref<10240x16xf32, #tpu.memory_space<vmem_shared>>
      tpu.wait_indirect_dma semaphore(%arg13 : memref<!tpu.dma_semaphore, #tpu.memory_space<semaphore_mem>>) src(%dma_wait3A_168 : memref<10240x16xf32, #tpu.memory_space<vmem_shared>>) dst(%dma_wait3A_162 : memref<128x16xf32, #tpu.memory_space<vmem>>)
      %add3A_169 = arith.constant 1 : i32
      %add3A_170 = arith.addi %mul3A_31, %add3A_169 : i32
      %dma_start3A_171 = arith.constant 1 : i32
      %dma_start3A_172 = arith.constant 0 : i32
      %dma_start3A_173 = arith.constant 0 : i32
      %dma_start3A_174 = tpu.memref_slice %arg9[%dma_start3A_171, %dma_start3A_172, %dma_start3A_173] : memref<8x128x16xf32, #tpu.memory_space<vmem>> -> memref<1x128x16xf32, #tpu.memory_space<vmem>>
      %dma_start3A_175 = tpu.memref_squeeze %dma_start3A_174 : memref<1x128x16xf32, #tpu.memory_space<vmem>> -> memref<128x16xf32, #tpu.memory_space<vmem>>
      %dma_start3A_176 = arith.constant 0 : i32
      %dma_start3A_177 = tpu.memref_slice %arg8[%add3A_170, %dma_start3A_176] : memref<80x128xi32, #tpu.memory_space<vmem>> -> memref<1x128xi32, #tpu.memory_space<vmem>>
      %dma_start3A_178 = tpu.memref_squeeze %dma_start3A_177 : memref<1x128xi32, #tpu.memory_space<vmem>> -> memref<128xi32, #tpu.memory_space<vmem>>
      %dma_start3A_179 = arith.constant 0 : i32
      %dma_start3A_180 = arith.constant 0 : i32
      %dma_start3A_181 = tpu.memref_slice %arg12[%dma_start3A_179, %dma_start3A_180] : memref<10240x16xf32, #tpu.memory_space<vmem_shared>> -> memref<10240x16xf32, #tpu.memory_space<vmem_shared>>
      tpu.enqueue_indirect_dma source(%dma_start3A_175 : memref<128x16xf32, #tpu.memory_space<vmem>>) target(%dma_start3A_181 : memref<10240x16xf32, #tpu.memory_space<vmem_shared>>) offsets(%dma_start3A_178 : memref<128xi32, #tpu.memory_space<vmem>>) semaphore(%arg14 : memref<!tpu.dma_semaphore, #tpu.memory_space<semaphore_mem>>) {add = true}
      %dma_wait3A_182 = arith.constant 2 : i32
      %dma_wait3A_183 = arith.constant 0 : i32
      %dma_wait3A_184 = arith.constant 0 : i32
      %dma_wait3A_185 = tpu.memref_slice %arg9[%dma_wait3A_182, %dma_wait3A_183, %dma_wait3A_184] : memref<8x128x16xf32, #tpu.memory_space<vmem>> -> memref<1x128x16xf32, #tpu.memory_space<vmem>>
      %dma_wait3A_186 = tpu.memref_squeeze %dma_wait3A_185 : memref<1x128x16xf32, #tpu.memory_space<vmem>> -> memref<128x16xf32, #tpu.memory_space<vmem>>
      %dma_wait3A_187 = arith.constant 0 : i32
      %dma_wait3A_188 = tpu.memref_slice %arg7[%add3A_58, %dma_wait3A_187] : memref<80x128xi32, #tpu.memory_space<vmem>> -> memref<1x128xi32, #tpu.memory_space<vmem>>
      %dma_wait3A_189 = tpu.memref_squeeze %dma_wait3A_188 : memref<1x128xi32, #tpu.memory_space<vmem>> -> memref<128xi32, #tpu.memory_space<vmem>>
      %dma_wait3A_190 = arith.constant 0 : i32
      %dma_wait3A_191 = arith.constant 0 : i32
      %dma_wait3A_192 = tpu.memref_slice %arg11[%dma_wait3A_190, %dma_wait3A_191] : memref<10240x16xf32, #tpu.memory_space<vmem_shared>> -> memref<10240x16xf32, #tpu.memory_space<vmem_shared>>
      tpu.wait_indirect_dma semaphore(%arg13 : memref<!tpu.dma_semaphore, #tpu.memory_space<semaphore_mem>>) src(%dma_wait3A_192 : memref<10240x16xf32, #tpu.memory_space<vmem_shared>>) dst(%dma_wait3A_186 : memref<128x16xf32, #tpu.memory_space<vmem>>)
      %add3A_193 = arith.constant 2 : i32
      %add3A_194 = arith.addi %mul3A_31, %add3A_193 : i32
      %dma_start3A_195 = arith.constant 2 : i32
      %dma_start3A_196 = arith.constant 0 : i32
      %dma_start3A_197 = arith.constant 0 : i32
      %dma_start3A_198 = tpu.memref_slice %arg9[%dma_start3A_195, %dma_start3A_196, %dma_start3A_197] : memref<8x128x16xf32, #tpu.memory_space<vmem>> -> memref<1x128x16xf32, #tpu.memory_space<vmem>>
      %dma_start3A_199 = tpu.memref_squeeze %dma_start3A_198 : memref<1x128x16xf32, #tpu.memory_space<vmem>> -> memref<128x16xf32, #tpu.memory_space<vmem>>
      %dma_start3A_200 = arith.constant 0 : i32
      %dma_start3A_201 = tpu.memref_slice %arg8[%add3A_194, %dma_start3A_200] : memref<80x128xi32, #tpu.memory_space<vmem>> -> memref<1x128xi32, #tpu.memory_space<vmem>>
      %dma_start3A_202 = tpu.memref_squeeze %dma_start3A_201 : memref<1x128xi32, #tpu.memory_space<vmem>> -> memref<128xi32, #tpu.memory_space<vmem>>
      %dma_start3A_203 = arith.constant 0 : i32
      %dma_start3A_204 = arith.constant 0 : i32
      %dma_start3A_205 = tpu.memref_slice %arg12[%dma_start3A_203, %dma_start3A_204] : memref<10240x16xf32, #tpu.memory_space<vmem_shared>> -> memref<10240x16xf32, #tpu.memory_space<vmem_shared>>
      tpu.enqueue_indirect_dma source(%dma_start3A_199 : memref<128x16xf32, #tpu.memory_space<vmem>>) target(%dma_start3A_205 : memref<10240x16xf32, #tpu.memory_space<vmem_shared>>) offsets(%dma_start3A_202 : memref<128xi32, #tpu.memory_space<vmem>>) semaphore(%arg14 : memref<!tpu.dma_semaphore, #tpu.memory_space<semaphore_mem>>) {add = true}
      %dma_wait3A_206 = arith.constant 3 : i32
      %dma_wait3A_207 = arith.constant 0 : i32
      %dma_wait3A_208 = arith.constant 0 : i32
      %dma_wait3A_209 = tpu.memref_slice %arg9[%dma_wait3A_206, %dma_wait3A_207, %dma_wait3A_208] : memref<8x128x16xf32, #tpu.memory_space<vmem>> -> memref<1x128x16xf32, #tpu.memory_space<vmem>>
      %dma_wait3A_210 = tpu.memref_squeeze %dma_wait3A_209 : memref<1x128x16xf32, #tpu.memory_space<vmem>> -> memref<128x16xf32, #tpu.memory_space<vmem>>
      %dma_wait3A_211 = arith.constant 0 : i32
      %dma_wait3A_212 = tpu.memref_slice %arg7[%add3A_71, %dma_wait3A_211] : memref<80x128xi32, #tpu.memory_space<vmem>> -> memref<1x128xi32, #tpu.memory_space<vmem>>
      %dma_wait3A_213 = tpu.memref_squeeze %dma_wait3A_212 : memref<1x128xi32, #tpu.memory_space<vmem>> -> memref<128xi32, #tpu.memory_space<vmem>>
      %dma_wait3A_214 = arith.constant 0 : i32
      %dma_wait3A_215 = arith.constant 0 : i32
      %dma_wait3A_216 = tpu.memref_slice %arg11[%dma_wait3A_214, %dma_wait3A_215] : memref<10240x16xf32, #tpu.memory_space<vmem_shared>> -> memref<10240x16xf32, #tpu.memory_space<vmem_shared>>
      tpu.wait_indirect_dma semaphore(%arg13 : memref<!tpu.dma_semaphore, #tpu.memory_space<semaphore_mem>>) src(%dma_wait3A_216 : memref<10240x16xf32, #tpu.memory_space<vmem_shared>>) dst(%dma_wait3A_210 : memref<128x16xf32, #tpu.memory_space<vmem>>)
      %add3A_217 = arith.constant 3 : i32
      %add3A_218 = arith.addi %mul3A_31, %add3A_217 : i32
      %dma_start3A_219 = arith.constant 3 : i32
      %dma_start3A_220 = arith.constant 0 : i32
      %dma_start3A_221 = arith.constant 0 : i32
      %dma_start3A_222 = tpu.memref_slice %arg9[%dma_start3A_219, %dma_start3A_220, %dma_start3A_221] : memref<8x128x16xf32, #tpu.memory_space<vmem>> -> memref<1x128x16xf32, #tpu.memory_space<vmem>>
      %dma_start3A_223 = tpu.memref_squeeze %dma_start3A_222 : memref<1x128x16xf32, #tpu.memory_space<vmem>> -> memref<128x16xf32, #tpu.memory_space<vmem>>
      %dma_start3A_224 = arith.constant 0 : i32
      %dma_start3A_225 = tpu.memref_slice %arg8[%add3A_218, %dma_start3A_224] : memref<80x128xi32, #tpu.memory_space<vmem>> -> memref<1x128xi32, #tpu.memory_space<vmem>>
      %dma_start3A_226 = tpu.memref_squeeze %dma_start3A_225 : memref<1x128xi32, #tpu.memory_space<vmem>> -> memref<128xi32, #tpu.memory_space<vmem>>
      %dma_start3A_227 = arith.constant 0 : i32
      %dma_start3A_228 = arith.constant 0 : i32
      %dma_start3A_229 = tpu.memref_slice %arg12[%dma_start3A_227, %dma_start3A_228] : memref<10240x16xf32, #tpu.memory_space<vmem_shared>> -> memref<10240x16xf32, #tpu.memory_space<vmem_shared>>
      tpu.enqueue_indirect_dma source(%dma_start3A_223 : memref<128x16xf32, #tpu.memory_space<vmem>>) target(%dma_start3A_229 : memref<10240x16xf32, #tpu.memory_space<vmem_shared>>) offsets(%dma_start3A_226 : memref<128xi32, #tpu.memory_space<vmem>>) semaphore(%arg14 : memref<!tpu.dma_semaphore, #tpu.memory_space<semaphore_mem>>) {add = true}
      %dma_wait3A_230 = arith.constant 4 : i32
      %dma_wait3A_231 = arith.constant 0 : i32
      %dma_wait3A_232 = arith.constant 0 : i32
      %dma_wait3A_233 = tpu.memref_slice %arg9[%dma_wait3A_230, %dma_wait3A_231, %dma_wait3A_232] : memref<8x128x16xf32, #tpu.memory_space<vmem>> -> memref<1x128x16xf32, #tpu.memory_space<vmem>>
      %dma_wait3A_234 = tpu.memref_squeeze %dma_wait3A_233 : memref<1x128x16xf32, #tpu.memory_space<vmem>> -> memref<128x16xf32, #tpu.memory_space<vmem>>
      %dma_wait3A_235 = arith.constant 0 : i32
      %dma_wait3A_236 = tpu.memref_slice %arg7[%add3A_84, %dma_wait3A_235] : memref<80x128xi32, #tpu.memory_space<vmem>> -> memref<1x128xi32, #tpu.memory_space<vmem>>
      %dma_wait3A_237 = tpu.memref_squeeze %dma_wait3A_236 : memref<1x128xi32, #tpu.memory_space<vmem>> -> memref<128xi32, #tpu.memory_space<vmem>>
      %dma_wait3A_238 = arith.constant 0 : i32
      %dma_wait3A_239 = arith.constant 0 : i32
      %dma_wait3A_240 = tpu.memref_slice %arg11[%dma_wait3A_238, %dma_wait3A_239] : memref<10240x16xf32, #tpu.memory_space<vmem_shared>> -> memref<10240x16xf32, #tpu.memory_space<vmem_shared>>
      tpu.wait_indirect_dma semaphore(%arg13 : memref<!tpu.dma_semaphore, #tpu.memory_space<semaphore_mem>>) src(%dma_wait3A_240 : memref<10240x16xf32, #tpu.memory_space<vmem_shared>>) dst(%dma_wait3A_234 : memref<128x16xf32, #tpu.memory_space<vmem>>)
      %add3A_241 = arith.constant 4 : i32
      %add3A_242 = arith.addi %mul3A_31, %add3A_241 : i32
      %dma_start3A_243 = arith.constant 4 : i32
      %dma_start3A_244 = arith.constant 0 : i32
      %dma_start3A_245 = arith.constant 0 : i32
      %dma_start3A_246 = tpu.memref_slice %arg9[%dma_start3A_243, %dma_start3A_244, %dma_start3A_245] : memref<8x128x16xf32, #tpu.memory_space<vmem>> -> memref<1x128x16xf32, #tpu.memory_space<vmem>>
      %dma_start3A_247 = tpu.memref_squeeze %dma_start3A_246 : memref<1x128x16xf32, #tpu.memory_space<vmem>> -> memref<128x16xf32, #tpu.memory_space<vmem>>
      %dma_start3A_248 = arith.constant 0 : i32
      %dma_start3A_249 = tpu.memref_slice %arg8[%add3A_242, %dma_start3A_248] : memref<80x128xi32, #tpu.memory_space<vmem>> -> memref<1x128xi32, #tpu.memory_space<vmem>>
      %dma_start3A_250 = tpu.memref_squeeze %dma_start3A_249 : memref<1x128xi32, #tpu.memory_space<vmem>> -> memref<128xi32, #tpu.memory_space<vmem>>
      %dma_start3A_251 = arith.constant 0 : i32
      %dma_start3A_252 = arith.constant 0 : i32
      %dma_start3A_253 = tpu.memref_slice %arg12[%dma_start3A_251, %dma_start3A_252] : memref<10240x16xf32, #tpu.memory_space<vmem_shared>> -> memref<10240x16xf32, #tpu.memory_space<vmem_shared>>
      tpu.enqueue_indirect_dma source(%dma_start3A_247 : memref<128x16xf32, #tpu.memory_space<vmem>>) target(%dma_start3A_253 : memref<10240x16xf32, #tpu.memory_space<vmem_shared>>) offsets(%dma_start3A_250 : memref<128xi32, #tpu.memory_space<vmem>>) semaphore(%arg14 : memref<!tpu.dma_semaphore, #tpu.memory_space<semaphore_mem>>) {add = true}
      %dma_wait3A_254 = arith.constant 5 : i32
      %dma_wait3A_255 = arith.constant 0 : i32
      %dma_wait3A_256 = arith.constant 0 : i32
      %dma_wait3A_257 = tpu.memref_slice %arg9[%dma_wait3A_254, %dma_wait3A_255, %dma_wait3A_256] : memref<8x128x16xf32, #tpu.memory_space<vmem>> -> memref<1x128x16xf32, #tpu.memory_space<vmem>>
      %dma_wait3A_258 = tpu.memref_squeeze %dma_wait3A_257 : memref<1x128x16xf32, #tpu.memory_space<vmem>> -> memref<128x16xf32, #tpu.memory_space<vmem>>
      %dma_wait3A_259 = arith.constant 0 : i32
      %dma_wait3A_260 = tpu.memref_slice %arg7[%add3A_97, %dma_wait3A_259] : memref<80x128xi32, #tpu.memory_space<vmem>> -> memref<1x128xi32, #tpu.memory_space<vmem>>
      %dma_wait3A_261 = tpu.memref_squeeze %dma_wait3A_260 : memref<1x128xi32, #tpu.memory_space<vmem>> -> memref<128xi32, #tpu.memory_space<vmem>>
      %dma_wait3A_262 = arith.constant 0 : i32
      %dma_wait3A_263 = arith.constant 0 : i32
      %dma_wait3A_264 = tpu.memref_slice %arg11[%dma_wait3A_262, %dma_wait3A_263] : memref<10240x16xf32, #tpu.memory_space<vmem_shared>> -> memref<10240x16xf32, #tpu.memory_space<vmem_shared>>
      tpu.wait_indirect_dma semaphore(%arg13 : memref<!tpu.dma_semaphore, #tpu.memory_space<semaphore_mem>>) src(%dma_wait3A_264 : memref<10240x16xf32, #tpu.memory_space<vmem_shared>>) dst(%dma_wait3A_258 : memref<128x16xf32, #tpu.memory_space<vmem>>)
      %add3A_265 = arith.constant 5 : i32
      %add3A_266 = arith.addi %mul3A_31, %add3A_265 : i32
      %dma_start3A_267 = arith.constant 5 : i32
      %dma_start3A_268 = arith.constant 0 : i32
      %dma_start3A_269 = arith.constant 0 : i32
      %dma_start3A_270 = tpu.memref_slice %arg9[%dma_start3A_267, %dma_start3A_268, %dma_start3A_269] : memref<8x128x16xf32, #tpu.memory_space<vmem>> -> memref<1x128x16xf32, #tpu.memory_space<vmem>>
      %dma_start3A_271 = tpu.memref_squeeze %dma_start3A_270 : memref<1x128x16xf32, #tpu.memory_space<vmem>> -> memref<128x16xf32, #tpu.memory_space<vmem>>
      %dma_start3A_272 = arith.constant 0 : i32
      %dma_start3A_273 = tpu.memref_slice %arg8[%add3A_266, %dma_start3A_272] : memref<80x128xi32, #tpu.memory_space<vmem>> -> memref<1x128xi32, #tpu.memory_space<vmem>>
      %dma_start3A_274 = tpu.memref_squeeze %dma_start3A_273 : memref<1x128xi32, #tpu.memory_space<vmem>> -> memref<128xi32, #tpu.memory_space<vmem>>
      %dma_start3A_275 = arith.constant 0 : i32
      %dma_start3A_276 = arith.constant 0 : i32
      %dma_start3A_277 = tpu.memref_slice %arg12[%dma_start3A_275, %dma_start3A_276] : memref<10240x16xf32, #tpu.memory_space<vmem_shared>> -> memref<10240x16xf32, #tpu.memory_space<vmem_shared>>
      tpu.enqueue_indirect_dma source(%dma_start3A_271 : memref<128x16xf32, #tpu.memory_space<vmem>>) target(%dma_start3A_277 : memref<10240x16xf32, #tpu.memory_space<vmem_shared>>) offsets(%dma_start3A_274 : memref<128xi32, #tpu.memory_space<vmem>>) semaphore(%arg14 : memref<!tpu.dma_semaphore, #tpu.memory_space<semaphore_mem>>) {add = true}
      %dma_wait3A_278 = arith.constant 6 : i32
      %dma_wait3A_279 = arith.constant 0 : i32
      %dma_wait3A_280 = arith.constant 0 : i32
      %dma_wait3A_281 = tpu.memref_slice %arg9[%dma_wait3A_278, %dma_wait3A_279, %dma_wait3A_280] : memref<8x128x16xf32, #tpu.memory_space<vmem>> -> memref<1x128x16xf32, #tpu.memory_space<vmem>>
      %dma_wait3A_282 = tpu.memref_squeeze %dma_wait3A_281 : memref<1x128x16xf32, #tpu.memory_space<vmem>> -> memref<128x16xf32, #tpu.memory_space<vmem>>
      %dma_wait3A_283 = arith.constant 0 : i32
      %dma_wait3A_284 = tpu.memref_slice %arg7[%add3A_110, %dma_wait3A_283] : memref<80x128xi32, #tpu.memory_space<vmem>> -> memref<1x128xi32, #tpu.memory_space<vmem>>
      %dma_wait3A_285 = tpu.memref_squeeze %dma_wait3A_284 : memref<1x128xi32, #tpu.memory_space<vmem>> -> memref<128xi32, #tpu.memory_space<vmem>>
      %dma_wait3A_286 = arith.constant 0 : i32
      %dma_wait3A_287 = arith.constant 0 : i32
      %dma_wait3A_288 = tpu.memref_slice %arg11[%dma_wait3A_286, %dma_wait3A_287] : memref<10240x16xf32, #tpu.memory_space<vmem_shared>> -> memref<10240x16xf32, #tpu.memory_space<vmem_shared>>
      tpu.wait_indirect_dma semaphore(%arg13 : memref<!tpu.dma_semaphore, #tpu.memory_space<semaphore_mem>>) src(%dma_wait3A_288 : memref<10240x16xf32, #tpu.memory_space<vmem_shared>>) dst(%dma_wait3A_282 : memref<128x16xf32, #tpu.memory_space<vmem>>)
      %add3A_289 = arith.constant 6 : i32
      %add3A_290 = arith.addi %mul3A_31, %add3A_289 : i32
      %dma_start3A_291 = arith.constant 6 : i32
      %dma_start3A_292 = arith.constant 0 : i32
      %dma_start3A_293 = arith.constant 0 : i32
      %dma_start3A_294 = tpu.memref_slice %arg9[%dma_start3A_291, %dma_start3A_292, %dma_start3A_293] : memref<8x128x16xf32, #tpu.memory_space<vmem>> -> memref<1x128x16xf32, #tpu.memory_space<vmem>>
      %dma_start3A_295 = tpu.memref_squeeze %dma_start3A_294 : memref<1x128x16xf32, #tpu.memory_space<vmem>> -> memref<128x16xf32, #tpu.memory_space<vmem>>
      %dma_start3A_296 = arith.constant 0 : i32
      %dma_start3A_297 = tpu.memref_slice %arg8[%add3A_290, %dma_start3A_296] : memref<80x128xi32, #tpu.memory_space<vmem>> -> memref<1x128xi32, #tpu.memory_space<vmem>>
      %dma_start3A_298 = tpu.memref_squeeze %dma_start3A_297 : memref<1x128xi32, #tpu.memory_space<vmem>> -> memref<128xi32, #tpu.memory_space<vmem>>
      %dma_start3A_299 = arith.constant 0 : i32
      %dma_start3A_300 = arith.constant 0 : i32
      %dma_start3A_301 = tpu.memref_slice %arg12[%dma_start3A_299, %dma_start3A_300] : memref<10240x16xf32, #tpu.memory_space<vmem_shared>> -> memref<10240x16xf32, #tpu.memory_space<vmem_shared>>
      tpu.enqueue_indirect_dma source(%dma_start3A_295 : memref<128x16xf32, #tpu.memory_space<vmem>>) target(%dma_start3A_301 : memref<10240x16xf32, #tpu.memory_space<vmem_shared>>) offsets(%dma_start3A_298 : memref<128xi32, #tpu.memory_space<vmem>>) semaphore(%arg14 : memref<!tpu.dma_semaphore, #tpu.memory_space<semaphore_mem>>) {add = true}
      %dma_wait3A_302 = arith.constant 7 : i32
      %dma_wait3A_303 = arith.constant 0 : i32
      %dma_wait3A_304 = arith.constant 0 : i32
      %dma_wait3A_305 = tpu.memref_slice %arg9[%dma_wait3A_302, %dma_wait3A_303, %dma_wait3A_304] : memref<8x128x16xf32, #tpu.memory_space<vmem>> -> memref<1x128x16xf32, #tpu.memory_space<vmem>>
      %dma_wait3A_306 = tpu.memref_squeeze %dma_wait3A_305 : memref<1x128x16xf32, #tpu.memory_space<vmem>> -> memref<128x16xf32, #tpu.memory_space<vmem>>
      %dma_wait3A_307 = arith.constant 0 : i32
      %dma_wait3A_308 = tpu.memref_slice %arg7[%add3A_123, %dma_wait3A_307] : memref<80x128xi32, #tpu.memory_space<vmem>> -> memref<1x128xi32, #tpu.memory_space<vmem>>
      %dma_wait3A_309 = tpu.memref_squeeze %dma_wait3A_308 : memref<1x128xi32, #tpu.memory_space<vmem>> -> memref<128xi32, #tpu.memory_space<vmem>>
      %dma_wait3A_310 = arith.constant 0 : i32
      %dma_wait3A_311 = arith.constant 0 : i32
      %dma_wait3A_312 = tpu.memref_slice %arg11[%dma_wait3A_310, %dma_wait3A_311] : memref<10240x16xf32, #tpu.memory_space<vmem_shared>> -> memref<10240x16xf32, #tpu.memory_space<vmem_shared>>
      tpu.wait_indirect_dma semaphore(%arg13 : memref<!tpu.dma_semaphore, #tpu.memory_space<semaphore_mem>>) src(%dma_wait3A_312 : memref<10240x16xf32, #tpu.memory_space<vmem_shared>>) dst(%dma_wait3A_306 : memref<128x16xf32, #tpu.memory_space<vmem>>)
      %add3A_313 = arith.constant 7 : i32
      %add3A_314 = arith.addi %mul3A_31, %add3A_313 : i32
      %dma_start3A_315 = arith.constant 7 : i32
      %dma_start3A_316 = arith.constant 0 : i32
      %dma_start3A_317 = arith.constant 0 : i32
      %dma_start3A_318 = tpu.memref_slice %arg9[%dma_start3A_315, %dma_start3A_316, %dma_start3A_317] : memref<8x128x16xf32, #tpu.memory_space<vmem>> -> memref<1x128x16xf32, #tpu.memory_space<vmem>>
      %dma_start3A_319 = tpu.memref_squeeze %dma_start3A_318 : memref<1x128x16xf32, #tpu.memory_space<vmem>> -> memref<128x16xf32, #tpu.memory_space<vmem>>
      %dma_start3A_320 = arith.constant 0 : i32
      %dma_start3A_321 = tpu.memref_slice %arg8[%add3A_314, %dma_start3A_320] : memref<80x128xi32, #tpu.memory_space<vmem>> -> memref<1x128xi32, #tpu.memory_space<vmem>>
      %dma_start3A_322 = tpu.memref_squeeze %dma_start3A_321 : memref<1x128xi32, #tpu.memory_space<vmem>> -> memref<128xi32, #tpu.memory_space<vmem>>
      %dma_start3A_323 = arith.constant 0 : i32
      %dma_start3A_324 = arith.constant 0 : i32
      %dma_start3A_325 = tpu.memref_slice %arg12[%dma_start3A_323, %dma_start3A_324] : memref<10240x16xf32, #tpu.memory_space<vmem_shared>> -> memref<10240x16xf32, #tpu.memory_space<vmem_shared>>
      tpu.enqueue_indirect_dma source(%dma_start3A_319 : memref<128x16xf32, #tpu.memory_space<vmem>>) target(%dma_start3A_325 : memref<10240x16xf32, #tpu.memory_space<vmem_shared>>) offsets(%dma_start3A_322 : memref<128xi32, #tpu.memory_space<vmem>>) semaphore(%arg14 : memref<!tpu.dma_semaphore, #tpu.memory_space<semaphore_mem>>) {add = true}
      %dma_wait3A_326 = arith.constant 0 : i32
      %dma_wait3A_327 = arith.constant 0 : i32
      %dma_wait3A_328 = arith.constant 0 : i32
      %dma_wait3A_329 = tpu.memref_slice %arg9[%dma_wait3A_326, %dma_wait3A_327, %dma_wait3A_328] : memref<8x128x16xf32, #tpu.memory_space<vmem>> -> memref<1x128x16xf32, #tpu.memory_space<vmem>>
      %dma_wait3A_330 = tpu.memref_squeeze %dma_wait3A_329 : memref<1x128x16xf32, #tpu.memory_space<vmem>> -> memref<128x16xf32, #tpu.memory_space<vmem>>
      %dma_wait3A_331 = arith.constant 0 : i32
      %dma_wait3A_332 = tpu.memref_slice %arg8[%add3A_146, %dma_wait3A_331] : memref<80x128xi32, #tpu.memory_space<vmem>> -> memref<1x128xi32, #tpu.memory_space<vmem>>
      %dma_wait3A_333 = tpu.memref_squeeze %dma_wait3A_332 : memref<1x128xi32, #tpu.memory_space<vmem>> -> memref<128xi32, #tpu.memory_space<vmem>>
      %dma_wait3A_334 = arith.constant 0 : i32
      %dma_wait3A_335 = arith.constant 0 : i32
      %dma_wait3A_336 = tpu.memref_slice %arg12[%dma_wait3A_334, %dma_wait3A_335] : memref<10240x16xf32, #tpu.memory_space<vmem_shared>> -> memref<10240x16xf32, #tpu.memory_space<vmem_shared>>
      tpu.wait_indirect_dma semaphore(%arg14 : memref<!tpu.dma_semaphore, #tpu.memory_space<semaphore_mem>>) src(%dma_wait3A_330 : memref<128x16xf32, #tpu.memory_space<vmem>>) dst(%dma_wait3A_336 : memref<10240x16xf32, #tpu.memory_space<vmem_shared>>)
      %dma_wait3A_337 = arith.constant 1 : i32
      %dma_wait3A_338 = arith.constant 0 : i32
      %dma_wait3A_339 = arith.constant 0 : i32
      %dma_wait3A_340 = tpu.memref_slice %arg9[%dma_wait3A_337, %dma_wait3A_338, %dma_wait3A_339] : memref<8x128x16xf32, #tpu.memory_space<vmem>> -> memref<1x128x16xf32, #tpu.memory_space<vmem>>
      %dma_wait3A_341 = tpu.memref_squeeze %dma_wait3A_340 : memref<1x128x16xf32, #tpu.memory_space<vmem>> -> memref<128x16xf32, #tpu.memory_space<vmem>>
      %dma_wait3A_342 = arith.constant 0 : i32
      %dma_wait3A_343 = tpu.memref_slice %arg8[%add3A_170, %dma_wait3A_342] : memref<80x128xi32, #tpu.memory_space<vmem>> -> memref<1x128xi32, #tpu.memory_space<vmem>>
      %dma_wait3A_344 = tpu.memref_squeeze %dma_wait3A_343 : memref<1x128xi32, #tpu.memory_space<vmem>> -> memref<128xi32, #tpu.memory_space<vmem>>
      %dma_wait3A_345 = arith.constant 0 : i32
      %dma_wait3A_346 = arith.constant 0 : i32
      %dma_wait3A_347 = tpu.memref_slice %arg12[%dma_wait3A_345, %dma_wait3A_346] : memref<10240x16xf32, #tpu.memory_space<vmem_shared>> -> memref<10240x16xf32, #tpu.memory_space<vmem_shared>>
      tpu.wait_indirect_dma semaphore(%arg14 : memref<!tpu.dma_semaphore, #tpu.memory_space<semaphore_mem>>) src(%dma_wait3A_341 : memref<128x16xf32, #tpu.memory_space<vmem>>) dst(%dma_wait3A_347 : memref<10240x16xf32, #tpu.memory_space<vmem_shared>>)
      %dma_wait3A_348 = arith.constant 2 : i32
      %dma_wait3A_349 = arith.constant 0 : i32
      %dma_wait3A_350 = arith.constant 0 : i32
      %dma_wait3A_351 = tpu.memref_slice %arg9[%dma_wait3A_348, %dma_wait3A_349, %dma_wait3A_350] : memref<8x128x16xf32, #tpu.memory_space<vmem>> -> memref<1x128x16xf32, #tpu.memory_space<vmem>>
      %dma_wait3A_352 = tpu.memref_squeeze %dma_wait3A_351 : memref<1x128x16xf32, #tpu.memory_space<vmem>> -> memref<128x16xf32, #tpu.memory_space<vmem>>
      %dma_wait3A_353 = arith.constant 0 : i32
      %dma_wait3A_354 = tpu.memref_slice %arg8[%add3A_194, %dma_wait3A_353] : memref<80x128xi32, #tpu.memory_space<vmem>> -> memref<1x128xi32, #tpu.memory_space<vmem>>
      %dma_wait3A_355 = tpu.memref_squeeze %dma_wait3A_354 : memref<1x128xi32, #tpu.memory_space<vmem>> -> memref<128xi32, #tpu.memory_space<vmem>>
      %dma_wait3A_356 = arith.constant 0 : i32
      %dma_wait3A_357 = arith.constant 0 : i32
      %dma_wait3A_358 = tpu.memref_slice %arg12[%dma_wait3A_356, %dma_wait3A_357] : memref<10240x16xf32, #tpu.memory_space<vmem_shared>> -> memref<10240x16xf32, #tpu.memory_space<vmem_shared>>
      tpu.wait_indirect_dma semaphore(%arg14 : memref<!tpu.dma_semaphore, #tpu.memory_space<semaphore_mem>>) src(%dma_wait3A_352 : memref<128x16xf32, #tpu.memory_space<vmem>>) dst(%dma_wait3A_358 : memref<10240x16xf32, #tpu.memory_space<vmem_shared>>)
      %dma_wait3A_359 = arith.constant 3 : i32
      %dma_wait3A_360 = arith.constant 0 : i32
      %dma_wait3A_361 = arith.constant 0 : i32
      %dma_wait3A_362 = tpu.memref_slice %arg9[%dma_wait3A_359, %dma_wait3A_360, %dma_wait3A_361] : memref<8x128x16xf32, #tpu.memory_space<vmem>> -> memref<1x128x16xf32, #tpu.memory_space<vmem>>
      %dma_wait3A_363 = tpu.memref_squeeze %dma_wait3A_362 : memref<1x128x16xf32, #tpu.memory_space<vmem>> -> memref<128x16xf32, #tpu.memory_space<vmem>>
      %dma_wait3A_364 = arith.constant 0 : i32
      %dma_wait3A_365 = tpu.memref_slice %arg8[%add3A_218, %dma_wait3A_364] : memref<80x128xi32, #tpu.memory_space<vmem>> -> memref<1x128xi32, #tpu.memory_space<vmem>>
      %dma_wait3A_366 = tpu.memref_squeeze %dma_wait3A_365 : memref<1x128xi32, #tpu.memory_space<vmem>> -> memref<128xi32, #tpu.memory_space<vmem>>
      %dma_wait3A_367 = arith.constant 0 : i32
      %dma_wait3A_368 = arith.constant 0 : i32
      %dma_wait3A_369 = tpu.memref_slice %arg12[%dma_wait3A_367, %dma_wait3A_368] : memref<10240x16xf32, #tpu.memory_space<vmem_shared>> -> memref<10240x16xf32, #tpu.memory_space<vmem_shared>>
      tpu.wait_indirect_dma semaphore(%arg14 : memref<!tpu.dma_semaphore, #tpu.memory_space<semaphore_mem>>) src(%dma_wait3A_363 : memref<128x16xf32, #tpu.memory_space<vmem>>) dst(%dma_wait3A_369 : memref<10240x16xf32, #tpu.memory_space<vmem_shared>>)
      %dma_wait3A_370 = arith.constant 4 : i32
      %dma_wait3A_371 = arith.constant 0 : i32
      %dma_wait3A_372 = arith.constant 0 : i32
      %dma_wait3A_373 = tpu.memref_slice %arg9[%dma_wait3A_370, %dma_wait3A_371, %dma_wait3A_372] : memref<8x128x16xf32, #tpu.memory_space<vmem>> -> memref<1x128x16xf32, #tpu.memory_space<vmem>>
      %dma_wait3A_374 = tpu.memref_squeeze %dma_wait3A_373 : memref<1x128x16xf32, #tpu.memory_space<vmem>> -> memref<128x16xf32, #tpu.memory_space<vmem>>
      %dma_wait3A_375 = arith.constant 0 : i32
      %dma_wait3A_376 = tpu.memref_slice %arg8[%add3A_242, %dma_wait3A_375] : memref<80x128xi32, #tpu.memory_space<vmem>> -> memref<1x128xi32, #tpu.memory_space<vmem>>
      %dma_wait3A_377 = tpu.memref_squeeze %dma_wait3A_376 : memref<1x128xi32, #tpu.memory_space<vmem>> -> memref<128xi32, #tpu.memory_space<vmem>>
      %dma_wait3A_378 = arith.constant 0 : i32
      %dma_wait3A_379 = arith.constant 0 : i32
      %dma_wait3A_380 = tpu.memref_slice %arg12[%dma_wait3A_378, %dma_wait3A_379] : memref<10240x16xf32, #tpu.memory_space<vmem_shared>> -> memref<10240x16xf32, #tpu.memory_space<vmem_shared>>
      tpu.wait_indirect_dma semaphore(%arg14 : memref<!tpu.dma_semaphore, #tpu.memory_space<semaphore_mem>>) src(%dma_wait3A_374 : memref<128x16xf32, #tpu.memory_space<vmem>>) dst(%dma_wait3A_380 : memref<10240x16xf32, #tpu.memory_space<vmem_shared>>)
      %dma_wait3A_381 = arith.constant 5 : i32
      %dma_wait3A_382 = arith.constant 0 : i32
      %dma_wait3A_383 = arith.constant 0 : i32
      %dma_wait3A_384 = tpu.memref_slice %arg9[%dma_wait3A_381, %dma_wait3A_382, %dma_wait3A_383] : memref<8x128x16xf32, #tpu.memory_space<vmem>> -> memref<1x128x16xf32, #tpu.memory_space<vmem>>
      %dma_wait3A_385 = tpu.memref_squeeze %dma_wait3A_384 : memref<1x128x16xf32, #tpu.memory_space<vmem>> -> memref<128x16xf32, #tpu.memory_space<vmem>>
      %dma_wait3A_386 = arith.constant 0 : i32
      %dma_wait3A_387 = tpu.memref_slice %arg8[%add3A_266, %dma_wait3A_386] : memref<80x128xi32, #tpu.memory_space<vmem>> -> memref<1x128xi32, #tpu.memory_space<vmem>>
      %dma_wait3A_388 = tpu.memref_squeeze %dma_wait3A_387 : memref<1x128xi32, #tpu.memory_space<vmem>> -> memref<128xi32, #tpu.memory_space<vmem>>
      %dma_wait3A_389 = arith.constant 0 : i32
      %dma_wait3A_390 = arith.constant 0 : i32
      %dma_wait3A_391 = tpu.memref_slice %arg12[%dma_wait3A_389, %dma_wait3A_390] : memref<10240x16xf32, #tpu.memory_space<vmem_shared>> -> memref<10240x16xf32, #tpu.memory_space<vmem_shared>>
      tpu.wait_indirect_dma semaphore(%arg14 : memref<!tpu.dma_semaphore, #tpu.memory_space<semaphore_mem>>) src(%dma_wait3A_385 : memref<128x16xf32, #tpu.memory_space<vmem>>) dst(%dma_wait3A_391 : memref<10240x16xf32, #tpu.memory_space<vmem_shared>>)
      %dma_wait3A_392 = arith.constant 6 : i32
      %dma_wait3A_393 = arith.constant 0 : i32
      %dma_wait3A_394 = arith.constant 0 : i32
      %dma_wait3A_395 = tpu.memref_slice %arg9[%dma_wait3A_392, %dma_wait3A_393, %dma_wait3A_394] : memref<8x128x16xf32, #tpu.memory_space<vmem>> -> memref<1x128x16xf32, #tpu.memory_space<vmem>>
      %dma_wait3A_396 = tpu.memref_squeeze %dma_wait3A_395 : memref<1x128x16xf32, #tpu.memory_space<vmem>> -> memref<128x16xf32, #tpu.memory_space<vmem>>
      %dma_wait3A_397 = arith.constant 0 : i32
      %dma_wait3A_398 = tpu.memref_slice %arg8[%add3A_290, %dma_wait3A_397] : memref<80x128xi32, #tpu.memory_space<vmem>> -> memref<1x128xi32, #tpu.memory_space<vmem>>
      %dma_wait3A_399 = tpu.memref_squeeze %dma_wait3A_398 : memref<1x128xi32, #tpu.memory_space<vmem>> -> memref<128xi32, #tpu.memory_space<vmem>>
      %dma_wait3A_400 = arith.constant 0 : i32
      %dma_wait3A_401 = arith.constant 0 : i32
      %dma_wait3A_402 = tpu.memref_slice %arg12[%dma_wait3A_400, %dma_wait3A_401] : memref<10240x16xf32, #tpu.memory_space<vmem_shared>> -> memref<10240x16xf32, #tpu.memory_space<vmem_shared>>
      tpu.wait_indirect_dma semaphore(%arg14 : memref<!tpu.dma_semaphore, #tpu.memory_space<semaphore_mem>>) src(%dma_wait3A_396 : memref<128x16xf32, #tpu.memory_space<vmem>>) dst(%dma_wait3A_402 : memref<10240x16xf32, #tpu.memory_space<vmem_shared>>)
      %dma_wait3A_403 = arith.constant 7 : i32
      %dma_wait3A_404 = arith.constant 0 : i32
      %dma_wait3A_405 = arith.constant 0 : i32
      %dma_wait3A_406 = tpu.memref_slice %arg9[%dma_wait3A_403, %dma_wait3A_404, %dma_wait3A_405] : memref<8x128x16xf32, #tpu.memory_space<vmem>> -> memref<1x128x16xf32, #tpu.memory_space<vmem>>
      %dma_wait3A_407 = tpu.memref_squeeze %dma_wait3A_406 : memref<1x128x16xf32, #tpu.memory_space<vmem>> -> memref<128x16xf32, #tpu.memory_space<vmem>>
      %dma_wait3A_408 = arith.constant 0 : i32
      %dma_wait3A_409 = tpu.memref_slice %arg8[%add3A_314, %dma_wait3A_408] : memref<80x128xi32, #tpu.memory_space<vmem>> -> memref<1x128xi32, #tpu.memory_space<vmem>>
      %dma_wait3A_410 = tpu.memref_squeeze %dma_wait3A_409 : memref<1x128xi32, #tpu.memory_space<vmem>> -> memref<128xi32, #tpu.memory_space<vmem>>
      %dma_wait3A_411 = arith.constant 0 : i32
      %dma_wait3A_412 = arith.constant 0 : i32
      %dma_wait3A_413 = tpu.memref_slice %arg12[%dma_wait3A_411, %dma_wait3A_412] : memref<10240x16xf32, #tpu.memory_space<vmem_shared>> -> memref<10240x16xf32, #tpu.memory_space<vmem_shared>>
      tpu.wait_indirect_dma semaphore(%arg14 : memref<!tpu.dma_semaphore, #tpu.memory_space<semaphore_mem>>) src(%dma_wait3A_407 : memref<128x16xf32, #tpu.memory_space<vmem>>) dst(%dma_wait3A_413 : memref<10240x16xf32, #tpu.memory_space<vmem_shared>>)
    }
    %scan3A_21 = arith.constant 10 : i32
    %barrier3A_22 = arith.constant 0 : index
    tpu.barrier barrier_id(%barrier3A_22)
    %scan3A_23 = arith.constant 0 : i32
    %scan3A_24 = arith.constant 0 : i32
    %scan3A_25 = arith.constant 5 : i32
    %scan3A_26 = arith.addi %scan3A_24, %scan3A_25 : i32
    %scan3A_27 = arith.constant 1 : i32
    scf.for %scan3A_29 = %scan3A_24 to %scan3A_26 step %scan3A_27  : i32 {
      %mul3A_30 = arith.constant 640 : i32
      %mul3A_31 = arith.muli %arg1, %mul3A_30 : i32
      %mul3A_32 = arith.constant 128 : i32
      %mul3A_33 = arith.muli %scan3A_29, %mul3A_32 : i32
      %add3A_34 = arith.addi %mul3A_31, %mul3A_33 : i32
      "tpu.region"() ({
        %run_scoped3A = tpu.sem_alloc : memref<!tpu.dma_semaphore, #tpu.memory_space<semaphore_mem>>
        %dma_start3A = arith.constant 0 : i32
        %dma_start3A_38 = tpu.memref_slice %arg12[%add3A_34, %dma_start3A] : memref<10240x16xf32, #tpu.memory_space<vmem_shared>> -> memref<128x16xf32, #tpu.memory_space<vmem_shared>>
        %dma_start3A_39 = arith.constant 0 : i32
        %dma_start3A_40 = tpu.memref_slice %arg12[%add3A_34, %dma_start3A_39] : memref<10240x16xf32, #tpu.memory_space<vmem_shared>> -> memref<128x16xf32, #tpu.memory_space<vmem_shared>>
        tpu.enqueue_dma source(%dma_start3A_40 : memref<128x16xf32, #tpu.memory_space<vmem_shared>>) target(%arg10 : memref<128x16xf32, #tpu.memory_space<vmem>>) target_semaphore(%run_scoped3A : memref<!tpu.dma_semaphore, #tpu.memory_space<semaphore_mem>>)
        %dma_wait3A = arith.constant 0 : i32
        %dma_wait3A_41 = tpu.memref_slice %arg12[%add3A_34, %dma_wait3A] : memref<10240x16xf32, #tpu.memory_space<vmem_shared>> -> memref<128x16xf32, #tpu.memory_space<vmem_shared>>
        %dma_wait3A_42 = arith.constant 0 : i32
        %dma_wait3A_43 = tpu.memref_slice %arg12[%add3A_34, %dma_wait3A_42] : memref<10240x16xf32, #tpu.memory_space<vmem_shared>> -> memref<128x16xf32, #tpu.memory_space<vmem_shared>>
        tpu.wait_dma2 semaphore(%run_scoped3A : memref<!tpu.dma_semaphore, #tpu.memory_space<semaphore_mem>>) src(%dma_wait3A_43 : memref<128x16xf32, #tpu.memory_space<vmem_shared>>) dst(%arg10 : memref<128x16xf32, #tpu.memory_space<vmem>>)
        tpu.yield
      }) : () -> ()
      %mul3A_35 = arith.constant 10240 : i32
      %mul3A_36 = arith.muli %arg0, %mul3A_35 : i32
      %add3A_37 = arith.addi %mul3A_36, %add3A_34 : i32
      "tpu.region"() ({
        %run_scoped3A = tpu.sem_alloc : memref<!tpu.dma_semaphore, #tpu.memory_space<semaphore_mem>>
        %dma_start3A = arith.constant 0 : i32
        %dma_start3A_38 = tpu.memref_slice %arg6[%add3A_37, %dma_start3A] : memref<20480x16xf32, #tpu.memory_space<hbm>> -> memref<128x16xf32, #tpu.memory_space<hbm>>
        %dma_start3A_39 = arith.constant 0 : i32
        %dma_start3A_40 = tpu.memref_slice %arg6[%add3A_37, %dma_start3A_39] : memref<20480x16xf32, #tpu.memory_space<hbm>> -> memref<128x16xf32, #tpu.memory_space<hbm>>
        tpu.enqueue_dma source(%arg10 : memref<128x16xf32, #tpu.memory_space<vmem>>) target(%dma_start3A_40 : memref<128x16xf32, #tpu.memory_space<hbm>>) target_semaphore(%run_scoped3A : memref<!tpu.dma_semaphore, #tpu.memory_space<semaphore_mem>>)
        %dma_wait3A = arith.constant 0 : i32
        %dma_wait3A_41 = tpu.memref_slice %arg6[%add3A_37, %dma_wait3A] : memref<20480x16xf32, #tpu.memory_space<hbm>> -> memref<128x16xf32, #tpu.memory_space<hbm>>
        %dma_wait3A_42 = arith.constant 0 : i32
        %dma_wait3A_43 = tpu.memref_slice %arg6[%add3A_37, %dma_wait3A_42] : memref<20480x16xf32, #tpu.memory_space<hbm>> -> memref<128x16xf32, #tpu.memory_space<hbm>>
        tpu.wait_dma2 semaphore(%run_scoped3A : memref<!tpu.dma_semaphore, #tpu.memory_space<semaphore_mem>>) src(%arg10 : memref<128x16xf32, #tpu.memory_space<vmem>>) dst(%dma_wait3A_43 : memref<128x16xf32, #tpu.memory_space<hbm>>)
        tpu.yield
      }) : () -> ()
    }
    %scan3A_28 = arith.constant 5 : i32
    return
  }
}

#map = affine_map<(d0, d1) -> (0)>
#map1 = affine_map<(d0, d1) -> (0, 0)>
module attributes {stable_mosaic.version = 14 : i64} {
  func.func @_sc_agg2(%arg0: i32, %arg1: i32, %arg2: memref<10240xf32, #tpu.memory_space<hbm>>, %arg3: memref<2560x128xi32, #tpu.memory_space<hbm>>, %arg4: memref<2560x128xi32, #tpu.memory_space<hbm>>, %arg5: memref<640xf32, #tpu.memory_space<hbm>>, %arg6: memref<20480xf32, #tpu.memory_space<hbm>>, %arg7: memref<80x128xi32, #tpu.memory_space<vmem>>, %arg8: memref<80x128xi32, #tpu.memory_space<vmem>>, %arg9: memref<8x128xf32, #tpu.memory_space<vmem>>, %arg10: memref<640xf32, #tpu.memory_space<vmem>>, %arg11: memref<10240xf32, #tpu.memory_space<vmem_shared>>, %arg12: memref<10240xf32, #tpu.memory_space<vmem_shared>>, %arg13: memref<!tpu.dma_semaphore, #tpu.memory_space<semaphore_mem>>, %arg14: memref<!tpu.dma_semaphore, #tpu.memory_space<semaphore_mem>>) attributes {dimension_semantics = [#tpu.dimension_semantics<core_parallel>, #tpu.dimension_semantics<subcore_parallel>], iteration_bounds = array<i64: 2, 16>, scalar_prefetch = 0 : i64, scratch_operands = 8 : i64, tpu.core_type = #tpu.core_type<sc_vector_subcore>, window_params = [{transform_indices = #map}, {transform_indices = #map1}, {transform_indices = #map1}, {transform_indices = #map}, {transform_indices = #map}]} {
    %mul3A = arith.constant 16 : i32
    %mul3A_0 = arith.muli %arg0, %mul3A : i32
    %add3A = arith.addi %mul3A_0, %arg1 : i32
    "tpu.region"() ({
      %run_scoped3A = tpu.sem_alloc : memref<!tpu.dma_semaphore, #tpu.memory_space<semaphore_mem>>
      %dma_start3A = arith.constant 0 : i32
      %dma_start3A_24 = tpu.memref_slice %arg5[%dma_start3A] : memref<640xf32, #tpu.memory_space<hbm>> -> memref<640xf32, #tpu.memory_space<hbm>>
      %dma_start3A_25 = arith.constant 0 : i32
      %dma_start3A_26 = tpu.memref_slice %arg5[%dma_start3A_25] : memref<640xf32, #tpu.memory_space<hbm>> -> memref<640xf32, #tpu.memory_space<hbm>>
      tpu.enqueue_dma source(%dma_start3A_26 : memref<640xf32, #tpu.memory_space<hbm>>) target(%arg10 : memref<640xf32, #tpu.memory_space<vmem>>) target_semaphore(%run_scoped3A : memref<!tpu.dma_semaphore, #tpu.memory_space<semaphore_mem>>)
      %dma_wait3A = arith.constant 0 : i32
      %dma_wait3A_27 = tpu.memref_slice %arg5[%dma_wait3A] : memref<640xf32, #tpu.memory_space<hbm>> -> memref<640xf32, #tpu.memory_space<hbm>>
      %dma_wait3A_28 = arith.constant 0 : i32
      %dma_wait3A_29 = tpu.memref_slice %arg5[%dma_wait3A_28] : memref<640xf32, #tpu.memory_space<hbm>> -> memref<640xf32, #tpu.memory_space<hbm>>
      tpu.wait_dma2 semaphore(%run_scoped3A : memref<!tpu.dma_semaphore, #tpu.memory_space<semaphore_mem>>) src(%dma_wait3A_29 : memref<640xf32, #tpu.memory_space<hbm>>) dst(%arg10 : memref<640xf32, #tpu.memory_space<vmem>>)
      tpu.yield
    }) : () -> ()
    %mul3A_1 = arith.constant 640 : i32
    %mul3A_2 = arith.muli %arg1, %mul3A_1 : i32
    "tpu.region"() ({
      %run_scoped3A = tpu.sem_alloc : memref<!tpu.dma_semaphore, #tpu.memory_space<semaphore_mem>>
      %dma_start3A = tpu.memref_slice %arg12[%mul3A_2] : memref<10240xf32, #tpu.memory_space<vmem_shared>> -> memref<640xf32, #tpu.memory_space<vmem_shared>>
      %dma_start3A_24 = tpu.memref_slice %arg12[%mul3A_2] : memref<10240xf32, #tpu.memory_space<vmem_shared>> -> memref<640xf32, #tpu.memory_space<vmem_shared>>
      tpu.enqueue_dma source(%arg10 : memref<640xf32, #tpu.memory_space<vmem>>) target(%dma_start3A_24 : memref<640xf32, #tpu.memory_space<vmem_shared>>) target_semaphore(%run_scoped3A : memref<!tpu.dma_semaphore, #tpu.memory_space<semaphore_mem>>)
      %dma_wait3A = tpu.memref_slice %arg12[%mul3A_2] : memref<10240xf32, #tpu.memory_space<vmem_shared>> -> memref<640xf32, #tpu.memory_space<vmem_shared>>
      %dma_wait3A_25 = tpu.memref_slice %arg12[%mul3A_2] : memref<10240xf32, #tpu.memory_space<vmem_shared>> -> memref<640xf32, #tpu.memory_space<vmem_shared>>
      tpu.wait_dma2 semaphore(%run_scoped3A : memref<!tpu.dma_semaphore, #tpu.memory_space<semaphore_mem>>) src(%arg10 : memref<640xf32, #tpu.memory_space<vmem>>) dst(%dma_wait3A_25 : memref<640xf32, #tpu.memory_space<vmem_shared>>)
      tpu.yield
    }) : () -> ()
    %mul3A_3 = arith.constant 640 : i32
    %mul3A_4 = arith.muli %arg1, %mul3A_3 : i32
    "tpu.region"() ({
      %run_scoped3A = tpu.sem_alloc : memref<!tpu.dma_semaphore, #tpu.memory_space<semaphore_mem>>
      %dma_start3A = tpu.memref_slice %arg2[%mul3A_4] : memref<10240xf32, #tpu.memory_space<hbm>> -> memref<640xf32, #tpu.memory_space<hbm>>
      %dma_start3A_24 = tpu.memref_slice %arg2[%mul3A_4] : memref<10240xf32, #tpu.memory_space<hbm>> -> memref<640xf32, #tpu.memory_space<hbm>>
      tpu.enqueue_dma source(%dma_start3A_24 : memref<640xf32, #tpu.memory_space<hbm>>) target(%arg10 : memref<640xf32, #tpu.memory_space<vmem>>) target_semaphore(%run_scoped3A : memref<!tpu.dma_semaphore, #tpu.memory_space<semaphore_mem>>)
      %dma_wait3A = tpu.memref_slice %arg2[%mul3A_4] : memref<10240xf32, #tpu.memory_space<hbm>> -> memref<640xf32, #tpu.memory_space<hbm>>
      %dma_wait3A_25 = tpu.memref_slice %arg2[%mul3A_4] : memref<10240xf32, #tpu.memory_space<hbm>> -> memref<640xf32, #tpu.memory_space<hbm>>
      tpu.wait_dma2 semaphore(%run_scoped3A : memref<!tpu.dma_semaphore, #tpu.memory_space<semaphore_mem>>) src(%dma_wait3A_25 : memref<640xf32, #tpu.memory_space<hbm>>) dst(%arg10 : memref<640xf32, #tpu.memory_space<vmem>>)
      tpu.yield
    }) : () -> ()
    %mul3A_5 = arith.constant 640 : i32
    %mul3A_6 = arith.muli %arg1, %mul3A_5 : i32
    "tpu.region"() ({
      %run_scoped3A = tpu.sem_alloc : memref<!tpu.dma_semaphore, #tpu.memory_space<semaphore_mem>>
      %dma_start3A = tpu.memref_slice %arg11[%mul3A_6] : memref<10240xf32, #tpu.memory_space<vmem_shared>> -> memref<640xf32, #tpu.memory_space<vmem_shared>>
      %dma_start3A_24 = tpu.memref_slice %arg11[%mul3A_6] : memref<10240xf32, #tpu.memory_space<vmem_shared>> -> memref<640xf32, #tpu.memory_space<vmem_shared>>
      tpu.enqueue_dma source(%arg10 : memref<640xf32, #tpu.memory_space<vmem>>) target(%dma_start3A_24 : memref<640xf32, #tpu.memory_space<vmem_shared>>) target_semaphore(%run_scoped3A : memref<!tpu.dma_semaphore, #tpu.memory_space<semaphore_mem>>)
      %dma_wait3A = tpu.memref_slice %arg11[%mul3A_6] : memref<10240xf32, #tpu.memory_space<vmem_shared>> -> memref<640xf32, #tpu.memory_space<vmem_shared>>
      %dma_wait3A_25 = tpu.memref_slice %arg11[%mul3A_6] : memref<10240xf32, #tpu.memory_space<vmem_shared>> -> memref<640xf32, #tpu.memory_space<vmem_shared>>
      tpu.wait_dma2 semaphore(%run_scoped3A : memref<!tpu.dma_semaphore, #tpu.memory_space<semaphore_mem>>) src(%arg10 : memref<640xf32, #tpu.memory_space<vmem>>) dst(%dma_wait3A_25 : memref<640xf32, #tpu.memory_space<vmem_shared>>)
      tpu.yield
    }) : () -> ()
    %mul3A_7 = arith.constant 80 : i32
    %mul3A_8 = arith.muli %add3A, %mul3A_7 : i32
    "tpu.region"() ({
      %run_scoped3A = tpu.sem_alloc : memref<!tpu.dma_semaphore, #tpu.memory_space<semaphore_mem>>
      %dma_start3A = arith.constant 0 : i32
      %dma_start3A_24 = tpu.memref_slice %arg3[%mul3A_8, %dma_start3A] : memref<2560x128xi32, #tpu.memory_space<hbm>> -> memref<80x128xi32, #tpu.memory_space<hbm>>
      %dma_start3A_25 = arith.constant 0 : i32
      %dma_start3A_26 = tpu.memref_slice %arg3[%mul3A_8, %dma_start3A_25] : memref<2560x128xi32, #tpu.memory_space<hbm>> -> memref<80x128xi32, #tpu.memory_space<hbm>>
      tpu.enqueue_dma source(%dma_start3A_26 : memref<80x128xi32, #tpu.memory_space<hbm>>) target(%arg7 : memref<80x128xi32, #tpu.memory_space<vmem>>) target_semaphore(%run_scoped3A : memref<!tpu.dma_semaphore, #tpu.memory_space<semaphore_mem>>)
      %dma_wait3A = arith.constant 0 : i32
      %dma_wait3A_27 = tpu.memref_slice %arg3[%mul3A_8, %dma_wait3A] : memref<2560x128xi32, #tpu.memory_space<hbm>> -> memref<80x128xi32, #tpu.memory_space<hbm>>
      %dma_wait3A_28 = arith.constant 0 : i32
      %dma_wait3A_29 = tpu.memref_slice %arg3[%mul3A_8, %dma_wait3A_28] : memref<2560x128xi32, #tpu.memory_space<hbm>> -> memref<80x128xi32, #tpu.memory_space<hbm>>
      tpu.wait_dma2 semaphore(%run_scoped3A : memref<!tpu.dma_semaphore, #tpu.memory_space<semaphore_mem>>) src(%dma_wait3A_29 : memref<80x128xi32, #tpu.memory_space<hbm>>) dst(%arg7 : memref<80x128xi32, #tpu.memory_space<vmem>>)
      tpu.yield
    }) : () -> ()
    %mul3A_9 = arith.constant 80 : i32
    %mul3A_10 = arith.muli %add3A, %mul3A_9 : i32
    "tpu.region"() ({
      %run_scoped3A = tpu.sem_alloc : memref<!tpu.dma_semaphore, #tpu.memory_space<semaphore_mem>>
      %dma_start3A = arith.constant 0 : i32
      %dma_start3A_24 = tpu.memref_slice %arg4[%mul3A_10, %dma_start3A] : memref<2560x128xi32, #tpu.memory_space<hbm>> -> memref<80x128xi32, #tpu.memory_space<hbm>>
      %dma_start3A_25 = arith.constant 0 : i32
      %dma_start3A_26 = tpu.memref_slice %arg4[%mul3A_10, %dma_start3A_25] : memref<2560x128xi32, #tpu.memory_space<hbm>> -> memref<80x128xi32, #tpu.memory_space<hbm>>
      tpu.enqueue_dma source(%dma_start3A_26 : memref<80x128xi32, #tpu.memory_space<hbm>>) target(%arg8 : memref<80x128xi32, #tpu.memory_space<vmem>>) target_semaphore(%run_scoped3A : memref<!tpu.dma_semaphore, #tpu.memory_space<semaphore_mem>>)
      %dma_wait3A = arith.constant 0 : i32
      %dma_wait3A_27 = tpu.memref_slice %arg4[%mul3A_10, %dma_wait3A] : memref<2560x128xi32, #tpu.memory_space<hbm>> -> memref<80x128xi32, #tpu.memory_space<hbm>>
      %dma_wait3A_28 = arith.constant 0 : i32
      %dma_wait3A_29 = tpu.memref_slice %arg4[%mul3A_10, %dma_wait3A_28] : memref<2560x128xi32, #tpu.memory_space<hbm>> -> memref<80x128xi32, #tpu.memory_space<hbm>>
      tpu.wait_dma2 semaphore(%run_scoped3A : memref<!tpu.dma_semaphore, #tpu.memory_space<semaphore_mem>>) src(%dma_wait3A_29 : memref<80x128xi32, #tpu.memory_space<hbm>>) dst(%arg8 : memref<80x128xi32, #tpu.memory_space<vmem>>)
      tpu.yield
    }) : () -> ()
    %barrier3A = arith.constant 0 : index
    tpu.barrier barrier_id(%barrier3A)
    %scan3A = arith.constant 0 : i32
    %scan3A_11 = arith.constant 0 : i32
    %scan3A_12 = arith.constant 10 : i32
    %scan3A_13 = arith.addi %scan3A_11, %scan3A_12 : i32
    %scan3A_14 = arith.constant 1 : i32
    scf.for %scan3A_24 = %scan3A_11 to %scan3A_13 step %scan3A_14  : i32 {
      %mul3A_25 = arith.constant 8 : i32
      %mul3A_26 = arith.muli %scan3A_24, %mul3A_25 : i32
      %add3A_27 = arith.constant 0 : i32
      %add3A_28 = arith.addi %mul3A_26, %add3A_27 : i32
      %dma_start3A = arith.constant 0 : i32
      %dma_start3A_29 = arith.constant 0 : i32
      %dma_start3A_30 = tpu.memref_slice %arg9[%dma_start3A, %dma_start3A_29] : memref<8x128xf32, #tpu.memory_space<vmem>> -> memref<1x128xf32, #tpu.memory_space<vmem>>
      %dma_start3A_31 = tpu.memref_squeeze %dma_start3A_30 : memref<1x128xf32, #tpu.memory_space<vmem>> -> memref<128xf32, #tpu.memory_space<vmem>>
      %dma_start3A_32 = arith.constant 0 : i32
      %dma_start3A_33 = tpu.memref_slice %arg7[%add3A_28, %dma_start3A_32] : memref<80x128xi32, #tpu.memory_space<vmem>> -> memref<1x128xi32, #tpu.memory_space<vmem>>
      %dma_start3A_34 = tpu.memref_squeeze %dma_start3A_33 : memref<1x128xi32, #tpu.memory_space<vmem>> -> memref<128xi32, #tpu.memory_space<vmem>>
      %dma_start3A_35 = arith.constant 0 : i32
      %dma_start3A_36 = tpu.memref_slice %arg11[%dma_start3A_35] : memref<10240xf32, #tpu.memory_space<vmem_shared>> -> memref<10240xf32, #tpu.memory_space<vmem_shared>>
      tpu.enqueue_indirect_dma source(%dma_start3A_36 : memref<10240xf32, #tpu.memory_space<vmem_shared>>) target(%dma_start3A_31 : memref<128xf32, #tpu.memory_space<vmem>>) offsets(%dma_start3A_34 : memref<128xi32, #tpu.memory_space<vmem>>) semaphore(%arg13 : memref<!tpu.dma_semaphore, #tpu.memory_space<semaphore_mem>>)
      %add3A_37 = arith.constant 1 : i32
      %add3A_38 = arith.addi %mul3A_26, %add3A_37 : i32
      %dma_start3A_39 = arith.constant 1 : i32
      %dma_start3A_40 = arith.constant 0 : i32
      %dma_start3A_41 = tpu.memref_slice %arg9[%dma_start3A_39, %dma_start3A_40] : memref<8x128xf32, #tpu.memory_space<vmem>> -> memref<1x128xf32, #tpu.memory_space<vmem>>
      %dma_start3A_42 = tpu.memref_squeeze %dma_start3A_41 : memref<1x128xf32, #tpu.memory_space<vmem>> -> memref<128xf32, #tpu.memory_space<vmem>>
      %dma_start3A_43 = arith.constant 0 : i32
      %dma_start3A_44 = tpu.memref_slice %arg7[%add3A_38, %dma_start3A_43] : memref<80x128xi32, #tpu.memory_space<vmem>> -> memref<1x128xi32, #tpu.memory_space<vmem>>
      %dma_start3A_45 = tpu.memref_squeeze %dma_start3A_44 : memref<1x128xi32, #tpu.memory_space<vmem>> -> memref<128xi32, #tpu.memory_space<vmem>>
      %dma_start3A_46 = arith.constant 0 : i32
      %dma_start3A_47 = tpu.memref_slice %arg11[%dma_start3A_46] : memref<10240xf32, #tpu.memory_space<vmem_shared>> -> memref<10240xf32, #tpu.memory_space<vmem_shared>>
      tpu.enqueue_indirect_dma source(%dma_start3A_47 : memref<10240xf32, #tpu.memory_space<vmem_shared>>) target(%dma_start3A_42 : memref<128xf32, #tpu.memory_space<vmem>>) offsets(%dma_start3A_45 : memref<128xi32, #tpu.memory_space<vmem>>) semaphore(%arg13 : memref<!tpu.dma_semaphore, #tpu.memory_space<semaphore_mem>>)
      %add3A_48 = arith.constant 2 : i32
      %add3A_49 = arith.addi %mul3A_26, %add3A_48 : i32
      %dma_start3A_50 = arith.constant 2 : i32
      %dma_start3A_51 = arith.constant 0 : i32
      %dma_start3A_52 = tpu.memref_slice %arg9[%dma_start3A_50, %dma_start3A_51] : memref<8x128xf32, #tpu.memory_space<vmem>> -> memref<1x128xf32, #tpu.memory_space<vmem>>
      %dma_start3A_53 = tpu.memref_squeeze %dma_start3A_52 : memref<1x128xf32, #tpu.memory_space<vmem>> -> memref<128xf32, #tpu.memory_space<vmem>>
      %dma_start3A_54 = arith.constant 0 : i32
      %dma_start3A_55 = tpu.memref_slice %arg7[%add3A_49, %dma_start3A_54] : memref<80x128xi32, #tpu.memory_space<vmem>> -> memref<1x128xi32, #tpu.memory_space<vmem>>
      %dma_start3A_56 = tpu.memref_squeeze %dma_start3A_55 : memref<1x128xi32, #tpu.memory_space<vmem>> -> memref<128xi32, #tpu.memory_space<vmem>>
      %dma_start3A_57 = arith.constant 0 : i32
      %dma_start3A_58 = tpu.memref_slice %arg11[%dma_start3A_57] : memref<10240xf32, #tpu.memory_space<vmem_shared>> -> memref<10240xf32, #tpu.memory_space<vmem_shared>>
      tpu.enqueue_indirect_dma source(%dma_start3A_58 : memref<10240xf32, #tpu.memory_space<vmem_shared>>) target(%dma_start3A_53 : memref<128xf32, #tpu.memory_space<vmem>>) offsets(%dma_start3A_56 : memref<128xi32, #tpu.memory_space<vmem>>) semaphore(%arg13 : memref<!tpu.dma_semaphore, #tpu.memory_space<semaphore_mem>>)
      %add3A_59 = arith.constant 3 : i32
      %add3A_60 = arith.addi %mul3A_26, %add3A_59 : i32
      %dma_start3A_61 = arith.constant 3 : i32
      %dma_start3A_62 = arith.constant 0 : i32
      %dma_start3A_63 = tpu.memref_slice %arg9[%dma_start3A_61, %dma_start3A_62] : memref<8x128xf32, #tpu.memory_space<vmem>> -> memref<1x128xf32, #tpu.memory_space<vmem>>
      %dma_start3A_64 = tpu.memref_squeeze %dma_start3A_63 : memref<1x128xf32, #tpu.memory_space<vmem>> -> memref<128xf32, #tpu.memory_space<vmem>>
      %dma_start3A_65 = arith.constant 0 : i32
      %dma_start3A_66 = tpu.memref_slice %arg7[%add3A_60, %dma_start3A_65] : memref<80x128xi32, #tpu.memory_space<vmem>> -> memref<1x128xi32, #tpu.memory_space<vmem>>
      %dma_start3A_67 = tpu.memref_squeeze %dma_start3A_66 : memref<1x128xi32, #tpu.memory_space<vmem>> -> memref<128xi32, #tpu.memory_space<vmem>>
      %dma_start3A_68 = arith.constant 0 : i32
      %dma_start3A_69 = tpu.memref_slice %arg11[%dma_start3A_68] : memref<10240xf32, #tpu.memory_space<vmem_shared>> -> memref<10240xf32, #tpu.memory_space<vmem_shared>>
      tpu.enqueue_indirect_dma source(%dma_start3A_69 : memref<10240xf32, #tpu.memory_space<vmem_shared>>) target(%dma_start3A_64 : memref<128xf32, #tpu.memory_space<vmem>>) offsets(%dma_start3A_67 : memref<128xi32, #tpu.memory_space<vmem>>) semaphore(%arg13 : memref<!tpu.dma_semaphore, #tpu.memory_space<semaphore_mem>>)
      %add3A_70 = arith.constant 4 : i32
      %add3A_71 = arith.addi %mul3A_26, %add3A_70 : i32
      %dma_start3A_72 = arith.constant 4 : i32
      %dma_start3A_73 = arith.constant 0 : i32
      %dma_start3A_74 = tpu.memref_slice %arg9[%dma_start3A_72, %dma_start3A_73] : memref<8x128xf32, #tpu.memory_space<vmem>> -> memref<1x128xf32, #tpu.memory_space<vmem>>
      %dma_start3A_75 = tpu.memref_squeeze %dma_start3A_74 : memref<1x128xf32, #tpu.memory_space<vmem>> -> memref<128xf32, #tpu.memory_space<vmem>>
      %dma_start3A_76 = arith.constant 0 : i32
      %dma_start3A_77 = tpu.memref_slice %arg7[%add3A_71, %dma_start3A_76] : memref<80x128xi32, #tpu.memory_space<vmem>> -> memref<1x128xi32, #tpu.memory_space<vmem>>
      %dma_start3A_78 = tpu.memref_squeeze %dma_start3A_77 : memref<1x128xi32, #tpu.memory_space<vmem>> -> memref<128xi32, #tpu.memory_space<vmem>>
      %dma_start3A_79 = arith.constant 0 : i32
      %dma_start3A_80 = tpu.memref_slice %arg11[%dma_start3A_79] : memref<10240xf32, #tpu.memory_space<vmem_shared>> -> memref<10240xf32, #tpu.memory_space<vmem_shared>>
      tpu.enqueue_indirect_dma source(%dma_start3A_80 : memref<10240xf32, #tpu.memory_space<vmem_shared>>) target(%dma_start3A_75 : memref<128xf32, #tpu.memory_space<vmem>>) offsets(%dma_start3A_78 : memref<128xi32, #tpu.memory_space<vmem>>) semaphore(%arg13 : memref<!tpu.dma_semaphore, #tpu.memory_space<semaphore_mem>>)
      %add3A_81 = arith.constant 5 : i32
      %add3A_82 = arith.addi %mul3A_26, %add3A_81 : i32
      %dma_start3A_83 = arith.constant 5 : i32
      %dma_start3A_84 = arith.constant 0 : i32
      %dma_start3A_85 = tpu.memref_slice %arg9[%dma_start3A_83, %dma_start3A_84] : memref<8x128xf32, #tpu.memory_space<vmem>> -> memref<1x128xf32, #tpu.memory_space<vmem>>
      %dma_start3A_86 = tpu.memref_squeeze %dma_start3A_85 : memref<1x128xf32, #tpu.memory_space<vmem>> -> memref<128xf32, #tpu.memory_space<vmem>>
      %dma_start3A_87 = arith.constant 0 : i32
      %dma_start3A_88 = tpu.memref_slice %arg7[%add3A_82, %dma_start3A_87] : memref<80x128xi32, #tpu.memory_space<vmem>> -> memref<1x128xi32, #tpu.memory_space<vmem>>
      %dma_start3A_89 = tpu.memref_squeeze %dma_start3A_88 : memref<1x128xi32, #tpu.memory_space<vmem>> -> memref<128xi32, #tpu.memory_space<vmem>>
      %dma_start3A_90 = arith.constant 0 : i32
      %dma_start3A_91 = tpu.memref_slice %arg11[%dma_start3A_90] : memref<10240xf32, #tpu.memory_space<vmem_shared>> -> memref<10240xf32, #tpu.memory_space<vmem_shared>>
      tpu.enqueue_indirect_dma source(%dma_start3A_91 : memref<10240xf32, #tpu.memory_space<vmem_shared>>) target(%dma_start3A_86 : memref<128xf32, #tpu.memory_space<vmem>>) offsets(%dma_start3A_89 : memref<128xi32, #tpu.memory_space<vmem>>) semaphore(%arg13 : memref<!tpu.dma_semaphore, #tpu.memory_space<semaphore_mem>>)
      %add3A_92 = arith.constant 6 : i32
      %add3A_93 = arith.addi %mul3A_26, %add3A_92 : i32
      %dma_start3A_94 = arith.constant 6 : i32
      %dma_start3A_95 = arith.constant 0 : i32
      %dma_start3A_96 = tpu.memref_slice %arg9[%dma_start3A_94, %dma_start3A_95] : memref<8x128xf32, #tpu.memory_space<vmem>> -> memref<1x128xf32, #tpu.memory_space<vmem>>
      %dma_start3A_97 = tpu.memref_squeeze %dma_start3A_96 : memref<1x128xf32, #tpu.memory_space<vmem>> -> memref<128xf32, #tpu.memory_space<vmem>>
      %dma_start3A_98 = arith.constant 0 : i32
      %dma_start3A_99 = tpu.memref_slice %arg7[%add3A_93, %dma_start3A_98] : memref<80x128xi32, #tpu.memory_space<vmem>> -> memref<1x128xi32, #tpu.memory_space<vmem>>
      %dma_start3A_100 = tpu.memref_squeeze %dma_start3A_99 : memref<1x128xi32, #tpu.memory_space<vmem>> -> memref<128xi32, #tpu.memory_space<vmem>>
      %dma_start3A_101 = arith.constant 0 : i32
      %dma_start3A_102 = tpu.memref_slice %arg11[%dma_start3A_101] : memref<10240xf32, #tpu.memory_space<vmem_shared>> -> memref<10240xf32, #tpu.memory_space<vmem_shared>>
      tpu.enqueue_indirect_dma source(%dma_start3A_102 : memref<10240xf32, #tpu.memory_space<vmem_shared>>) target(%dma_start3A_97 : memref<128xf32, #tpu.memory_space<vmem>>) offsets(%dma_start3A_100 : memref<128xi32, #tpu.memory_space<vmem>>) semaphore(%arg13 : memref<!tpu.dma_semaphore, #tpu.memory_space<semaphore_mem>>)
      %add3A_103 = arith.constant 7 : i32
      %add3A_104 = arith.addi %mul3A_26, %add3A_103 : i32
      %dma_start3A_105 = arith.constant 7 : i32
      %dma_start3A_106 = arith.constant 0 : i32
      %dma_start3A_107 = tpu.memref_slice %arg9[%dma_start3A_105, %dma_start3A_106] : memref<8x128xf32, #tpu.memory_space<vmem>> -> memref<1x128xf32, #tpu.memory_space<vmem>>
      %dma_start3A_108 = tpu.memref_squeeze %dma_start3A_107 : memref<1x128xf32, #tpu.memory_space<vmem>> -> memref<128xf32, #tpu.memory_space<vmem>>
      %dma_start3A_109 = arith.constant 0 : i32
      %dma_start3A_110 = tpu.memref_slice %arg7[%add3A_104, %dma_start3A_109] : memref<80x128xi32, #tpu.memory_space<vmem>> -> memref<1x128xi32, #tpu.memory_space<vmem>>
      %dma_start3A_111 = tpu.memref_squeeze %dma_start3A_110 : memref<1x128xi32, #tpu.memory_space<vmem>> -> memref<128xi32, #tpu.memory_space<vmem>>
      %dma_start3A_112 = arith.constant 0 : i32
      %dma_start3A_113 = tpu.memref_slice %arg11[%dma_start3A_112] : memref<10240xf32, #tpu.memory_space<vmem_shared>> -> memref<10240xf32, #tpu.memory_space<vmem_shared>>
      tpu.enqueue_indirect_dma source(%dma_start3A_113 : memref<10240xf32, #tpu.memory_space<vmem_shared>>) target(%dma_start3A_108 : memref<128xf32, #tpu.memory_space<vmem>>) offsets(%dma_start3A_111 : memref<128xi32, #tpu.memory_space<vmem>>) semaphore(%arg13 : memref<!tpu.dma_semaphore, #tpu.memory_space<semaphore_mem>>)
      %dma_wait3A = arith.constant 0 : i32
      %dma_wait3A_114 = arith.constant 0 : i32
      %dma_wait3A_115 = tpu.memref_slice %arg9[%dma_wait3A, %dma_wait3A_114] : memref<8x128xf32, #tpu.memory_space<vmem>> -> memref<1x128xf32, #tpu.memory_space<vmem>>
      %dma_wait3A_116 = tpu.memref_squeeze %dma_wait3A_115 : memref<1x128xf32, #tpu.memory_space<vmem>> -> memref<128xf32, #tpu.memory_space<vmem>>
      %dma_wait3A_117 = arith.constant 0 : i32
      %dma_wait3A_118 = tpu.memref_slice %arg7[%add3A_28, %dma_wait3A_117] : memref<80x128xi32, #tpu.memory_space<vmem>> -> memref<1x128xi32, #tpu.memory_space<vmem>>
      %dma_wait3A_119 = tpu.memref_squeeze %dma_wait3A_118 : memref<1x128xi32, #tpu.memory_space<vmem>> -> memref<128xi32, #tpu.memory_space<vmem>>
      %dma_wait3A_120 = arith.constant 0 : i32
      %dma_wait3A_121 = tpu.memref_slice %arg11[%dma_wait3A_120] : memref<10240xf32, #tpu.memory_space<vmem_shared>> -> memref<10240xf32, #tpu.memory_space<vmem_shared>>
      tpu.wait_indirect_dma semaphore(%arg13 : memref<!tpu.dma_semaphore, #tpu.memory_space<semaphore_mem>>) src(%dma_wait3A_121 : memref<10240xf32, #tpu.memory_space<vmem_shared>>) dst(%dma_wait3A_116 : memref<128xf32, #tpu.memory_space<vmem>>)
      %add3A_122 = arith.constant 0 : i32
      %add3A_123 = arith.addi %mul3A_26, %add3A_122 : i32
      %dma_start3A_124 = arith.constant 0 : i32
      %dma_start3A_125 = arith.constant 0 : i32
      %dma_start3A_126 = tpu.memref_slice %arg9[%dma_start3A_124, %dma_start3A_125] : memref<8x128xf32, #tpu.memory_space<vmem>> -> memref<1x128xf32, #tpu.memory_space<vmem>>
      %dma_start3A_127 = tpu.memref_squeeze %dma_start3A_126 : memref<1x128xf32, #tpu.memory_space<vmem>> -> memref<128xf32, #tpu.memory_space<vmem>>
      %dma_start3A_128 = arith.constant 0 : i32
      %dma_start3A_129 = tpu.memref_slice %arg8[%add3A_123, %dma_start3A_128] : memref<80x128xi32, #tpu.memory_space<vmem>> -> memref<1x128xi32, #tpu.memory_space<vmem>>
      %dma_start3A_130 = tpu.memref_squeeze %dma_start3A_129 : memref<1x128xi32, #tpu.memory_space<vmem>> -> memref<128xi32, #tpu.memory_space<vmem>>
      %dma_start3A_131 = arith.constant 0 : i32
      %dma_start3A_132 = tpu.memref_slice %arg12[%dma_start3A_131] : memref<10240xf32, #tpu.memory_space<vmem_shared>> -> memref<10240xf32, #tpu.memory_space<vmem_shared>>
      tpu.enqueue_indirect_dma source(%dma_start3A_127 : memref<128xf32, #tpu.memory_space<vmem>>) target(%dma_start3A_132 : memref<10240xf32, #tpu.memory_space<vmem_shared>>) offsets(%dma_start3A_130 : memref<128xi32, #tpu.memory_space<vmem>>) semaphore(%arg14 : memref<!tpu.dma_semaphore, #tpu.memory_space<semaphore_mem>>) {add = true}
      %dma_wait3A_133 = arith.constant 1 : i32
      %dma_wait3A_134 = arith.constant 0 : i32
      %dma_wait3A_135 = tpu.memref_slice %arg9[%dma_wait3A_133, %dma_wait3A_134] : memref<8x128xf32, #tpu.memory_space<vmem>> -> memref<1x128xf32, #tpu.memory_space<vmem>>
      %dma_wait3A_136 = tpu.memref_squeeze %dma_wait3A_135 : memref<1x128xf32, #tpu.memory_space<vmem>> -> memref<128xf32, #tpu.memory_space<vmem>>
      %dma_wait3A_137 = arith.constant 0 : i32
      %dma_wait3A_138 = tpu.memref_slice %arg7[%add3A_38, %dma_wait3A_137] : memref<80x128xi32, #tpu.memory_space<vmem>> -> memref<1x128xi32, #tpu.memory_space<vmem>>
      %dma_wait3A_139 = tpu.memref_squeeze %dma_wait3A_138 : memref<1x128xi32, #tpu.memory_space<vmem>> -> memref<128xi32, #tpu.memory_space<vmem>>
      %dma_wait3A_140 = arith.constant 0 : i32
      %dma_wait3A_141 = tpu.memref_slice %arg11[%dma_wait3A_140] : memref<10240xf32, #tpu.memory_space<vmem_shared>> -> memref<10240xf32, #tpu.memory_space<vmem_shared>>
      tpu.wait_indirect_dma semaphore(%arg13 : memref<!tpu.dma_semaphore, #tpu.memory_space<semaphore_mem>>) src(%dma_wait3A_141 : memref<10240xf32, #tpu.memory_space<vmem_shared>>) dst(%dma_wait3A_136 : memref<128xf32, #tpu.memory_space<vmem>>)
      %add3A_142 = arith.constant 1 : i32
      %add3A_143 = arith.addi %mul3A_26, %add3A_142 : i32
      %dma_start3A_144 = arith.constant 1 : i32
      %dma_start3A_145 = arith.constant 0 : i32
      %dma_start3A_146 = tpu.memref_slice %arg9[%dma_start3A_144, %dma_start3A_145] : memref<8x128xf32, #tpu.memory_space<vmem>> -> memref<1x128xf32, #tpu.memory_space<vmem>>
      %dma_start3A_147 = tpu.memref_squeeze %dma_start3A_146 : memref<1x128xf32, #tpu.memory_space<vmem>> -> memref<128xf32, #tpu.memory_space<vmem>>
      %dma_start3A_148 = arith.constant 0 : i32
      %dma_start3A_149 = tpu.memref_slice %arg8[%add3A_143, %dma_start3A_148] : memref<80x128xi32, #tpu.memory_space<vmem>> -> memref<1x128xi32, #tpu.memory_space<vmem>>
      %dma_start3A_150 = tpu.memref_squeeze %dma_start3A_149 : memref<1x128xi32, #tpu.memory_space<vmem>> -> memref<128xi32, #tpu.memory_space<vmem>>
      %dma_start3A_151 = arith.constant 0 : i32
      %dma_start3A_152 = tpu.memref_slice %arg12[%dma_start3A_151] : memref<10240xf32, #tpu.memory_space<vmem_shared>> -> memref<10240xf32, #tpu.memory_space<vmem_shared>>
      tpu.enqueue_indirect_dma source(%dma_start3A_147 : memref<128xf32, #tpu.memory_space<vmem>>) target(%dma_start3A_152 : memref<10240xf32, #tpu.memory_space<vmem_shared>>) offsets(%dma_start3A_150 : memref<128xi32, #tpu.memory_space<vmem>>) semaphore(%arg14 : memref<!tpu.dma_semaphore, #tpu.memory_space<semaphore_mem>>) {add = true}
      %dma_wait3A_153 = arith.constant 2 : i32
      %dma_wait3A_154 = arith.constant 0 : i32
      %dma_wait3A_155 = tpu.memref_slice %arg9[%dma_wait3A_153, %dma_wait3A_154] : memref<8x128xf32, #tpu.memory_space<vmem>> -> memref<1x128xf32, #tpu.memory_space<vmem>>
      %dma_wait3A_156 = tpu.memref_squeeze %dma_wait3A_155 : memref<1x128xf32, #tpu.memory_space<vmem>> -> memref<128xf32, #tpu.memory_space<vmem>>
      %dma_wait3A_157 = arith.constant 0 : i32
      %dma_wait3A_158 = tpu.memref_slice %arg7[%add3A_49, %dma_wait3A_157] : memref<80x128xi32, #tpu.memory_space<vmem>> -> memref<1x128xi32, #tpu.memory_space<vmem>>
      %dma_wait3A_159 = tpu.memref_squeeze %dma_wait3A_158 : memref<1x128xi32, #tpu.memory_space<vmem>> -> memref<128xi32, #tpu.memory_space<vmem>>
      %dma_wait3A_160 = arith.constant 0 : i32
      %dma_wait3A_161 = tpu.memref_slice %arg11[%dma_wait3A_160] : memref<10240xf32, #tpu.memory_space<vmem_shared>> -> memref<10240xf32, #tpu.memory_space<vmem_shared>>
      tpu.wait_indirect_dma semaphore(%arg13 : memref<!tpu.dma_semaphore, #tpu.memory_space<semaphore_mem>>) src(%dma_wait3A_161 : memref<10240xf32, #tpu.memory_space<vmem_shared>>) dst(%dma_wait3A_156 : memref<128xf32, #tpu.memory_space<vmem>>)
      %add3A_162 = arith.constant 2 : i32
      %add3A_163 = arith.addi %mul3A_26, %add3A_162 : i32
      %dma_start3A_164 = arith.constant 2 : i32
      %dma_start3A_165 = arith.constant 0 : i32
      %dma_start3A_166 = tpu.memref_slice %arg9[%dma_start3A_164, %dma_start3A_165] : memref<8x128xf32, #tpu.memory_space<vmem>> -> memref<1x128xf32, #tpu.memory_space<vmem>>
      %dma_start3A_167 = tpu.memref_squeeze %dma_start3A_166 : memref<1x128xf32, #tpu.memory_space<vmem>> -> memref<128xf32, #tpu.memory_space<vmem>>
      %dma_start3A_168 = arith.constant 0 : i32
      %dma_start3A_169 = tpu.memref_slice %arg8[%add3A_163, %dma_start3A_168] : memref<80x128xi32, #tpu.memory_space<vmem>> -> memref<1x128xi32, #tpu.memory_space<vmem>>
      %dma_start3A_170 = tpu.memref_squeeze %dma_start3A_169 : memref<1x128xi32, #tpu.memory_space<vmem>> -> memref<128xi32, #tpu.memory_space<vmem>>
      %dma_start3A_171 = arith.constant 0 : i32
      %dma_start3A_172 = tpu.memref_slice %arg12[%dma_start3A_171] : memref<10240xf32, #tpu.memory_space<vmem_shared>> -> memref<10240xf32, #tpu.memory_space<vmem_shared>>
      tpu.enqueue_indirect_dma source(%dma_start3A_167 : memref<128xf32, #tpu.memory_space<vmem>>) target(%dma_start3A_172 : memref<10240xf32, #tpu.memory_space<vmem_shared>>) offsets(%dma_start3A_170 : memref<128xi32, #tpu.memory_space<vmem>>) semaphore(%arg14 : memref<!tpu.dma_semaphore, #tpu.memory_space<semaphore_mem>>) {add = true}
      %dma_wait3A_173 = arith.constant 3 : i32
      %dma_wait3A_174 = arith.constant 0 : i32
      %dma_wait3A_175 = tpu.memref_slice %arg9[%dma_wait3A_173, %dma_wait3A_174] : memref<8x128xf32, #tpu.memory_space<vmem>> -> memref<1x128xf32, #tpu.memory_space<vmem>>
      %dma_wait3A_176 = tpu.memref_squeeze %dma_wait3A_175 : memref<1x128xf32, #tpu.memory_space<vmem>> -> memref<128xf32, #tpu.memory_space<vmem>>
      %dma_wait3A_177 = arith.constant 0 : i32
      %dma_wait3A_178 = tpu.memref_slice %arg7[%add3A_60, %dma_wait3A_177] : memref<80x128xi32, #tpu.memory_space<vmem>> -> memref<1x128xi32, #tpu.memory_space<vmem>>
      %dma_wait3A_179 = tpu.memref_squeeze %dma_wait3A_178 : memref<1x128xi32, #tpu.memory_space<vmem>> -> memref<128xi32, #tpu.memory_space<vmem>>
      %dma_wait3A_180 = arith.constant 0 : i32
      %dma_wait3A_181 = tpu.memref_slice %arg11[%dma_wait3A_180] : memref<10240xf32, #tpu.memory_space<vmem_shared>> -> memref<10240xf32, #tpu.memory_space<vmem_shared>>
      tpu.wait_indirect_dma semaphore(%arg13 : memref<!tpu.dma_semaphore, #tpu.memory_space<semaphore_mem>>) src(%dma_wait3A_181 : memref<10240xf32, #tpu.memory_space<vmem_shared>>) dst(%dma_wait3A_176 : memref<128xf32, #tpu.memory_space<vmem>>)
      %add3A_182 = arith.constant 3 : i32
      %add3A_183 = arith.addi %mul3A_26, %add3A_182 : i32
      %dma_start3A_184 = arith.constant 3 : i32
      %dma_start3A_185 = arith.constant 0 : i32
      %dma_start3A_186 = tpu.memref_slice %arg9[%dma_start3A_184, %dma_start3A_185] : memref<8x128xf32, #tpu.memory_space<vmem>> -> memref<1x128xf32, #tpu.memory_space<vmem>>
      %dma_start3A_187 = tpu.memref_squeeze %dma_start3A_186 : memref<1x128xf32, #tpu.memory_space<vmem>> -> memref<128xf32, #tpu.memory_space<vmem>>
      %dma_start3A_188 = arith.constant 0 : i32
      %dma_start3A_189 = tpu.memref_slice %arg8[%add3A_183, %dma_start3A_188] : memref<80x128xi32, #tpu.memory_space<vmem>> -> memref<1x128xi32, #tpu.memory_space<vmem>>
      %dma_start3A_190 = tpu.memref_squeeze %dma_start3A_189 : memref<1x128xi32, #tpu.memory_space<vmem>> -> memref<128xi32, #tpu.memory_space<vmem>>
      %dma_start3A_191 = arith.constant 0 : i32
      %dma_start3A_192 = tpu.memref_slice %arg12[%dma_start3A_191] : memref<10240xf32, #tpu.memory_space<vmem_shared>> -> memref<10240xf32, #tpu.memory_space<vmem_shared>>
      tpu.enqueue_indirect_dma source(%dma_start3A_187 : memref<128xf32, #tpu.memory_space<vmem>>) target(%dma_start3A_192 : memref<10240xf32, #tpu.memory_space<vmem_shared>>) offsets(%dma_start3A_190 : memref<128xi32, #tpu.memory_space<vmem>>) semaphore(%arg14 : memref<!tpu.dma_semaphore, #tpu.memory_space<semaphore_mem>>) {add = true}
      %dma_wait3A_193 = arith.constant 4 : i32
      %dma_wait3A_194 = arith.constant 0 : i32
      %dma_wait3A_195 = tpu.memref_slice %arg9[%dma_wait3A_193, %dma_wait3A_194] : memref<8x128xf32, #tpu.memory_space<vmem>> -> memref<1x128xf32, #tpu.memory_space<vmem>>
      %dma_wait3A_196 = tpu.memref_squeeze %dma_wait3A_195 : memref<1x128xf32, #tpu.memory_space<vmem>> -> memref<128xf32, #tpu.memory_space<vmem>>
      %dma_wait3A_197 = arith.constant 0 : i32
      %dma_wait3A_198 = tpu.memref_slice %arg7[%add3A_71, %dma_wait3A_197] : memref<80x128xi32, #tpu.memory_space<vmem>> -> memref<1x128xi32, #tpu.memory_space<vmem>>
      %dma_wait3A_199 = tpu.memref_squeeze %dma_wait3A_198 : memref<1x128xi32, #tpu.memory_space<vmem>> -> memref<128xi32, #tpu.memory_space<vmem>>
      %dma_wait3A_200 = arith.constant 0 : i32
      %dma_wait3A_201 = tpu.memref_slice %arg11[%dma_wait3A_200] : memref<10240xf32, #tpu.memory_space<vmem_shared>> -> memref<10240xf32, #tpu.memory_space<vmem_shared>>
      tpu.wait_indirect_dma semaphore(%arg13 : memref<!tpu.dma_semaphore, #tpu.memory_space<semaphore_mem>>) src(%dma_wait3A_201 : memref<10240xf32, #tpu.memory_space<vmem_shared>>) dst(%dma_wait3A_196 : memref<128xf32, #tpu.memory_space<vmem>>)
      %add3A_202 = arith.constant 4 : i32
      %add3A_203 = arith.addi %mul3A_26, %add3A_202 : i32
      %dma_start3A_204 = arith.constant 4 : i32
      %dma_start3A_205 = arith.constant 0 : i32
      %dma_start3A_206 = tpu.memref_slice %arg9[%dma_start3A_204, %dma_start3A_205] : memref<8x128xf32, #tpu.memory_space<vmem>> -> memref<1x128xf32, #tpu.memory_space<vmem>>
      %dma_start3A_207 = tpu.memref_squeeze %dma_start3A_206 : memref<1x128xf32, #tpu.memory_space<vmem>> -> memref<128xf32, #tpu.memory_space<vmem>>
      %dma_start3A_208 = arith.constant 0 : i32
      %dma_start3A_209 = tpu.memref_slice %arg8[%add3A_203, %dma_start3A_208] : memref<80x128xi32, #tpu.memory_space<vmem>> -> memref<1x128xi32, #tpu.memory_space<vmem>>
      %dma_start3A_210 = tpu.memref_squeeze %dma_start3A_209 : memref<1x128xi32, #tpu.memory_space<vmem>> -> memref<128xi32, #tpu.memory_space<vmem>>
      %dma_start3A_211 = arith.constant 0 : i32
      %dma_start3A_212 = tpu.memref_slice %arg12[%dma_start3A_211] : memref<10240xf32, #tpu.memory_space<vmem_shared>> -> memref<10240xf32, #tpu.memory_space<vmem_shared>>
      tpu.enqueue_indirect_dma source(%dma_start3A_207 : memref<128xf32, #tpu.memory_space<vmem>>) target(%dma_start3A_212 : memref<10240xf32, #tpu.memory_space<vmem_shared>>) offsets(%dma_start3A_210 : memref<128xi32, #tpu.memory_space<vmem>>) semaphore(%arg14 : memref<!tpu.dma_semaphore, #tpu.memory_space<semaphore_mem>>) {add = true}
      %dma_wait3A_213 = arith.constant 5 : i32
      %dma_wait3A_214 = arith.constant 0 : i32
      %dma_wait3A_215 = tpu.memref_slice %arg9[%dma_wait3A_213, %dma_wait3A_214] : memref<8x128xf32, #tpu.memory_space<vmem>> -> memref<1x128xf32, #tpu.memory_space<vmem>>
      %dma_wait3A_216 = tpu.memref_squeeze %dma_wait3A_215 : memref<1x128xf32, #tpu.memory_space<vmem>> -> memref<128xf32, #tpu.memory_space<vmem>>
      %dma_wait3A_217 = arith.constant 0 : i32
      %dma_wait3A_218 = tpu.memref_slice %arg7[%add3A_82, %dma_wait3A_217] : memref<80x128xi32, #tpu.memory_space<vmem>> -> memref<1x128xi32, #tpu.memory_space<vmem>>
      %dma_wait3A_219 = tpu.memref_squeeze %dma_wait3A_218 : memref<1x128xi32, #tpu.memory_space<vmem>> -> memref<128xi32, #tpu.memory_space<vmem>>
      %dma_wait3A_220 = arith.constant 0 : i32
      %dma_wait3A_221 = tpu.memref_slice %arg11[%dma_wait3A_220] : memref<10240xf32, #tpu.memory_space<vmem_shared>> -> memref<10240xf32, #tpu.memory_space<vmem_shared>>
      tpu.wait_indirect_dma semaphore(%arg13 : memref<!tpu.dma_semaphore, #tpu.memory_space<semaphore_mem>>) src(%dma_wait3A_221 : memref<10240xf32, #tpu.memory_space<vmem_shared>>) dst(%dma_wait3A_216 : memref<128xf32, #tpu.memory_space<vmem>>)
      %add3A_222 = arith.constant 5 : i32
      %add3A_223 = arith.addi %mul3A_26, %add3A_222 : i32
      %dma_start3A_224 = arith.constant 5 : i32
      %dma_start3A_225 = arith.constant 0 : i32
      %dma_start3A_226 = tpu.memref_slice %arg9[%dma_start3A_224, %dma_start3A_225] : memref<8x128xf32, #tpu.memory_space<vmem>> -> memref<1x128xf32, #tpu.memory_space<vmem>>
      %dma_start3A_227 = tpu.memref_squeeze %dma_start3A_226 : memref<1x128xf32, #tpu.memory_space<vmem>> -> memref<128xf32, #tpu.memory_space<vmem>>
      %dma_start3A_228 = arith.constant 0 : i32
      %dma_start3A_229 = tpu.memref_slice %arg8[%add3A_223, %dma_start3A_228] : memref<80x128xi32, #tpu.memory_space<vmem>> -> memref<1x128xi32, #tpu.memory_space<vmem>>
      %dma_start3A_230 = tpu.memref_squeeze %dma_start3A_229 : memref<1x128xi32, #tpu.memory_space<vmem>> -> memref<128xi32, #tpu.memory_space<vmem>>
      %dma_start3A_231 = arith.constant 0 : i32
      %dma_start3A_232 = tpu.memref_slice %arg12[%dma_start3A_231] : memref<10240xf32, #tpu.memory_space<vmem_shared>> -> memref<10240xf32, #tpu.memory_space<vmem_shared>>
      tpu.enqueue_indirect_dma source(%dma_start3A_227 : memref<128xf32, #tpu.memory_space<vmem>>) target(%dma_start3A_232 : memref<10240xf32, #tpu.memory_space<vmem_shared>>) offsets(%dma_start3A_230 : memref<128xi32, #tpu.memory_space<vmem>>) semaphore(%arg14 : memref<!tpu.dma_semaphore, #tpu.memory_space<semaphore_mem>>) {add = true}
      %dma_wait3A_233 = arith.constant 6 : i32
      %dma_wait3A_234 = arith.constant 0 : i32
      %dma_wait3A_235 = tpu.memref_slice %arg9[%dma_wait3A_233, %dma_wait3A_234] : memref<8x128xf32, #tpu.memory_space<vmem>> -> memref<1x128xf32, #tpu.memory_space<vmem>>
      %dma_wait3A_236 = tpu.memref_squeeze %dma_wait3A_235 : memref<1x128xf32, #tpu.memory_space<vmem>> -> memref<128xf32, #tpu.memory_space<vmem>>
      %dma_wait3A_237 = arith.constant 0 : i32
      %dma_wait3A_238 = tpu.memref_slice %arg7[%add3A_93, %dma_wait3A_237] : memref<80x128xi32, #tpu.memory_space<vmem>> -> memref<1x128xi32, #tpu.memory_space<vmem>>
      %dma_wait3A_239 = tpu.memref_squeeze %dma_wait3A_238 : memref<1x128xi32, #tpu.memory_space<vmem>> -> memref<128xi32, #tpu.memory_space<vmem>>
      %dma_wait3A_240 = arith.constant 0 : i32
      %dma_wait3A_241 = tpu.memref_slice %arg11[%dma_wait3A_240] : memref<10240xf32, #tpu.memory_space<vmem_shared>> -> memref<10240xf32, #tpu.memory_space<vmem_shared>>
      tpu.wait_indirect_dma semaphore(%arg13 : memref<!tpu.dma_semaphore, #tpu.memory_space<semaphore_mem>>) src(%dma_wait3A_241 : memref<10240xf32, #tpu.memory_space<vmem_shared>>) dst(%dma_wait3A_236 : memref<128xf32, #tpu.memory_space<vmem>>)
      %add3A_242 = arith.constant 6 : i32
      %add3A_243 = arith.addi %mul3A_26, %add3A_242 : i32
      %dma_start3A_244 = arith.constant 6 : i32
      %dma_start3A_245 = arith.constant 0 : i32
      %dma_start3A_246 = tpu.memref_slice %arg9[%dma_start3A_244, %dma_start3A_245] : memref<8x128xf32, #tpu.memory_space<vmem>> -> memref<1x128xf32, #tpu.memory_space<vmem>>
      %dma_start3A_247 = tpu.memref_squeeze %dma_start3A_246 : memref<1x128xf32, #tpu.memory_space<vmem>> -> memref<128xf32, #tpu.memory_space<vmem>>
      %dma_start3A_248 = arith.constant 0 : i32
      %dma_start3A_249 = tpu.memref_slice %arg8[%add3A_243, %dma_start3A_248] : memref<80x128xi32, #tpu.memory_space<vmem>> -> memref<1x128xi32, #tpu.memory_space<vmem>>
      %dma_start3A_250 = tpu.memref_squeeze %dma_start3A_249 : memref<1x128xi32, #tpu.memory_space<vmem>> -> memref<128xi32, #tpu.memory_space<vmem>>
      %dma_start3A_251 = arith.constant 0 : i32
      %dma_start3A_252 = tpu.memref_slice %arg12[%dma_start3A_251] : memref<10240xf32, #tpu.memory_space<vmem_shared>> -> memref<10240xf32, #tpu.memory_space<vmem_shared>>
      tpu.enqueue_indirect_dma source(%dma_start3A_247 : memref<128xf32, #tpu.memory_space<vmem>>) target(%dma_start3A_252 : memref<10240xf32, #tpu.memory_space<vmem_shared>>) offsets(%dma_start3A_250 : memref<128xi32, #tpu.memory_space<vmem>>) semaphore(%arg14 : memref<!tpu.dma_semaphore, #tpu.memory_space<semaphore_mem>>) {add = true}
      %dma_wait3A_253 = arith.constant 7 : i32
      %dma_wait3A_254 = arith.constant 0 : i32
      %dma_wait3A_255 = tpu.memref_slice %arg9[%dma_wait3A_253, %dma_wait3A_254] : memref<8x128xf32, #tpu.memory_space<vmem>> -> memref<1x128xf32, #tpu.memory_space<vmem>>
      %dma_wait3A_256 = tpu.memref_squeeze %dma_wait3A_255 : memref<1x128xf32, #tpu.memory_space<vmem>> -> memref<128xf32, #tpu.memory_space<vmem>>
      %dma_wait3A_257 = arith.constant 0 : i32
      %dma_wait3A_258 = tpu.memref_slice %arg7[%add3A_104, %dma_wait3A_257] : memref<80x128xi32, #tpu.memory_space<vmem>> -> memref<1x128xi32, #tpu.memory_space<vmem>>
      %dma_wait3A_259 = tpu.memref_squeeze %dma_wait3A_258 : memref<1x128xi32, #tpu.memory_space<vmem>> -> memref<128xi32, #tpu.memory_space<vmem>>
      %dma_wait3A_260 = arith.constant 0 : i32
      %dma_wait3A_261 = tpu.memref_slice %arg11[%dma_wait3A_260] : memref<10240xf32, #tpu.memory_space<vmem_shared>> -> memref<10240xf32, #tpu.memory_space<vmem_shared>>
      tpu.wait_indirect_dma semaphore(%arg13 : memref<!tpu.dma_semaphore, #tpu.memory_space<semaphore_mem>>) src(%dma_wait3A_261 : memref<10240xf32, #tpu.memory_space<vmem_shared>>) dst(%dma_wait3A_256 : memref<128xf32, #tpu.memory_space<vmem>>)
      %add3A_262 = arith.constant 7 : i32
      %add3A_263 = arith.addi %mul3A_26, %add3A_262 : i32
      %dma_start3A_264 = arith.constant 7 : i32
      %dma_start3A_265 = arith.constant 0 : i32
      %dma_start3A_266 = tpu.memref_slice %arg9[%dma_start3A_264, %dma_start3A_265] : memref<8x128xf32, #tpu.memory_space<vmem>> -> memref<1x128xf32, #tpu.memory_space<vmem>>
      %dma_start3A_267 = tpu.memref_squeeze %dma_start3A_266 : memref<1x128xf32, #tpu.memory_space<vmem>> -> memref<128xf32, #tpu.memory_space<vmem>>
      %dma_start3A_268 = arith.constant 0 : i32
      %dma_start3A_269 = tpu.memref_slice %arg8[%add3A_263, %dma_start3A_268] : memref<80x128xi32, #tpu.memory_space<vmem>> -> memref<1x128xi32, #tpu.memory_space<vmem>>
      %dma_start3A_270 = tpu.memref_squeeze %dma_start3A_269 : memref<1x128xi32, #tpu.memory_space<vmem>> -> memref<128xi32, #tpu.memory_space<vmem>>
      %dma_start3A_271 = arith.constant 0 : i32
      %dma_start3A_272 = tpu.memref_slice %arg12[%dma_start3A_271] : memref<10240xf32, #tpu.memory_space<vmem_shared>> -> memref<10240xf32, #tpu.memory_space<vmem_shared>>
      tpu.enqueue_indirect_dma source(%dma_start3A_267 : memref<128xf32, #tpu.memory_space<vmem>>) target(%dma_start3A_272 : memref<10240xf32, #tpu.memory_space<vmem_shared>>) offsets(%dma_start3A_270 : memref<128xi32, #tpu.memory_space<vmem>>) semaphore(%arg14 : memref<!tpu.dma_semaphore, #tpu.memory_space<semaphore_mem>>) {add = true}
      %dma_wait3A_273 = arith.constant 0 : i32
      %dma_wait3A_274 = arith.constant 0 : i32
      %dma_wait3A_275 = tpu.memref_slice %arg9[%dma_wait3A_273, %dma_wait3A_274] : memref<8x128xf32, #tpu.memory_space<vmem>> -> memref<1x128xf32, #tpu.memory_space<vmem>>
      %dma_wait3A_276 = tpu.memref_squeeze %dma_wait3A_275 : memref<1x128xf32, #tpu.memory_space<vmem>> -> memref<128xf32, #tpu.memory_space<vmem>>
      %dma_wait3A_277 = arith.constant 0 : i32
      %dma_wait3A_278 = tpu.memref_slice %arg8[%add3A_123, %dma_wait3A_277] : memref<80x128xi32, #tpu.memory_space<vmem>> -> memref<1x128xi32, #tpu.memory_space<vmem>>
      %dma_wait3A_279 = tpu.memref_squeeze %dma_wait3A_278 : memref<1x128xi32, #tpu.memory_space<vmem>> -> memref<128xi32, #tpu.memory_space<vmem>>
      %dma_wait3A_280 = arith.constant 0 : i32
      %dma_wait3A_281 = tpu.memref_slice %arg12[%dma_wait3A_280] : memref<10240xf32, #tpu.memory_space<vmem_shared>> -> memref<10240xf32, #tpu.memory_space<vmem_shared>>
      tpu.wait_indirect_dma semaphore(%arg14 : memref<!tpu.dma_semaphore, #tpu.memory_space<semaphore_mem>>) src(%dma_wait3A_276 : memref<128xf32, #tpu.memory_space<vmem>>) dst(%dma_wait3A_281 : memref<10240xf32, #tpu.memory_space<vmem_shared>>)
      %dma_wait3A_282 = arith.constant 1 : i32
      %dma_wait3A_283 = arith.constant 0 : i32
      %dma_wait3A_284 = tpu.memref_slice %arg9[%dma_wait3A_282, %dma_wait3A_283] : memref<8x128xf32, #tpu.memory_space<vmem>> -> memref<1x128xf32, #tpu.memory_space<vmem>>
      %dma_wait3A_285 = tpu.memref_squeeze %dma_wait3A_284 : memref<1x128xf32, #tpu.memory_space<vmem>> -> memref<128xf32, #tpu.memory_space<vmem>>
      %dma_wait3A_286 = arith.constant 0 : i32
      %dma_wait3A_287 = tpu.memref_slice %arg8[%add3A_143, %dma_wait3A_286] : memref<80x128xi32, #tpu.memory_space<vmem>> -> memref<1x128xi32, #tpu.memory_space<vmem>>
      %dma_wait3A_288 = tpu.memref_squeeze %dma_wait3A_287 : memref<1x128xi32, #tpu.memory_space<vmem>> -> memref<128xi32, #tpu.memory_space<vmem>>
      %dma_wait3A_289 = arith.constant 0 : i32
      %dma_wait3A_290 = tpu.memref_slice %arg12[%dma_wait3A_289] : memref<10240xf32, #tpu.memory_space<vmem_shared>> -> memref<10240xf32, #tpu.memory_space<vmem_shared>>
      tpu.wait_indirect_dma semaphore(%arg14 : memref<!tpu.dma_semaphore, #tpu.memory_space<semaphore_mem>>) src(%dma_wait3A_285 : memref<128xf32, #tpu.memory_space<vmem>>) dst(%dma_wait3A_290 : memref<10240xf32, #tpu.memory_space<vmem_shared>>)
      %dma_wait3A_291 = arith.constant 2 : i32
      %dma_wait3A_292 = arith.constant 0 : i32
      %dma_wait3A_293 = tpu.memref_slice %arg9[%dma_wait3A_291, %dma_wait3A_292] : memref<8x128xf32, #tpu.memory_space<vmem>> -> memref<1x128xf32, #tpu.memory_space<vmem>>
      %dma_wait3A_294 = tpu.memref_squeeze %dma_wait3A_293 : memref<1x128xf32, #tpu.memory_space<vmem>> -> memref<128xf32, #tpu.memory_space<vmem>>
      %dma_wait3A_295 = arith.constant 0 : i32
      %dma_wait3A_296 = tpu.memref_slice %arg8[%add3A_163, %dma_wait3A_295] : memref<80x128xi32, #tpu.memory_space<vmem>> -> memref<1x128xi32, #tpu.memory_space<vmem>>
      %dma_wait3A_297 = tpu.memref_squeeze %dma_wait3A_296 : memref<1x128xi32, #tpu.memory_space<vmem>> -> memref<128xi32, #tpu.memory_space<vmem>>
      %dma_wait3A_298 = arith.constant 0 : i32
      %dma_wait3A_299 = tpu.memref_slice %arg12[%dma_wait3A_298] : memref<10240xf32, #tpu.memory_space<vmem_shared>> -> memref<10240xf32, #tpu.memory_space<vmem_shared>>
      tpu.wait_indirect_dma semaphore(%arg14 : memref<!tpu.dma_semaphore, #tpu.memory_space<semaphore_mem>>) src(%dma_wait3A_294 : memref<128xf32, #tpu.memory_space<vmem>>) dst(%dma_wait3A_299 : memref<10240xf32, #tpu.memory_space<vmem_shared>>)
      %dma_wait3A_300 = arith.constant 3 : i32
      %dma_wait3A_301 = arith.constant 0 : i32
      %dma_wait3A_302 = tpu.memref_slice %arg9[%dma_wait3A_300, %dma_wait3A_301] : memref<8x128xf32, #tpu.memory_space<vmem>> -> memref<1x128xf32, #tpu.memory_space<vmem>>
      %dma_wait3A_303 = tpu.memref_squeeze %dma_wait3A_302 : memref<1x128xf32, #tpu.memory_space<vmem>> -> memref<128xf32, #tpu.memory_space<vmem>>
      %dma_wait3A_304 = arith.constant 0 : i32
      %dma_wait3A_305 = tpu.memref_slice %arg8[%add3A_183, %dma_wait3A_304] : memref<80x128xi32, #tpu.memory_space<vmem>> -> memref<1x128xi32, #tpu.memory_space<vmem>>
      %dma_wait3A_306 = tpu.memref_squeeze %dma_wait3A_305 : memref<1x128xi32, #tpu.memory_space<vmem>> -> memref<128xi32, #tpu.memory_space<vmem>>
      %dma_wait3A_307 = arith.constant 0 : i32
      %dma_wait3A_308 = tpu.memref_slice %arg12[%dma_wait3A_307] : memref<10240xf32, #tpu.memory_space<vmem_shared>> -> memref<10240xf32, #tpu.memory_space<vmem_shared>>
      tpu.wait_indirect_dma semaphore(%arg14 : memref<!tpu.dma_semaphore, #tpu.memory_space<semaphore_mem>>) src(%dma_wait3A_303 : memref<128xf32, #tpu.memory_space<vmem>>) dst(%dma_wait3A_308 : memref<10240xf32, #tpu.memory_space<vmem_shared>>)
      %dma_wait3A_309 = arith.constant 4 : i32
      %dma_wait3A_310 = arith.constant 0 : i32
      %dma_wait3A_311 = tpu.memref_slice %arg9[%dma_wait3A_309, %dma_wait3A_310] : memref<8x128xf32, #tpu.memory_space<vmem>> -> memref<1x128xf32, #tpu.memory_space<vmem>>
      %dma_wait3A_312 = tpu.memref_squeeze %dma_wait3A_311 : memref<1x128xf32, #tpu.memory_space<vmem>> -> memref<128xf32, #tpu.memory_space<vmem>>
      %dma_wait3A_313 = arith.constant 0 : i32
      %dma_wait3A_314 = tpu.memref_slice %arg8[%add3A_203, %dma_wait3A_313] : memref<80x128xi32, #tpu.memory_space<vmem>> -> memref<1x128xi32, #tpu.memory_space<vmem>>
      %dma_wait3A_315 = tpu.memref_squeeze %dma_wait3A_314 : memref<1x128xi32, #tpu.memory_space<vmem>> -> memref<128xi32, #tpu.memory_space<vmem>>
      %dma_wait3A_316 = arith.constant 0 : i32
      %dma_wait3A_317 = tpu.memref_slice %arg12[%dma_wait3A_316] : memref<10240xf32, #tpu.memory_space<vmem_shared>> -> memref<10240xf32, #tpu.memory_space<vmem_shared>>
      tpu.wait_indirect_dma semaphore(%arg14 : memref<!tpu.dma_semaphore, #tpu.memory_space<semaphore_mem>>) src(%dma_wait3A_312 : memref<128xf32, #tpu.memory_space<vmem>>) dst(%dma_wait3A_317 : memref<10240xf32, #tpu.memory_space<vmem_shared>>)
      %dma_wait3A_318 = arith.constant 5 : i32
      %dma_wait3A_319 = arith.constant 0 : i32
      %dma_wait3A_320 = tpu.memref_slice %arg9[%dma_wait3A_318, %dma_wait3A_319] : memref<8x128xf32, #tpu.memory_space<vmem>> -> memref<1x128xf32, #tpu.memory_space<vmem>>
      %dma_wait3A_321 = tpu.memref_squeeze %dma_wait3A_320 : memref<1x128xf32, #tpu.memory_space<vmem>> -> memref<128xf32, #tpu.memory_space<vmem>>
      %dma_wait3A_322 = arith.constant 0 : i32
      %dma_wait3A_323 = tpu.memref_slice %arg8[%add3A_223, %dma_wait3A_322] : memref<80x128xi32, #tpu.memory_space<vmem>> -> memref<1x128xi32, #tpu.memory_space<vmem>>
      %dma_wait3A_324 = tpu.memref_squeeze %dma_wait3A_323 : memref<1x128xi32, #tpu.memory_space<vmem>> -> memref<128xi32, #tpu.memory_space<vmem>>
      %dma_wait3A_325 = arith.constant 0 : i32
      %dma_wait3A_326 = tpu.memref_slice %arg12[%dma_wait3A_325] : memref<10240xf32, #tpu.memory_space<vmem_shared>> -> memref<10240xf32, #tpu.memory_space<vmem_shared>>
      tpu.wait_indirect_dma semaphore(%arg14 : memref<!tpu.dma_semaphore, #tpu.memory_space<semaphore_mem>>) src(%dma_wait3A_321 : memref<128xf32, #tpu.memory_space<vmem>>) dst(%dma_wait3A_326 : memref<10240xf32, #tpu.memory_space<vmem_shared>>)
      %dma_wait3A_327 = arith.constant 6 : i32
      %dma_wait3A_328 = arith.constant 0 : i32
      %dma_wait3A_329 = tpu.memref_slice %arg9[%dma_wait3A_327, %dma_wait3A_328] : memref<8x128xf32, #tpu.memory_space<vmem>> -> memref<1x128xf32, #tpu.memory_space<vmem>>
      %dma_wait3A_330 = tpu.memref_squeeze %dma_wait3A_329 : memref<1x128xf32, #tpu.memory_space<vmem>> -> memref<128xf32, #tpu.memory_space<vmem>>
      %dma_wait3A_331 = arith.constant 0 : i32
      %dma_wait3A_332 = tpu.memref_slice %arg8[%add3A_243, %dma_wait3A_331] : memref<80x128xi32, #tpu.memory_space<vmem>> -> memref<1x128xi32, #tpu.memory_space<vmem>>
      %dma_wait3A_333 = tpu.memref_squeeze %dma_wait3A_332 : memref<1x128xi32, #tpu.memory_space<vmem>> -> memref<128xi32, #tpu.memory_space<vmem>>
      %dma_wait3A_334 = arith.constant 0 : i32
      %dma_wait3A_335 = tpu.memref_slice %arg12[%dma_wait3A_334] : memref<10240xf32, #tpu.memory_space<vmem_shared>> -> memref<10240xf32, #tpu.memory_space<vmem_shared>>
      tpu.wait_indirect_dma semaphore(%arg14 : memref<!tpu.dma_semaphore, #tpu.memory_space<semaphore_mem>>) src(%dma_wait3A_330 : memref<128xf32, #tpu.memory_space<vmem>>) dst(%dma_wait3A_335 : memref<10240xf32, #tpu.memory_space<vmem_shared>>)
      %dma_wait3A_336 = arith.constant 7 : i32
      %dma_wait3A_337 = arith.constant 0 : i32
      %dma_wait3A_338 = tpu.memref_slice %arg9[%dma_wait3A_336, %dma_wait3A_337] : memref<8x128xf32, #tpu.memory_space<vmem>> -> memref<1x128xf32, #tpu.memory_space<vmem>>
      %dma_wait3A_339 = tpu.memref_squeeze %dma_wait3A_338 : memref<1x128xf32, #tpu.memory_space<vmem>> -> memref<128xf32, #tpu.memory_space<vmem>>
      %dma_wait3A_340 = arith.constant 0 : i32
      %dma_wait3A_341 = tpu.memref_slice %arg8[%add3A_263, %dma_wait3A_340] : memref<80x128xi32, #tpu.memory_space<vmem>> -> memref<1x128xi32, #tpu.memory_space<vmem>>
      %dma_wait3A_342 = tpu.memref_squeeze %dma_wait3A_341 : memref<1x128xi32, #tpu.memory_space<vmem>> -> memref<128xi32, #tpu.memory_space<vmem>>
      %dma_wait3A_343 = arith.constant 0 : i32
      %dma_wait3A_344 = tpu.memref_slice %arg12[%dma_wait3A_343] : memref<10240xf32, #tpu.memory_space<vmem_shared>> -> memref<10240xf32, #tpu.memory_space<vmem_shared>>
      tpu.wait_indirect_dma semaphore(%arg14 : memref<!tpu.dma_semaphore, #tpu.memory_space<semaphore_mem>>) src(%dma_wait3A_339 : memref<128xf32, #tpu.memory_space<vmem>>) dst(%dma_wait3A_344 : memref<10240xf32, #tpu.memory_space<vmem_shared>>)
    }
    %scan3A_15 = arith.constant 10 : i32
    %barrier3A_16 = arith.constant 0 : index
    tpu.barrier barrier_id(%barrier3A_16)
    %mul3A_17 = arith.constant 640 : i32
    %mul3A_18 = arith.muli %arg1, %mul3A_17 : i32
    "tpu.region"() ({
      %run_scoped3A = tpu.sem_alloc : memref<!tpu.dma_semaphore, #tpu.memory_space<semaphore_mem>>
      %dma_start3A = tpu.memref_slice %arg12[%mul3A_18] : memref<10240xf32, #tpu.memory_space<vmem_shared>> -> memref<640xf32, #tpu.memory_space<vmem_shared>>
      %dma_start3A_24 = tpu.memref_slice %arg12[%mul3A_18] : memref<10240xf32, #tpu.memory_space<vmem_shared>> -> memref<640xf32, #tpu.memory_space<vmem_shared>>
      tpu.enqueue_dma source(%dma_start3A_24 : memref<640xf32, #tpu.memory_space<vmem_shared>>) target(%arg10 : memref<640xf32, #tpu.memory_space<vmem>>) target_semaphore(%run_scoped3A : memref<!tpu.dma_semaphore, #tpu.memory_space<semaphore_mem>>)
      %dma_wait3A = tpu.memref_slice %arg12[%mul3A_18] : memref<10240xf32, #tpu.memory_space<vmem_shared>> -> memref<640xf32, #tpu.memory_space<vmem_shared>>
      %dma_wait3A_25 = tpu.memref_slice %arg12[%mul3A_18] : memref<10240xf32, #tpu.memory_space<vmem_shared>> -> memref<640xf32, #tpu.memory_space<vmem_shared>>
      tpu.wait_dma2 semaphore(%run_scoped3A : memref<!tpu.dma_semaphore, #tpu.memory_space<semaphore_mem>>) src(%dma_wait3A_25 : memref<640xf32, #tpu.memory_space<vmem_shared>>) dst(%arg10 : memref<640xf32, #tpu.memory_space<vmem>>)
      tpu.yield
    }) : () -> ()
    %mul3A_19 = arith.constant 10240 : i32
    %mul3A_20 = arith.muli %arg0, %mul3A_19 : i32
    %mul3A_21 = arith.constant 640 : i32
    %mul3A_22 = arith.muli %arg1, %mul3A_21 : i32
    %add3A_23 = arith.addi %mul3A_20, %mul3A_22 : i32
    "tpu.region"() ({
      %run_scoped3A = tpu.sem_alloc : memref<!tpu.dma_semaphore, #tpu.memory_space<semaphore_mem>>
      %dma_start3A = tpu.memref_slice %arg6[%add3A_23] : memref<20480xf32, #tpu.memory_space<hbm>> -> memref<640xf32, #tpu.memory_space<hbm>>
      %dma_start3A_24 = tpu.memref_slice %arg6[%add3A_23] : memref<20480xf32, #tpu.memory_space<hbm>> -> memref<640xf32, #tpu.memory_space<hbm>>
      tpu.enqueue_dma source(%arg10 : memref<640xf32, #tpu.memory_space<vmem>>) target(%dma_start3A_24 : memref<640xf32, #tpu.memory_space<hbm>>) target_semaphore(%run_scoped3A : memref<!tpu.dma_semaphore, #tpu.memory_space<semaphore_mem>>)
      %dma_wait3A = tpu.memref_slice %arg6[%add3A_23] : memref<20480xf32, #tpu.memory_space<hbm>> -> memref<640xf32, #tpu.memory_space<hbm>>
      %dma_wait3A_25 = tpu.memref_slice %arg6[%add3A_23] : memref<20480xf32, #tpu.memory_space<hbm>> -> memref<640xf32, #tpu.memory_space<hbm>>
      tpu.wait_dma2 semaphore(%run_scoped3A : memref<!tpu.dma_semaphore, #tpu.memory_space<semaphore_mem>>) src(%arg10 : memref<640xf32, #tpu.memory_space<vmem>>) dst(%dma_wait3A_25 : memref<640xf32, #tpu.memory_space<hbm>>)
      tpu.yield
    }) : () -> ()
    return
  }
}

module attributes {stable_mosaic.version = 14 : i64} {
  func.func @_tca_body(%arg0: memref<10240x128xf32, #tpu.memory_space<vmem>>, %arg1: memref<128x16xf32, #tpu.memory_space<vmem>>, %arg2: memref<2x10240x1xf32, #tpu.memory_space<vmem>>, %arg3: memref<10240x16xf32, #tpu.memory_space<vmem>>, %arg4: memref<10240x1xf32, #tpu.memory_space<vmem>>) attributes {dimension_semantics = [], scalar_prefetch = 0 : i64, scratch_operands = 0 : i64, tpu.core_type = #tpu.core_type<tc>} {
    %get3A = arith.constant 0 : index
    %get3A_0 = arith.constant 0 : index
    %get3A_1 = arith.constant 0 : index
    %get3A_2 = vector.load %arg2[%get3A, %get3A_0, %get3A_1] : memref<2x10240x1xf32, #tpu.memory_space<vmem>>, vector<1x10240x1xf32>
    %get3A_3 = vector.shape_cast %get3A_2 : vector<1x10240x1xf32> to vector<10240x1xf32>
    %get3A_4 = arith.constant 1 : index
    %get3A_5 = arith.constant 0 : index
    %get3A_6 = arith.constant 0 : index
    %get3A_7 = vector.load %arg2[%get3A_4, %get3A_5, %get3A_6] : memref<2x10240x1xf32, #tpu.memory_space<vmem>>, vector<1x10240x1xf32>
    %get3A_8 = vector.shape_cast %get3A_7 : vector<1x10240x1xf32> to vector<10240x1xf32>
    %add3A = arith.addf %get3A_3, %get3A_8 : vector<10240x1xf32>
    %add3A_9 = arith.constant 1.000000e+00 : f32
    %add3A_10 = vector.broadcast %add3A_9 : f32 to vector<10240x1xf32>
    %add3A_11 = arith.addf %add3A, %add3A_10 : vector<10240x1xf32>
    %rsqrt3A = math.rsqrt %add3A_11 : vector<10240x1xf32>
    %get3A_12 = arith.constant 0 : index
    %get3A_13 = arith.constant 0 : index
    %get3A_14 = vector.load %arg0[%get3A_12, %get3A_13] : memref<10240x128xf32, #tpu.memory_space<vmem>>, vector<10240x128xf32>
    %get3A_15 = arith.constant 0 : index
    %get3A_16 = arith.constant 0 : index
    %get3A_17 = vector.load %arg1[%get3A_15, %get3A_16] : memref<128x16xf32, #tpu.memory_space<vmem>>, vector<128x16xf32>
    %dot_general3A = arith.constant dense<0.000000e+00> : vector<10240x16xf32>
    %dot_general3A_18 = tpu.matmul %get3A_14, %get3A_17, %dot_general3A {dimension_numbers = #tpu.dot_dimension_numbers<[1], [0], [0], [1], [0, 0, 1, 1], [], []>, transpose_lhs_hint = false} : vector<10240x128xf32>, vector<128x16xf32>, vector<10240x16xf32> -> vector<10240x16xf32>
    %mul3A = vector.broadcast %rsqrt3A : vector<10240x1xf32> to vector<10240x16xf32>
    %mul3A_19 = arith.mulf %dot_general3A_18, %mul3A : vector<10240x16xf32>
    %swap3A = arith.constant 0 : index
    %swap3A_20 = arith.constant 0 : index
    %swap3A_21 = vector.load %arg3[%swap3A, %swap3A_20] : memref<10240x16xf32, #tpu.memory_space<vmem>>, vector<10240x16xf32>
    tpu.vector_store %arg3[%swap3A, %swap3A_20], %mul3A_19 {strides = array<i32>} : memref<10240x16xf32, #tpu.memory_space<vmem>>, vector<10240x16xf32>,
    %swap3A_22 = arith.constant 0 : index
    %swap3A_23 = arith.constant 0 : index
    %swap3A_24 = vector.load %arg4[%swap3A_22, %swap3A_23] : memref<10240x1xf32, #tpu.memory_space<vmem>>, vector<10240x1xf32>
    tpu.vector_store %arg4[%swap3A_22, %swap3A_23], %rsqrt3A {strides = array<i32>} : memref<10240x1xf32, #tpu.memory_space<vmem>>, vector<10240x1xf32>,
    return
  }
}

module attributes {stable_mosaic.version = 14 : i64} {
  func.func @_tcb_body(%arg0: memref<2x10240x16xf32, #tpu.memory_space<vmem>>, %arg1: memref<10240x16xf32, #tpu.memory_space<vmem>>, %arg2: memref<10240x1xf32, #tpu.memory_space<vmem>>, %arg3: memref<1x16xf32, #tpu.memory_space<vmem>>, %arg4: memref<16x1xf32, #tpu.memory_space<vmem>>, %arg5: memref<10240x1xf32, #tpu.memory_space<vmem>>) attributes {dimension_semantics = [], scalar_prefetch = 0 : i64, scratch_operands = 0 : i64, tpu.core_type = #tpu.core_type<tc>} {
    %get3A = arith.constant 0 : index
    %get3A_0 = arith.constant 0 : index
    %get3A_1 = arith.constant 0 : index
    %get3A_2 = vector.load %arg0[%get3A, %get3A_0, %get3A_1] : memref<2x10240x16xf32, #tpu.memory_space<vmem>>, vector<1x10240x16xf32>
    %get3A_3 = vector.shape_cast %get3A_2 : vector<1x10240x16xf32> to vector<10240x16xf32>
    %get3A_4 = arith.constant 1 : index
    %get3A_5 = arith.constant 0 : index
    %get3A_6 = arith.constant 0 : index
    %get3A_7 = vector.load %arg0[%get3A_4, %get3A_5, %get3A_6] : memref<2x10240x16xf32, #tpu.memory_space<vmem>>, vector<1x10240x16xf32>
    %get3A_8 = vector.shape_cast %get3A_7 : vector<1x10240x16xf32> to vector<10240x16xf32>
    %add3A = arith.addf %get3A_3, %get3A_8 : vector<10240x16xf32>
    %get3A_9 = arith.constant 0 : index
    %get3A_10 = arith.constant 0 : index
    %get3A_11 = vector.load %arg1[%get3A_9, %get3A_10] : memref<10240x16xf32, #tpu.memory_space<vmem>>, vector<10240x16xf32>
    %add3A_12 = arith.addf %add3A, %get3A_11 : vector<10240x16xf32>
    %get3A_13 = arith.constant 0 : index
    %get3A_14 = arith.constant 0 : index
    %get3A_15 = vector.load %arg2[%get3A_13, %get3A_14] : memref<10240x1xf32, #tpu.memory_space<vmem>>, vector<10240x1xf32>
    %mul3A = vector.broadcast %get3A_15 : vector<10240x1xf32> to vector<10240x16xf32>
    %mul3A_16 = arith.mulf %mul3A, %add3A_12 : vector<10240x16xf32>
    %get3A_17 = arith.constant 0 : index
    %get3A_18 = arith.constant 0 : index
    %get3A_19 = vector.load %arg3[%get3A_17, %get3A_18] : memref<1x16xf32, #tpu.memory_space<vmem>>, vector<1x16xf32>
    %add3A_20 = vector.broadcast %get3A_19 : vector<1x16xf32> to vector<10240x16xf32>
    %add3A_21 = arith.addf %mul3A_16, %add3A_20 : vector<10240x16xf32>
    %max3A = arith.constant 0.000000e+00 : f32
    %max3A_22 = vector.broadcast %max3A : f32 to vector<10240x16xf32>
    %max3A_23 = arith.maximumf %add3A_21, %max3A_22 : vector<10240x16xf32>
    %get3A_24 = arith.constant 0 : index
    %get3A_25 = arith.constant 0 : index
    %get3A_26 = vector.load %arg4[%get3A_24, %get3A_25] : memref<16x1xf32, #tpu.memory_space<vmem>>, vector<16x1xf32>
    %dot_general3A = arith.constant dense<0.000000e+00> : vector<10240x1xf32>
    %dot_general3A_27 = tpu.matmul %max3A_23, %get3A_26, %dot_general3A {dimension_numbers = #tpu.dot_dimension_numbers<[1], [0], [0], [1], [0, 0, 1, 1], [], []>, transpose_lhs_hint = false} : vector<10240x16xf32>, vector<16x1xf32>, vector<10240x1xf32> -> vector<10240x1xf32>
    %get3A_28 = arith.constant 0 : index
    %get3A_29 = arith.constant 0 : index
    %get3A_30 = vector.load %arg2[%get3A_28, %get3A_29] : memref<10240x1xf32, #tpu.memory_space<vmem>>, vector<10240x1xf32>
    %mul3A_31 = arith.mulf %dot_general3A_27, %get3A_30 : vector<10240x1xf32>
    %swap3A = arith.constant 0 : index
    %swap3A_32 = arith.constant 0 : index
    %swap3A_33 = vector.load %arg5[%swap3A, %swap3A_32] : memref<10240x1xf32, #tpu.memory_space<vmem>>, vector<10240x1xf32>
    tpu.vector_store %arg5[%swap3A, %swap3A_32], %mul3A_31 {strides = array<i32>} : memref<10240x1xf32, #tpu.memory_space<vmem>>, vector<10240x1xf32>,
    return
  }
}

module attributes {stable_mosaic.version = 14 : i64} {
  func.func @_tcc_body(%arg0: memref<2x10240x1xf32, #tpu.memory_space<vmem>>, %arg1: memref<10240x1xf32, #tpu.memory_space<vmem>>, %arg2: memref<10240x1xf32, #tpu.memory_space<vmem>>, %arg3: memref<1x1xf32, #tpu.memory_space<vmem>>, %arg4: memref<10240x1xf32, #tpu.memory_space<vmem>>) attributes {dimension_semantics = [], scalar_prefetch = 0 : i64, scratch_operands = 0 : i64, tpu.core_type = #tpu.core_type<tc>} {
    %get3A = arith.constant 0 : index
    %get3A_0 = arith.constant 0 : index
    %get3A_1 = vector.load %arg2[%get3A, %get3A_0] : memref<10240x1xf32, #tpu.memory_space<vmem>>, vector<10240x1xf32>
    %get3A_2 = arith.constant 0 : index
    %get3A_3 = arith.constant 0 : index
    %get3A_4 = arith.constant 0 : index
    %get3A_5 = vector.load %arg0[%get3A_2, %get3A_3, %get3A_4] : memref<2x10240x1xf32, #tpu.memory_space<vmem>>, vector<1x10240x1xf32>
    %get3A_6 = vector.shape_cast %get3A_5 : vector<1x10240x1xf32> to vector<10240x1xf32>
    %get3A_7 = arith.constant 1 : index
    %get3A_8 = arith.constant 0 : index
    %get3A_9 = arith.constant 0 : index
    %get3A_10 = vector.load %arg0[%get3A_7, %get3A_8, %get3A_9] : memref<2x10240x1xf32, #tpu.memory_space<vmem>>, vector<1x10240x1xf32>
    %get3A_11 = vector.shape_cast %get3A_10 : vector<1x10240x1xf32> to vector<10240x1xf32>
    %add3A = arith.addf %get3A_6, %get3A_11 : vector<10240x1xf32>
    %get3A_12 = arith.constant 0 : index
    %get3A_13 = arith.constant 0 : index
    %get3A_14 = vector.load %arg1[%get3A_12, %get3A_13] : memref<10240x1xf32, #tpu.memory_space<vmem>>, vector<10240x1xf32>
    %add3A_15 = arith.addf %add3A, %get3A_14 : vector<10240x1xf32>
    %mul3A = arith.mulf %get3A_1, %add3A_15 : vector<10240x1xf32>
    %get3A_16 = arith.constant 0 : index
    %get3A_17 = arith.constant 0 : index
    %get3A_18 = vector.load %arg3[%get3A_16, %get3A_17] : memref<1x1xf32, #tpu.memory_space<vmem>>, vector<1x1xf32>
    %add3A_19 = vector.broadcast %get3A_18 : vector<1x1xf32> to vector<10240x1xf32>
    %add3A_20 = arith.addf %mul3A, %add3A_19 : vector<10240x1xf32>
    %swap3A = arith.constant 0 : index
    %swap3A_21 = arith.constant 0 : index
    %swap3A_22 = vector.load %arg4[%swap3A, %swap3A_21] : memref<10240x1xf32, #tpu.memory_space<vmem>>, vector<10240x1xf32>
    tpu.vector_store %arg4[%swap3A, %swap3A_21], %add3A_20 {strides = array<i32>} : memref<10240x1xf32, #tpu.memory_space<vmem>>, vector<10240x1xf32>,
    return
  }
}

</mosaic_0001>

<sc_bundles>
// kernel: kernel.11.cloned.1.call-start
scs
__scs_entry_jumppad:
0x0: {  	(pc) =	sbr.rel $0x88, $3  }
0x1: {  	(tag) =	ssettag $0x0;
	lr =	simm.s32 $0x1  }
0x2: {  	[smem:$0x3F9B] =	sst lr;
	_ =	strace $0xD0000000  }
0x3: {  	_ = 	snop  }
0x4: {  	_ = 	snop  }
0x5: {  	_ = 	snop  }
0x6: {  	_ = 	snop  }
0x7: {  	_ = 	snop  }
__scs_overlays_trampoline_lowered:
0x8: {  	[smem:$0x3FAA] =	sst s0  }
0x9: {  	[smem:$0x3FAB] =	sst s1  }
0xa: {  	[smem:$0x3FAC] =	sst s2  }
0xb: {  	[smem:$0x3FAD] =	sst s3  }
0xc: {  	[smem:$0x3FAE] =	sst s4  }
0xd: {  	[smem:$0x3FAF] =	sst s5  }
0xe: {  	[smem:$0x3FB0] =	sst s6  }
0xf: {  	[smem:$0x3FB1] =	sst s7  }
0x10: {  	[smem:$0x3FB2] =	sst s8  }
0x11: {  	[smem:$0x3FB3] =	sst s9;
	s0 =	simm.s32 @!p0 $0x0  }
0x12: {  	s1 =	sld [smem:$0x3F99];
	s0 =	simm.s32 @p0 $0x1  }
0x13: {  	[smem:$0x3FB4] =	sst s0;
	s0 =	simm.s32 @!p1 $0x0  }
0x14: {  	s2 =	sld [smem:$0x3F98];
	s0 =	simm.s32 @p1 $0x1  }
0x15: {  	[smem:$0x3FB5] =	sst s0;
	s0 =	simm.s32 @!p2 $0x0  }
0x16: {  	s3 =	sld [smem:$0x3FDB];
	s0 =	simm.s32 @p2 $0x1  }
0x17: {  	s4 =	simm.s32 $0x1BF5;
	[smem:$0x3FB7] =	sst s0  }
0x18: {  	s0 =	sld [smem:$0x3F9A];
	_ =	swait.ge [sflag:s4], $0x0  }
0x19: {  	s7 =	sld [smem:$0x3F9B]  }
0x1a: {  	s8 =	sadd.s32 $0xFFFFE003, lr  }
0x1b: {  	s9 =	sadd.s32 $0xFFFFFEF7, lr;
	s5 =	simm.s32 $0xFFFFFFFF;
	p2 =	slt.u32 s8, $0xFFFFF086  }
0x1c: {  	p1 =	slt.u32 s9, $0xF7A;
	s5 =	simm.s32 @!p2 $0x0  }
0x1d: {  	s5 =	simm.s32 @p1 $0x1;
	p0 =	seq.s32 s7, s2  }
0x1e: {  	s7 =	smul.u32 @!p0 $0xF7A, s2;
	p2 =	seq.s32 @!p0 s5, $0x0  }
0x1f: {  	s9 =	smul.u32 $0xF7A, s1;
	s8 =	simm.s32 @!p0 $0x1BF5;
	p2 =	por !p2, p0  }
0x20: {  	[sflag:s8] =	ssyncset.s32 @!p0 $0xFFFFF086;
	s6 =	sadd.s32 @!p0 s3, s7;
	s7 =	simm.s32 @!p0 $0x108  }
0x21: {  	s3 =	sadd.s32 s3, s9;
	s6 =	sadd.s32 @!p0 $0x88, s6;
	s7 =	simm.s32 @p2 $0x1082  }
0x22: {  	[simem:s7], [sflag:s8] =	dma.local @!p0 [hbm:s6], $0xF7A  }
0x23: {  	s9 =	sor.u32 $0xD0000000, s2;
	s6 =	simm.s32 $0x108;
	_ =	swait.ge @!p0 [sflag:s8], $0x0  }
0x24: {  	s3 =	sadd.s32 $0x88, s3;
	s6 =	simm.s32 @!p1 $0x1082;
	[sflag:s4] =	ssyncset.s32 $0xFFFFF086  }
0x25: {  	[simem:s6], [sflag:s4] =	dma.local [hbm:s3], $0xF7A  }
0x26: {  	[smem:$0x3F9B] =	sst s1;
	(tag) =	ssettag s2;
	_ =	strace s9  }
0x27: {  	s1 =	sld [smem:$0x3FAB]  }
0x28: {  	s2 =	sld [smem:$0x3FAC]  }
0x29: {  	s4 =	sld [smem:$0x3FAE]  }
0x2a: {  	p0 =	seq.s32 s5, $0x0;
	s5 =	sld [smem:$0x3FAF]  }
0x2b: {  	s6 =	sld [smem:$0x3FB0]  }
0x2c: {  	s7 =	sld [smem:$0x3FB1]  }
0x2d: {  	s3 =	simm.s32 $0x108;
	s8 =	sld [smem:$0x3FB2]  }
0x2e: {  	s3 =	simm.s32 @!p0 $0x1082;
	s9 =	sld [smem:$0x3FB3]  }
0x2f: {  	lr =	sadd.s32 s0, s3;
	s0 =	sld [smem:$0x3FAA]  }
0x30: {  	s3 =	sld [smem:$0x3FAD]  }
0x31: {  	[smem:$0x3FB6] =	sst s10  }
0x32: {  	s10 =	sld [smem:$0x3FB4];
	_ =	sdelay $0x3  }
0x33: {  	p0 =	seq.s32 s10, $0x1;
	s10 =	sld [smem:$0x3FB6];
	_ =	sdelay $0x3  }
0x34: {  	[smem:$0x3FB6] =	sst s10  }
0x35: {  	s10 =	sld [smem:$0x3FB5];
	_ =	sdelay $0x3  }
0x36: {  	p1 =	seq.s32 s10, $0x1;
	s10 =	sld [smem:$0x3FB6];
	_ =	sdelay $0x3  }
0x37: {  	[smem:$0x3FB6] =	sst s10  }
0x38: {  	s10 =	sld [smem:$0x3FB7]  }
0x39: {  	_ = 	snop;
	(pc) =	sbr.ind lr, $3  }
0x3a: {  	_ = 	snop  }
0x3b: {  	_ = 	snop  }
0x3c: {  	p2 =	seq.s32 s10, $0x1;
	s10 =	sld [smem:$0x3FB6]  }
0x3d: {  	_ =	shalt  }
0x3e: {  	_ =	shalt  }
0x3f: {  	_ =	shalt  }
0x40: {  	_ =	shalt  }
0x41: {  	_ =	shalt  }
0x42: {  	_ =	shalt  }
0x43: {  	_ =	shalt  }
0x44: {  	_ =	shalt  }
0x45: {  	_ =	shalt  }
0x46: {  	_ =	shalt  }
0x47: {  	_ =	shalt  }
0x48: {  	_ =	shalt  }
0x49: {  	_ =	shalt  }
0x4a: {  	_ =	shalt  }
0x4b: {  	_ =	shalt  }
0x4c: {  	_ =	shalt  }
0x4d: {  	_ =	shalt  }
0x4e: {  	_ =	shalt  }
0x4f: {  	_ =	shalt  }
0x50: {  	_ =	shalt  }
0x51: {  	_ =	shalt  }
0x52: {  	_ =	shalt  }
0x53: {  	_ =	shalt  }
0x54: {  	_ =	shalt  }
0x55: {  	_ =	shalt  }
0x56: {  	_ =	shalt  }
0x57: {  	_ =	shalt  }
0x58: {  	_ =	shalt  }
0x59: {  	_ =	shalt  }
0x5a: {  	_ =	shalt  }
0x5b: {  	_ =	shalt  }
0x5c: {  	_ =	shalt  }
0x5d: {  	_ =	shalt  }
0x5e: {  	_ =	shalt  }
0x5f: {  	_ =	shalt  }
0x60: {  	_ =	shalt  }
0x61: {  	_ =	shalt  }
0x62: {  	_ =	shalt  }
0x63: {  	_ =	shalt  }
0x64: {  	_ =	shalt  }
0x65: {  	_ =	shalt  }
0x66: {  	_ =	shalt  }
0x67: {  	_ =	shalt  }
0x68: {  	_ =	shalt  }
0x69: {  	_ =	shalt  }
0x6a: {  	_ =	shalt  }
0x6b: {  	_ =	shalt  }
0x6c: {  	_ =	shalt  }
0x6d: {  	_ =	shalt  }
0x6e: {  	_ =	shalt  }
0x6f: {  	_ =	shalt  }
0x70: {  	_ =	shalt  }
0x71: {  	_ =	shalt  }
0x72: {  	_ =	shalt  }
0x73: {  	_ =	shalt  }
0x74: {  	_ =	shalt  }
0x75: {  	_ =	shalt  }
0x76: {  	_ =	shalt  }
0x77: {  	_ =	shalt  }
0x78: {  	_ =	shalt  }
0x79: {  	_ =	shalt  }
0x7a: {  	_ =	shalt  }
0x7b: {  	_ =	shalt  }
0x7c: {  	_ =	shalt  }
0x7d: {  	_ =	shalt  }
0x7e: {  	_ =	shalt  }
0x7f: {  	_ =	shalt  }
0x80: {  	_ =	shalt  }
0x81: {  	_ =	shalt  }
0x82: {  	_ =	shalt  }
0x83: {  	_ =	shalt  }
0x84: {  	_ =	shalt  }
0x85: {  	_ =	shalt  }
0x86: {  	_ =	shalt  }
0x87: {  	_ =	shalt  }
.Lfunc_end0:
.L_simem_size_0:
called_computation.1_lowered:
.L_overlay_start_0:
0x88: {  	s2 =	sld [smem:$0x3FD9]  }
0x89: {  	s3 =	sld [smem:$0x3FFE];
	_ =	sdelay $0x1  }
0x8a: {  	s1 =	srdreg.scid  }
0x8b: {  	s0 =	sand.u32 $0x1, s1  }
0x8c: {  	s17 =	sshll.u32 s0, $0xA;
	s2 =	sadd.s32 s3, s2  }
0x8d: {  	s2 =	sadd.s32 s2, s17  }
0x8e: {  	[smem:$0x3FC2] =	sst s2  }
0x8f: {  	_ = 	snop  }
0x90: {  	s2 =	sld [smem:$0x3FD0];
	(tm) =	ssettm $0x1  }
0x91: {  	s18 =	sld [smem:$0x3FFB];
	_ =	sdelay $0x3  }
0x92: {  	_ =	strace s18  }
0x93: {  	s3 =	sld [smem:$0x3FFC];
	_ =	sdelay $0x3  }
0x94: {  	_ =	strace s3  }
0x95: {  	s3 =	sld [smem:$0x3FFD];
	_ =	sdelay $0x3  }
0x96: {  	_ =	strace s3  }
0x97: {  	_ =	strace $0x8FFFFFFF  }
0x98: {  	s19 =	sld [smem:$0x3FDB];
	_ =	sdelay $0x1  }
0x99: {  	s4 =	simm.s32 $_scs_section_size  }
0x9a: {  	s5 =	simm.s32 $_size__tile_overlayer_lowered;
	s6 =	simm.s32 $_tile_overlayer_lowered  }
0x9b: {  	s22 =	simm.s32 $0x1BFF;
	s21 =	sshll.u32 s6, $0x1;
	s3 =	sadd.s32 s4, s19  }
0x9c: {  	s7 =	simm.s32 $0x0;
	s20 =	sshll.u32 s5, $0x1;
	s5 =	sadd.s32 s21, s3  }
0x9d: {  	[timem:s7], [sflag:s22] =	dma.local [hbm:s5], s20  }
0x9e: {  	_ =	swait.ge [sflag:s22], s20  }
0x9f: {  	s4 =	ssub.s32 $0x0, s20;
	[sflag:s22] =	ssyncset.done $0x0  }
0xa0: {  	[sflag:s22] =	ssyncadd.s32 s4;
	_ =	sdelay $0x1  }
0xa1: {  	s23 =	simm.s32 $0x1B8B  }
0xa2: {  	_ =	swait.ge [sflag:s23], $0x1  }
0xa3: {  	[sflag:s23] =	ssyncset.done $0x0  }
0xa4: {  	s25 =	simm.s32 $0x1B8E;
	s24 =	sld [smem:$0x3FFE];
	[sflag:s23] =	ssyncadd.s32 $0xFFFFFFFF  }
0xa5: {  	s26 =	simm.s32 $execute0_lowered;
	[smem:$0x3FD2] =	sst s25  }
0xa6: {  	s5 =	sshll.u32 s26, $0x1;
	_ =	strace $0x80000049;
	[dreg:$0x1] =	wrdreg $0xFFFFFFFF  }
0xa7: {  	s28 =	simm.s32 $_size_execute0_lowered;
	s3 =	sadd.s32 s3, s5;
	[dreg:$0x0] =	wrdreg $0x0  }
0xa8: {  	s5 =	sshll.u32 s28, $0x1;
	[dreg:$0x2] =	wrdreg s3  }
0xa9: {  	[dreg:$0x3] =	wrdreg s5  }
0xaa: {  	[dreg:$0x4] =	wrdreg $0xC0  }
0xab: {  	_ =	task [dreg:s7], $0x5FFFF  }
0xac: {  	[dreg:$0x1] =	wrdreg $0xFFFFFFFF  }
0xad: {  	[dreg:$0x0] =	wrdreg $0x60  }
0xae: {  	[dreg:$0x2] =	wrdreg s24  }
0xaf: {  	[dreg:$0x3] =	wrdreg s2  }
0xb0: {  	[dreg:$0x4] =	wrdreg $0xC0000  }
0xb1: {  	[dreg:$0x5] =	wrdreg $0x98000  }
0xb2: {  	[dreg:$0x6] =	wrdreg $0x9  }
0xb3: {  	_ =	task.clear_ibuf [dreg:s7], $0x7FFFF;
	_ =	strace $0x90000049  }
0xb4: {  	s29 =	simm.s32 $0x9;
	_ =	strace $0x8000004B  }
0xb5: {  	_ =	swait.ge [sflag:s29], $0x1  }
0xb6: {  	[sflag:s29] =	ssyncadd.s32 $0xFFFFFFFF  }
0xb7: {  	_ =	strace $0x9000004B  }
0xb8: {  	_ =	sfence  }
0xb9: {  	s30 =	sld [smem:$0x0];
	_ =	sdelay $0x2  }
0xba: {  	s31 =	sshll.u32 s1, $0xD;
	s1 =	sshrl.u32 s1, $0x2  }
0xbb: {  	s3 =	sand.u32 $0x4000, s31;
	s1 =	sadd.s32 s1, s30  }
0xbc: {  	s0 =	sor.u32 s3, s0;
	s1 =	sshll.u32 s1, $0x11  }
0xbd: {  	s0 =	sor.u32 s1, s0  }
0xbe: {  	s0 =	sadd.s32 $0x8F2B, s0  }
0xbf: {  	[sflag:s0] =	ssyncadd.remote.s32 $0x1  }
0xc0: {  	_ =	sfence.sel $0xFFFF  }
0xc1: {  	[dreg:$0x0] =	wrdreg $0xFFFFFFFF;
	(pc) =	sbr.abs _section_cstart, $3  }
0xc2: {  	[dreg:$0x1] =	wrdreg $0xFFFFFFFF  }
0xc3: {  	_ =	task.clear_ibuf [dreg:s7], $0x2FFFF;
	_ =	strace $0x9FFFFFFF  }
0xc4: {  	(tm) =	ssettm $0x7FFFFFFF  }
0xc5: {  	_ =	shalt  }
tec
execute0_lowered:
.L_overlay_start_1:
0x0: {  	(tag) =	ssettag $0x1  }
0x1: {  	s0 =	srdreg.scid  }
0x2: {  	s1 =	rddreg [dreg:$0x0];
	s16 =	stileid.u32  }
0x3: {  	s3 =	simm.s32 $0x0;
	s0 =	sand.u32 $0x1, s0;
	s8 =	smul.u32 $0x2800, s16  }
0x4: {  	[smem:$0x7FF] =	sst s3;
	s5 =	sadd.s32 $0x15200, s1;
	s26 =	smul.u32 $0x280, s16  }
0x5: {  	s2 =	sshll.u32 s0, $0x4;
	s6 =	ssub.s32 $0x2, s0;
	s0 =	smul.u32 $0x2800, s0  }
0x6: {  	s4 =	sor.u32 s16, s2;
	s2 =	rddreg [dreg:$0x2];
	s7 =	sshrl.u32 s6, $0x1  }
0x7: {  	s9 =	sshrl.u32 s8, $0x3;
	s10 =	sadd.s32 $0x800, s8;
	s11 =	sadd.s32 $0x1000, s8  }
0x8: {  	s12 =	sadd.s32 $0x1800, s8;
	s20 =	sadd.s32 $0x80, s26;
	s16 =	smul.u32 $0xA000, s16  }
0x9: {  	s4 =	smul.u32 $0x500, s4;
	s6 =	ssub.s32 s6, s7;
	s9 =	sadd.s32 s5, s9  }
0xa: {  	s14 =	sshrl.u32 s10, $0x3;
	s15 =	sshrl.u32 s11, $0x3;
	s17 =	sshrl.u32 s12, $0x3  }
0xb: {  	s13 =	sadd.s32 s0, s26;
	s21 =	sadd.s32 s0, s20;
	s7 =	sadd.s32 $0x200, s26  }
0xc: {  	s20 =	sshll.u32 s20, $0x4;
	[dreg:$0x5] =	wrdreg s9;
	s9 =	sadd.s32 s5, s14  }
0xd: {  	s14 =	sadd.s32 $0x2000, s8;
	s19 =	sshll.u32 s13, $0x1;
	s13 =	rddreg [dreg:$0x3]  }
0xe: {  	s6 =	smax.u32 s6, $0x1;
	s4 =	sadd.s32 s4, s1;
	s1 =	sadd.s32 $0x1A200, s1  }
0xf: {  	[dreg:$0x6] =	wrdreg s9;
	s9 =	sadd.s32 s5, s15;
	s18 =	sshrl.u32 s14, $0x3  }
0x10: {  	s15 =	sadd.s32 $0x100, s26;
	s8 =	sadd.s32 s8, s13;
	s10 =	sadd.s32 s10, s13  }
0x11: {  	[dreg:$0x7] =	wrdreg s9;
	s9 =	sadd.s32 s5, s17;
	s5 =	sadd.s32 s5, s18  }
0x12: {  	s22 =	sadd.s32 s0, s15;
	s17 =	sadd.s32 $0x180, s26;
	s26 =	sshrl.u32 s16, $0x2  }
0x13: {  	s18 =	sadd.s32 s11, s13;
	s11 =	simm.s32 $0x7800;
	[dreg:$0x8] =	wrdreg s9  }
0x14: {  	[dreg:$0x9] =	wrdreg s5;
	s5 =	sadd.s32 s1, s19;
	s23 =	sshll.u32 s22, $0x1  }
0x15: {  	s24 =	sadd.s32 s0, s17;
	s0 =	sadd.s32 s0, s7;
	s16 =	sadd.s32 s26, s2  }
0x16: {  	s19 =	sadd.s32 s12, s13;
	s22 =	sshll.u32 s17, $0x4;
	s9 =	simm.s32 $0x6800  }
0x17: {  	s17 =	simm.s32 $0x1;
	[dreg:$0xa] =	wrdreg s5;
	s5 =	sshll.u32 s21, $0x1  }
0x18: {  	s25 =	sshll.u32 s24, $0x1;
	s0 =	sshll.u32 s0, $0x1;
	s5 =	sadd.s32 s1, s5  }
0x19: {  	s24 =	sadd.s32 s14, s13;
	s0 =	sadd.s32 s1, s0;
	[dreg:$0xb] =	wrdreg s5  }
0x1a: {  	s21 =	sshll.u32 s15, $0x4;
	s5 =	sadd.s32 s1, s23;
	[dreg:$0xe] =	wrdreg s0  }
0x1b: {  	s28 =	sadd.s32 s22, s2;
	[dreg:$0xc] =	wrdreg s5;
	s5 =	sadd.s32 s1, s25  }
0x1c: {  	s30 =	sadd.s32 $0x800, s16;
	s1 =	sadd.s32 $0x1000, s4;
	[dreg:$0xd] =	wrdreg s5  }
0x1d: {  	s5 =	sadd.s32 $0xB000, s4;
	_ =	strace $0x8000004A;
	[dreg:$0xf] =	wrdreg s1  }
0x1e: {  	s31 =	sadd.s32 $0x1000, s16;
	s12 =	sadd.s32 $0x1800, s16;
	[dreg:$0x10] =	wrdreg s5  }
0x1f: {  	s14 =	simm.s32 $0x8000;
	s15 =	simm.s32 $0x8800;
	[dreg:$0x11] =	wrdreg s6  }
0x20: {  	s26 =	sadd.s32 s21, s2;
	s23 =	sshll.u32 s7, $0x4;
	[dreg:$0x12] =	wrdreg s8  }
0x21: {  	s0 =	sadd.s32 $0x2000, s16;
	s7 =	simm.s32 $0x5800;
	[dreg:$0x13] =	wrdreg s10  }
0x22: {  	s25 =	sadd.s32 s20, s2;
	s29 =	sadd.s32 s23, s2;
	[dreg:$0x14] =	wrdreg s18  }
0x23: {  	s4 =	simm.s32 $0x3;
	[dreg:$0x15] =	wrdreg s19;
	s1 =	simm.s32 $0x9000  }
0x24: {  	s5 =	simm.s32 $0x80;
	s6 =	simm.s32 $0x5000;
	s8 =	simm.s32 $0x6000  }
0x25: {  	s10 =	simm.s32 $0x7000;
	s18 =	simm.s32 $0x2;
	s19 =	simm.s32 $0x0  }
.LBB2_1:
0x26: {  	s20 =	rddreg [dreg:$0x1]  }
0x27: {  	[tilespmem:s1], [sflag:$0x3] =	stream.linear.gather [hbm4b:s20+s3], $0x800, $0x38;
	[tilespmem:$0xE800] =	vst v63  }
0x28: {  	_ =	swait.ge [sflag:s4], $0x800  }
0x29: {  	[sflag:s4] =	ssyncset.done $0x0  }
0x2a: {  	[sflag:s4] =	ssyncadd.s32 $0xFFFFF800  }
0x2b: {  	[spmem:s16] =	stream.linear.scatter [tilespmem:s1], [sflag:$0x3], $0x800, $0x38;
	[tilespmem:$0xE800] =	vst v63  }
0x2c: {  	_ =	swait.ge [sflag:s4], $0x800  }
0x2d: {  	[sflag:s4] =	ssyncset.done $0x0  }
0x2e: {  	[sflag:s4] =	ssyncadd.s32 $0xFFFFF800  }
0x2f: {  	[spmem:s30] =	stream.linear.scatter [tilespmem:s1], [sflag:$0x3], $0x800, $0x38;
	[tilespmem:$0xE800] =	vst v63  }
0x30: {  	_ =	swait.ge [sflag:s4], $0x800  }
0x31: {  	[sflag:s4] =	ssyncset.done $0x0  }
0x32: {  	[sflag:s4] =	ssyncadd.s32 $0xFFFFF800  }
0x33: {  	[spmem:s31] =	stream.linear.scatter [tilespmem:s1], [sflag:$0x3], $0x800, $0x38;
	[tilespmem:$0xE800] =	vst v63  }
0x34: {  	_ =	swait.ge [sflag:s4], $0x800  }
0x35: {  	[sflag:s4] =	ssyncset.done $0x0  }
0x36: {  	[sflag:s4] =	ssyncadd.s32 $0xFFFFF800  }
0x37: {  	[spmem:s12] =	stream.linear.scatter [tilespmem:s1], [sflag:$0x3], $0x800, $0x38;
	[tilespmem:$0xE800] =	vst v63  }
0x38: {  	_ =	swait.ge [sflag:s4], $0x800  }
0x39: {  	[sflag:s4] =	ssyncset.done $0x0  }
0x3a: {  	[sflag:s4] =	ssyncadd.s32 $0xFFFFF800  }
0x3b: {  	[spmem:s0] =	stream.linear.scatter [tilespmem:s1], [sflag:$0x3], $0x800, $0x38;
	[tilespmem:$0xE800] =	vst v63  }
0x3c: {  	_ =	swait.ge [sflag:s4], $0x800  }
0x3d: {  	[sflag:s4] =	ssyncset.done $0x0  }
0x3e: {  	s21 =	rddreg [dreg:$0x5];
	[sflag:s4] =	ssyncadd.s32 $0xFFFFF800  }
0x3f: {  	[tilespmem:s1], [sflag:$0x3] =	stream.linear.gather [hbm4b:s21+s3], $0x800, $0x38;
	[tilespmem:$0xE800] =	vst v63  }
0x40: {  	_ =	swait.ge [sflag:s4], $0x800  }
0x41: {  	[sflag:s4] =	ssyncset.done $0x0  }
0x42: {  	s22 =	rddreg [dreg:$0x12];
	[sflag:s4] =	ssyncadd.s32 $0xFFFFF800  }
0x43: {  	[spmem:s22] =	stream.linear.scatter [tilespmem:s1], [sflag:$0x3], $0x800, $0x38;
	[tilespmem:$0xE800] =	vst v63  }
0x44: {  	_ =	swait.ge [sflag:s4], $0x800  }
0x45: {  	[sflag:s4] =	ssyncset.done $0x0  }
0x46: {  	s23 =	rddreg [dreg:$0x6];
	[sflag:s4] =	ssyncadd.s32 $0xFFFFF800  }
0x47: {  	[tilespmem:s1], [sflag:$0x3] =	stream.linear.gather [hbm4b:s23+s3], $0x800, $0x38;
	[tilespmem:$0xE800] =	vst v63  }
0x48: {  	_ =	swait.ge [sflag:s4], $0x800  }
0x49: {  	[sflag:s4] =	ssyncset.done $0x0  }
0x4a: {  	s21 =	rddreg [dreg:$0x13];
	[sflag:s4] =	ssyncadd.s32 $0xFFFFF800  }
0x4b: {  	[spmem:s21] =	stream.linear.scatter [tilespmem:s1], [sflag:$0x3], $0x800, $0x38;
	[tilespmem:$0xE800] =	vst v63  }
0x4c: {  	_ =	swait.ge [sflag:s4], $0x800  }
0x4d: {  	[sflag:s4] =	ssyncset.done $0x0  }
0x4e: {  	s22 =	rddreg [dreg:$0x7];
	[sflag:s4] =	ssyncadd.s32 $0xFFFFF800  }
0x4f: {  	[tilespmem:s1], [sflag:$0x3] =	stream.linear.gather [hbm4b:s22+s3], $0x800, $0x38;
	[tilespmem:$0xE800] =	vst v63  }
0x50: {  	_ =	swait.ge [sflag:s4], $0x800  }
0x51: {  	[sflag:s4] =	ssyncset.done $0x0  }
0x52: {  	s23 =	rddreg [dreg:$0x14];
	[sflag:s4] =	ssyncadd.s32 $0xFFFFF800  }
0x53: {  	[spmem:s23] =	stream.linear.scatter [tilespmem:s1], [sflag:$0x3], $0x800, $0x38;
	[tilespmem:$0xE800] =	vst v63  }
0x54: {  	_ =	swait.ge [sflag:s4], $0x800  }
0x55: {  	[sflag:s4] =	ssyncset.done $0x0  }
0x56: {  	s21 =	rddreg [dreg:$0x8];
	[sflag:s4] =	ssyncadd.s32 $0xFFFFF800  }
0x57: {  	[tilespmem:s1], [sflag:$0x3] =	stream.linear.gather [hbm4b:s21+s3], $0x800, $0x38;
	[tilespmem:$0xE800] =	vst v63  }
0x58: {  	_ =	swait.ge [sflag:s4], $0x800  }
0x59: {  	[sflag:s4] =	ssyncset.done $0x0  }
0x5a: {  	s22 =	rddreg [dreg:$0x15];
	[sflag:s4] =	ssyncadd.s32 $0xFFFFF800  }
0x5b: {  	[spmem:s22] =	stream.linear.scatter [tilespmem:s1], [sflag:$0x3], $0x800, $0x38;
	[tilespmem:$0xE800] =	vst v63  }
0x5c: {  	_ =	swait.ge [sflag:s4], $0x800  }
0x5d: {  	[sflag:s4] =	ssyncset.done $0x0  }
0x5e: {  	s23 =	rddreg [dreg:$0x9];
	[sflag:s4] =	ssyncadd.s32 $0xFFFFF800  }
0x5f: {  	[tilespmem:s1], [sflag:$0x3] =	stream.linear.gather [hbm4b:s23+s3], $0x800, $0x38;
	[tilespmem:$0xE800] =	vst v63  }
0x60: {  	_ =	swait.ge [sflag:s4], $0x800  }
0x61: {  	[sflag:s4] =	ssyncset.done $0x0  }
0x62: {  	[sflag:s4] =	ssyncadd.s32 $0xFFFFF800  }
0x63: {  	[spmem:s24] =	stream.linear.scatter [tilespmem:s1], [sflag:$0x3], $0x800, $0x38;
	[tilespmem:$0xE800] =	vst v63  }
0x64: {  	_ =	swait.ge [sflag:s4], $0x800  }
0x65: {  	[sflag:s4] =	ssyncset.done $0x0  }
0x66: {  	s21 =	rddreg [dreg:$0xf];
	[sflag:s4] =	ssyncadd.s32 $0xFFFFF800  }
0x67: {  	[tilespmem:s3], [sflag:$0x3] =	stream.linear.gather [hbm4b:s21+s3], $0x2800, $0x38;
	[tilespmem:$0xE800] =	vst v63  }
0x68: {  	_ =	swait.ge [sflag:s4], $0x2800  }
0x69: {  	[sflag:s4] =	ssyncset.done $0x0  }
0x6a: {  	s21 =	simm.s32 $0x2800;
	s22 =	rddreg [dreg:$0x10];
	[sflag:s4] =	ssyncadd.s32 $0xFFFFD800  }
0x6b: {  	[tilespmem:s21], [sflag:$0x3] =	stream.linear.gather [hbm4b:s22+s3], $0x2800, $0x38;
	[tilespmem:$0xE800] =	vst v63  }
0x6c: {  	_ =	swait.ge [sflag:s4], $0x2800  }
0x6d: {  	[sflag:s4] =	ssyncset.done $0x0  }
0x6e: {  	[sflag:s4] =	ssyncadd.s32 $0xFFFFD800  }
0x6f: {  	s23 =	simm.s32 $0x0;
	[bflag:$0x0] =	sbarrier.arrive $0xFFFF  }
0x70: {  	[tilespmem:s6], [sflag:$0x1] =	stream.indirect.gather [spmem:s13], $0x10, s23, s5, $0xb8;
	[tilespmem:$0xE800] =	vst v63  }
0x71: {  	s21 =	simm.s32 $0x80  }
0x72: {  	[tilespmem:s7], [sflag:$0x1] =	stream.indirect.gather [spmem:s13], $0x10, s21, s5, $0xb8;
	[tilespmem:$0xE800] =	vst v63  }
0x73: {  	s22 =	simm.s32 $0x100  }
0x74: {  	[tilespmem:s8], [sflag:$0x1] =	stream.indirect.gather [spmem:s13], $0x10, s22, s5, $0xb8;
	[tilespmem:$0xE800] =	vst v63  }
0x75: {  	s23 =	simm.s32 $0x180  }
0x76: {  	[tilespmem:s9], [sflag:$0x1] =	stream.indirect.gather [spmem:s13], $0x10, s23, s5, $0xb8;
	[tilespmem:$0xE800] =	vst v63  }
0x77: {  	s21 =	simm.s32 $0x200  }
0x78: {  	[tilespmem:s10], [sflag:$0x1] =	stream.indirect.gather [spmem:s13], $0x10, s21, s5, $0xb8;
	[tilespmem:$0xE800] =	vst v63  }
0x79: {  	s22 =	simm.s32 $0x280  }
0x7a: {  	[tilespmem:s11], [sflag:$0x1] =	stream.indirect.gather [spmem:s13], $0x10, s22, s5, $0xb8;
	[tilespmem:$0xE800] =	vst v63  }
0x7b: {  	s23 =	simm.s32 $0x300  }
0x7c: {  	[tilespmem:s14], [sflag:$0x1] =	stream.indirect.gather [spmem:s13], $0x10, s23, s5, $0xb8;
	[tilespmem:$0xE800] =	vst v63  }
0x7d: {  	s21 =	simm.s32 $0x380  }
0x7e: {  	[tilespmem:s15], [sflag:$0x1] =	stream.indirect.gather [spmem:s13], $0x10, s21, s5, $0xb8;
	[tilespmem:$0xE800] =	vst v63  }
0x7f: {  	_ =	swait.ge [sflag:s17], $0x800  }
0x80: {  	[sflag:s17] =	ssyncset.done $0x0  }
0x81: {  	s22 =	simm.s32 $0x2800;
	[sflag:s17] =	ssyncadd.s32 $0xFFFFF800  }
0x82: {  	[spmem:s2] =	stream.indirect.scatter.add.f32 [tilespmem:s6], [sflag:$0x2], $0x10, s22, s5, $0xb8;
	[tilespmem:$0xE800] =	vst v63  }
0x83: {  	_ =	swait.ge [sflag:s17], $0x800  }
0x84: {  	[sflag:s17] =	ssyncset.done $0x0  }
0x85: {  	s23 =	simm.s32 $0x2880;
	[sflag:s17] =	ssyncadd.s32 $0xFFFFF800  }
0x86: {  	[spmem:s2] =	stream.indirect.scatter.add.f32 [tilespmem:s7], [sflag:$0x2], $0x10, s23, s5, $0xb8;
	[tilespmem:$0xE800] =	vst v63  }
0x87: {  	_ =	swait.ge [sflag:s17], $0x800  }
0x88: {  	[sflag:s17] =	ssyncset.done $0x0  }
0x89: {  	s21 =	simm.s32 $0x2900;
	[sflag:s17] =	ssyncadd.s32 $0xFFFFF800  }
0x8a: {  	[spmem:s2] =	stream.indirect.scatter.add.f32 [tilespmem:s8], [sflag:$0x2], $0x10, s21, s5, $0xb8;
	[tilespmem:$0xE800] =	vst v63  }
0x8b: {  	_ =	swait.ge [sflag:s17], $0x800  }
0x8c: {  	[sflag:s17] =	ssyncset.done $0x0  }
0x8d: {  	s22 =	simm.s32 $0x2980;
	[sflag:s17] =	ssyncadd.s32 $0xFFFFF800  }
0x8e: {  	[spmem:s2] =	stream.indirect.scatter.add.f32 [tilespmem:s9], [sflag:$0x2], $0x10, s22, s5, $0xb8;
	[tilespmem:$0xE800] =	vst v63  }
0x8f: {  	_ =	swait.ge [sflag:s17], $0x800  }
0x90: {  	[sflag:s17] =	ssyncset.done $0x0  }
0x91: {  	s23 =	simm.s32 $0x2A00;
	[sflag:s17] =	ssyncadd.s32 $0xFFFFF800  }
0x92: {  	[spmem:s2] =	stream.indirect.scatter.add.f32 [tilespmem:s10], [sflag:$0x2], $0x10, s23, s5, $0xb8;
	[tilespmem:$0xE800] =	vst v63  }
0x93: {  	_ =	swait.ge [sflag:s17], $0x800  }
0x94: {  	[sflag:s17] =	ssyncset.done $0x0  }
0x95: {  	s21 =	simm.s32 $0x2A80;
	[sflag:s17] =	ssyncadd.s32 $0xFFFFF800  }
0x96: {  	[spmem:s2] =	stream.indirect.scatter.add.f32 [tilespmem:s11], [sflag:$0x2], $0x10, s21, s5, $0xb8;
	[tilespmem:$0xE800] =	vst v63  }
0x97: {  	_ =	swait.ge [sflag:s17], $0x800  }
0x98: {  	[sflag:s17] =	ssyncset.done $0x0  }
0x99: {  	s22 =	simm.s32 $0x2B00;
	[sflag:s17] =	ssyncadd.s32 $0xFFFFF800  }
0x9a: {  	[spmem:s2] =	stream.indirect.scatter.add.f32 [tilespmem:s14], [sflag:$0x2], $0x10, s22, s5, $0xb8;
	[tilespmem:$0xE800] =	vst v63  }
0x9b: {  	_ =	swait.ge [sflag:s17], $0x800  }
0x9c: {  	[sflag:s17] =	ssyncset.done $0x0  }
0x9d: {  	s23 =	simm.s32 $0x2B80;
	[sflag:s17] =	ssyncadd.s32 $0xFFFFF800  }
0x9e: {  	[spmem:s2] =	stream.indirect.scatter.add.f32 [tilespmem:s15], [sflag:$0x2], $0x10, s23, s5, $0xb8;
	[tilespmem:$0xE800] =	vst v63  }
0x9f: {  	_ =	swait.ge [sflag:s18], $0x800  }
0xa0: {  	[sflag:s18] =	ssyncset.done $0x0  }
0xa1: {  	[sflag:s18] =	ssyncadd.s32 $0xFFFFF800  }
0xa2: {  	_ =	swait.ge [sflag:s18], $0x800  }
0xa3: {  	[sflag:s18] =	ssyncset.done $0x0  }
0xa4: {  	[sflag:s18] =	ssyncadd.s32 $0xFFFFF800  }
0xa5: {  	_ =	swait.ge [sflag:s18], $0x800  }
0xa6: {  	[sflag:s18] =	ssyncset.done $0x0  }
0xa7: {  	[sflag:s18] =	ssyncadd.s32 $0xFFFFF800  }
0xa8: {  	_ =	swait.ge [sflag:s18], $0x800  }
0xa9: {  	[sflag:s18] =	ssyncset.done $0x0  }
0xaa: {  	[sflag:s18] =	ssyncadd.s32 $0xFFFFF800  }
0xab: {  	_ =	swait.ge [sflag:s18], $0x800  }
0xac: {  	[sflag:s18] =	ssyncset.done $0x0  }
0xad: {  	[sflag:s18] =	ssyncadd.s32 $0xFFFFF800  }
0xae: {  	_ =	swait.ge [sflag:s18], $0x800  }
0xaf: {  	[sflag:s18] =	ssyncset.done $0x0  }
0xb0: {  	[sflag:s18] =	ssyncadd.s32 $0xFFFFF800  }
0xb1: {  	_ =	swait.ge [sflag:s18], $0x800  }
0xb2: {  	[sflag:s18] =	ssyncset.done $0x0  }
0xb3: {  	[sflag:s18] =	ssyncadd.s32 $0xFFFFF800  }
0xb4: {  	_ =	swait.ge [sflag:s18], $0x800  }
0xb5: {  	s20 =	simm.s32 $0x1000;
	s21 =	simm.s32 $0x2000;
	[sflag:s18] =	ssyncset.done $0x0  }
.LBB2_2:
0xb6: {  	s22 =	sshra.s32 s20, $0x2  }
0xb7: {  	[sflag:s18] =	ssyncadd.s32 $0xFFFFF800;
	s20 =	smov.u32 s21;
	s23 =	sadd.s32 $0x1000, s21  }
0xb8: {  	[tilespmem:s6], [sflag:$0x1] =	stream.indirect.gather [spmem:s13], $0x10, s22, s5, $0xb8;
	[tilespmem:$0xE800] =	vst v63  }
0xb9: {  	p0 =	sne.s32 s21, $0x9000;
	s21 =	sadd.s32 $0x80, s22  }
0xba: {  	[tilespmem:s7], [sflag:$0x1] =	stream.indirect.gather [spmem:s13], $0x10, s21, s5, $0xb8;
	[tilespmem:$0xE800] =	vst v63  }
0xbb: {  	s21 =	sadd.s32 $0x100, s22  }
0xbc: {  	[tilespmem:s8], [sflag:$0x1] =	stream.indirect.gather [spmem:s13], $0x10, s21, s5, $0xb8;
	[tilespmem:$0xE800] =	vst v63  }
0xbd: {  	s21 =	sadd.s32 $0x180, s22  }
0xbe: {  	[tilespmem:s9], [sflag:$0x1] =	stream.indirect.gather [spmem:s13], $0x10, s21, s5, $0xb8;
	[tilespmem:$0xE800] =	vst v63  }
0xbf: {  	s21 =	sadd.s32 $0x200, s22  }
0xc0: {  	[tilespmem:s10], [sflag:$0x1] =	stream.indirect.gather [spmem:s13], $0x10, s21, s5, $0xb8;
	[tilespmem:$0xE800] =	vst v63  }
0xc1: {  	s21 =	sadd.s32 $0x280, s22  }
0xc2: {  	[tilespmem:s11], [sflag:$0x1] =	stream.indirect.gather [spmem:s13], $0x10, s21, s5, $0xb8;
	[tilespmem:$0xE800] =	vst v63  }
0xc3: {  	s21 =	sadd.s32 $0x300, s22  }
0xc4: {  	[tilespmem:s14], [sflag:$0x1] =	stream.indirect.gather [spmem:s13], $0x10, s21, s5, $0xb8;
	[tilespmem:$0xE800] =	vst v63  }
0xc5: {  	s21 =	sadd.s32 $0x380, s22  }
0xc6: {  	[tilespmem:s15], [sflag:$0x1] =	stream.indirect.gather [spmem:s13], $0x10, s21, s5, $0xb8;
	[tilespmem:$0xE800] =	vst v63  }
0xc7: {  	_ =	swait.ge [sflag:s17], $0x800  }
0xc8: {  	[sflag:s17] =	ssyncset.done $0x0  }
0xc9: {  	s21 =	sadd.s32 $0x2800, s22;
	[sflag:s17] =	ssyncadd.s32 $0xFFFFF800  }
0xca: {  	[spmem:s2] =	stream.indirect.scatter.add.f32 [tilespmem:s6], [sflag:$0x2], $0x10, s21, s5, $0xb8;
	[tilespmem:$0xE800] =	vst v63  }
0xcb: {  	_ =	swait.ge [sflag:s17], $0x800  }
0xcc: {  	[sflag:s17] =	ssyncset.done $0x0  }
0xcd: {  	s21 =	sadd.s32 $0x2880, s22;
	[sflag:s17] =	ssyncadd.s32 $0xFFFFF800  }
0xce: {  	[spmem:s2] =	stream.indirect.scatter.add.f32 [tilespmem:s7], [sflag:$0x2], $0x10, s21, s5, $0xb8;
	[tilespmem:$0xE800] =	vst v63  }
0xcf: {  	_ =	swait.ge [sflag:s17], $0x800  }
0xd0: {  	[sflag:s17] =	ssyncset.done $0x0  }
0xd1: {  	s21 =	sadd.s32 $0x2900, s22;
	[sflag:s17] =	ssyncadd.s32 $0xFFFFF800  }
0xd2: {  	[spmem:s2] =	stream.indirect.scatter.add.f32 [tilespmem:s8], [sflag:$0x2], $0x10, s21, s5, $0xb8;
	[tilespmem:$0xE800] =	vst v63  }
0xd3: {  	_ =	swait.ge [sflag:s17], $0x800  }
0xd4: {  	[sflag:s17] =	ssyncset.done $0x0  }
0xd5: {  	s21 =	sadd.s32 $0x2980, s22;
	[sflag:s17] =	ssyncadd.s32 $0xFFFFF800  }
0xd6: {  	[spmem:s2] =	stream.indirect.scatter.add.f32 [tilespmem:s9], [sflag:$0x2], $0x10, s21, s5, $0xb8;
	[tilespmem:$0xE800] =	vst v63  }
0xd7: {  	_ =	swait.ge [sflag:s17], $0x800  }
0xd8: {  	[sflag:s17] =	ssyncset.done $0x0  }
0xd9: {  	s21 =	sadd.s32 $0x2A00, s22;
	[sflag:s17] =	ssyncadd.s32 $0xFFFFF800  }
0xda: {  	[spmem:s2] =	stream.indirect.scatter.add.f32 [tilespmem:s10], [sflag:$0x2], $0x10, s21, s5, $0xb8;
	[tilespmem:$0xE800] =	vst v63  }
0xdb: {  	_ =	swait.ge [sflag:s17], $0x800  }
0xdc: {  	[sflag:s17] =	ssyncset.done $0x0  }
0xdd: {  	s21 =	sadd.s32 $0x2A80, s22;
	[sflag:s17] =	ssyncadd.s32 $0xFFFFF800  }
0xde: {  	[spmem:s2] =	stream.indirect.scatter.add.f32 [tilespmem:s11], [sflag:$0x2], $0x10, s21, s5, $0xb8;
	[tilespmem:$0xE800] =	vst v63  }
0xdf: {  	_ =	swait.ge [sflag:s17], $0x800  }
0xe0: {  	[sflag:s17] =	ssyncset.done $0x0  }
0xe1: {  	s21 =	sadd.s32 $0x2B00, s22;
	[sflag:s17] =	ssyncadd.s32 $0xFFFFF800  }
0xe2: {  	[spmem:s2] =	stream.indirect.scatter.add.f32 [tilespmem:s14], [sflag:$0x2], $0x10, s21, s5, $0xb8;
	[tilespmem:$0xE800] =	vst v63  }
0xe3: {  	_ =	swait.ge [sflag:s17], $0x800  }
0xe4: {  	[sflag:s17] =	ssyncset.done $0x0  }
0xe5: {  	s21 =	sadd.s32 $0x2B80, s22;
	[sflag:s17] =	ssyncadd.s32 $0xFFFFF800  }
0xe6: {  	[spmem:s2] =	stream.indirect.scatter.add.f32 [tilespmem:s15], [sflag:$0x2], $0x10, s21, s5, $0xb8;
	[tilespmem:$0xE800] =	vst v63  }
0xe7: {  	_ =	swait.ge [sflag:s18], $0x800  }
0xe8: {  	[sflag:s18] =	ssyncset.done $0x0  }
0xe9: {  	[sflag:s18] =	ssyncadd.s32 $0xFFFFF800  }
0xea: {  	_ =	swait.ge [sflag:s18], $0x800  }
0xeb: {  	[sflag:s18] =	ssyncset.done $0x0  }
0xec: {  	[sflag:s18] =	ssyncadd.s32 $0xFFFFF800  }
0xed: {  	_ =	swait.ge [sflag:s18], $0x800  }
0xee: {  	[sflag:s18] =	ssyncset.done $0x0  }
0xef: {  	[sflag:s18] =	ssyncadd.s32 $0xFFFFF800  }
0xf0: {  	_ =	swait.ge [sflag:s18], $0x800  }
0xf1: {  	[sflag:s18] =	ssyncset.done $0x0  }
0xf2: {  	[sflag:s18] =	ssyncadd.s32 $0xFFFFF800  }
0xf3: {  	_ =	swait.ge [sflag:s18], $0x800  }
0xf4: {  	[sflag:s18] =	ssyncset.done $0x0  }
0xf5: {  	[sflag:s18] =	ssyncadd.s32 $0xFFFFF800  }
0xf6: {  	_ =	swait.ge [sflag:s18], $0x800  }
0xf7: {  	[sflag:s18] =	ssyncset.done $0x0  }
0xf8: {  	[sflag:s18] =	ssyncadd.s32 $0xFFFFF800  }
.Ltmp0:
0xf9: {  	_ =	swait.ge [sflag:s18], $0x800;
	(pc) =	sbr.rel @p0 .LBB2_2-.Ltmp0, $4  }
0xfa: {  	[sflag:s18] =	ssyncset.done $0x0  }
0xfb: {  	[sflag:s18] =	ssyncadd.s32 $0xFFFFF800  }
0xfc: {  	_ =	swait.ge [sflag:s18], $0x800  }
0xfd: {  	s21 =	smov.u32 s23;
	[sflag:s18] =	ssyncset.done $0x0  }
0xfe: {  	s20 =	sshra.s32 s20, $0x2;
	[sflag:s18] =	ssyncadd.s32 $0xFFFFF800  }
0xff: {  	[tilespmem:s6], [sflag:$0x1] =	stream.indirect.gather [spmem:s13], $0x10, s20, s5, $0xb8;
	[tilespmem:$0xE800] =	vst v63  }
0x100: {  	s21 =	sadd.s32 $0x80, s20  }
0x101: {  	[tilespmem:s7], [sflag:$0x1] =	stream.indirect.gather [spmem:s13], $0x10, s21, s5, $0xb8;
	[tilespmem:$0xE800] =	vst v63  }
0x102: {  	s23 =	sadd.s32 $0x100, s20  }
0x103: {  	[tilespmem:s8], [sflag:$0x1] =	stream.indirect.gather [spmem:s13], $0x10, s23, s5, $0xb8;
	[tilespmem:$0xE800] =	vst v63  }
0x104: {  	s22 =	sadd.s32 $0x180, s20  }
0x105: {  	[tilespmem:s9], [sflag:$0x1] =	stream.indirect.gather [spmem:s13], $0x10, s22, s5, $0xb8;
	[tilespmem:$0xE800] =	vst v63  }
0x106: {  	s23 =	sadd.s32 $0x200, s20  }
0x107: {  	[tilespmem:s10], [sflag:$0x1] =	stream.indirect.gather [spmem:s13], $0x10, s23, s5, $0xb8;
	[tilespmem:$0xE800] =	vst v63  }
0x108: {  	s22 =	sadd.s32 $0x280, s20  }
0x109: {  	[tilespmem:s11], [sflag:$0x1] =	stream.indirect.gather [spmem:s13], $0x10, s22, s5, $0xb8;
	[tilespmem:$0xE800] =	vst v63  }
0x10a: {  	s23 =	sadd.s32 $0x300, s20  }
0x10b: {  	[tilespmem:s14], [sflag:$0x1] =	stream.indirect.gather [spmem:s13], $0x10, s23, s5, $0xb8;
	[tilespmem:$0xE800] =	vst v63  }
0x10c: {  	s22 =	sadd.s32 $0x380, s20  }
0x10d: {  	[tilespmem:s15], [sflag:$0x1] =	stream.indirect.gather [spmem:s13], $0x10, s22, s5, $0xb8;
	[tilespmem:$0xE800] =	vst v63  }
0x10e: {  	_ =	swait.ge [sflag:s17], $0x800  }
0x10f: {  	[sflag:s17] =	ssyncset.done $0x0  }
0x110: {  	s23 =	sadd.s32 $0x2800, s20;
	[sflag:s17] =	ssyncadd.s32 $0xFFFFF800  }
0x111: {  	[spmem:s2] =	stream.indirect.scatter.add.f32 [tilespmem:s6], [sflag:$0x2], $0x10, s23, s5, $0xb8;
	[tilespmem:$0xE800] =	vst v63  }
0x112: {  	_ =	swait.ge [sflag:s17], $0x800  }
0x113: {  	[sflag:s17] =	ssyncset.done $0x0  }
0x114: {  	s22 =	sadd.s32 $0x2880, s20;
	[sflag:s17] =	ssyncadd.s32 $0xFFFFF800  }
0x115: {  	[spmem:s2] =	stream.indirect.scatter.add.f32 [tilespmem:s7], [sflag:$0x2], $0x10, s22, s5, $0xb8;
	[tilespmem:$0xE800] =	vst v63  }
0x116: {  	_ =	swait.ge [sflag:s17], $0x800  }
0x117: {  	[sflag:s17] =	ssyncset.done $0x0  }
0x118: {  	s23 =	sadd.s32 $0x2900, s20;
	[sflag:s17] =	ssyncadd.s32 $0xFFFFF800  }
0x119: {  	[spmem:s2] =	stream.indirect.scatter.add.f32 [tilespmem:s8], [sflag:$0x2], $0x10, s23, s5, $0xb8;
	[tilespmem:$0xE800] =	vst v63  }
0x11a: {  	_ =	swait.ge [sflag:s17], $0x800  }
0x11b: {  	[sflag:s17] =	ssyncset.done $0x0  }
0x11c: {  	s22 =	sadd.s32 $0x2980, s20;
	[sflag:s17] =	ssyncadd.s32 $0xFFFFF800  }
0x11d: {  	[spmem:s2] =	stream.indirect.scatter.add.f32 [tilespmem:s9], [sflag:$0x2], $0x10, s22, s5, $0xb8;
	[tilespmem:$0xE800] =	vst v63  }
0x11e: {  	_ =	swait.ge [sflag:s17], $0x800  }
0x11f: {  	[sflag:s17] =	ssyncset.done $0x0  }
0x120: {  	s23 =	sadd.s32 $0x2A00, s20;
	[sflag:s17] =	ssyncadd.s32 $0xFFFFF800  }
0x121: {  	[spmem:s2] =	stream.indirect.scatter.add.f32 [tilespmem:s10], [sflag:$0x2], $0x10, s23, s5, $0xb8;
	[tilespmem:$0xE800] =	vst v63  }
0x122: {  	_ =	swait.ge [sflag:s17], $0x800  }
0x123: {  	[sflag:s17] =	ssyncset.done $0x0  }
0x124: {  	s22 =	sadd.s32 $0x2A80, s20;
	[sflag:s17] =	ssyncadd.s32 $0xFFFFF800  }
0x125: {  	[spmem:s2] =	stream.indirect.scatter.add.f32 [tilespmem:s11], [sflag:$0x2], $0x10, s22, s5, $0xb8;
	[tilespmem:$0xE800] =	vst v63  }
0x126: {  	_ =	swait.ge [sflag:s17], $0x800  }
0x127: {  	[sflag:s17] =	ssyncset.done $0x0  }
0x128: {  	s23 =	sadd.s32 $0x2B00, s20;
	[sflag:s17] =	ssyncadd.s32 $0xFFFFF800  }
0x129: {  	[spmem:s2] =	stream.indirect.scatter.add.f32 [tilespmem:s14], [sflag:$0x2], $0x10, s23, s5, $0xb8;
	[tilespmem:$0xE800] =	vst v63  }
0x12a: {  	_ =	swait.ge [sflag:s17], $0x800  }
0x12b: {  	[sflag:s17] =	ssyncset.done $0x0  }
0x12c: {  	s20 =	sadd.s32 $0x2B80, s20;
	[sflag:s17] =	ssyncadd.s32 $0xFFFFF800  }
0x12d: {  	[spmem:s2] =	stream.indirect.scatter.add.f32 [tilespmem:s15], [sflag:$0x2], $0x10, s20, s5, $0xb8;
	[tilespmem:$0xE800] =	vst v63  }
0x12e: {  	_ =	swait.ge [sflag:s18], $0x800  }
0x12f: {  	[sflag:s18] =	ssyncset.done $0x0  }
0x130: {  	[sflag:s18] =	ssyncadd.s32 $0xFFFFF800  }
0x131: {  	_ =	swait.ge [sflag:s18], $0x800  }
0x132: {  	[sflag:s18] =	ssyncset.done $0x0  }
0x133: {  	[sflag:s18] =	ssyncadd.s32 $0xFFFFF800  }
0x134: {  	_ =	swait.ge [sflag:s18], $0x800  }
0x135: {  	[sflag:s18] =	ssyncset.done $0x0  }
0x136: {  	[sflag:s18] =	ssyncadd.s32 $0xFFFFF800  }
0x137: {  	_ =	swait.ge [sflag:s18], $0x800  }
0x138: {  	[sflag:s18] =	ssyncset.done $0x0  }
0x139: {  	[sflag:s18] =	ssyncadd.s32 $0xFFFFF800  }
0x13a: {  	_ =	swait.ge [sflag:s18], $0x800  }
0x13b: {  	[sflag:s18] =	ssyncset.done $0x0  }
0x13c: {  	[sflag:s18] =	ssyncadd.s32 $0xFFFFF800  }
0x13d: {  	_ =	swait.ge [sflag:s18], $0x800  }
0x13e: {  	[sflag:s18] =	ssyncset.done $0x0  }
0x13f: {  	[sflag:s18] =	ssyncadd.s32 $0xFFFFF800  }
0x140: {  	_ =	swait.ge [sflag:s18], $0x800  }
0x141: {  	[sflag:s18] =	ssyncset.done $0x0  }
0x142: {  	[sflag:s18] =	ssyncadd.s32 $0xFFFFF800  }
0x143: {  	_ =	swait.ge [sflag:s18], $0x800  }
0x144: {  	[sflag:s18] =	ssyncset.done $0x0  }
0x145: {  	[sflag:s18] =	ssyncadd.s32 $0xFFFFF800  }
0x146: {  	[bflag:$0x0] =	sbarrier.arrive $0xFFFF  }
0x147: {  	[tilespmem:s1], [sflag:$0x3] =	stream.linear.gather [spmem:s16], $0x800, $0x38;
	[tilespmem:$0xE800] =	vst v63  }
0x148: {  	_ =	swait.ge [sflag:s4], $0x800  }
0x149: {  	[sflag:s4] =	ssyncset.done $0x0  }
0x14a: {  	s21 =	rddreg [dreg:$0xa];
	[sflag:s4] =	ssyncadd.s32 $0xFFFFF800  }
0x14b: {  	[hbm4b:s21+s3] =	stream.linear.scatter [tilespmem:s1], [sflag:$0x3], $0x800, $0x38;
	[tilespmem:$0xE800] =	vst v63  }
0x14c: {  	_ =	swait.ge [sflag:s4], $0x800  }
0x14d: {  	[sflag:s4] =	ssyncset.done $0x0  }
0x14e: {  	[sflag:s4] =	ssyncadd.s32 $0xFFFFF800  }
0x14f: {  	[tilespmem:s1], [sflag:$0x3] =	stream.linear.gather [spmem:s25], $0x800, $0x38;
	[tilespmem:$0xE800] =	vst v63  }
0x150: {  	_ =	swait.ge [sflag:s4], $0x800  }
0x151: {  	[sflag:s4] =	ssyncset.done $0x0  }
0x152: {  	s22 =	rddreg [dreg:$0xb];
	[sflag:s4] =	ssyncadd.s32 $0xFFFFF800  }
0x153: {  	[hbm4b:s22+s3] =	stream.linear.scatter [tilespmem:s1], [sflag:$0x3], $0x800, $0x38;
	[tilespmem:$0xE800] =	vst v63  }
0x154: {  	_ =	swait.ge [sflag:s4], $0x800  }
0x155: {  	[sflag:s4] =	ssyncset.done $0x0  }
0x156: {  	[sflag:s4] =	ssyncadd.s32 $0xFFFFF800  }
0x157: {  	[tilespmem:s1], [sflag:$0x3] =	stream.linear.gather [spmem:s26], $0x800, $0x38;
	[tilespmem:$0xE800] =	vst v63  }
0x158: {  	_ =	swait.ge [sflag:s4], $0x800  }
0x159: {  	[sflag:s4] =	ssyncset.done $0x0  }
0x15a: {  	s23 =	rddreg [dreg:$0xc];
	[sflag:s4] =	ssyncadd.s32 $0xFFFFF800  }
0x15b: {  	[hbm4b:s23+s3] =	stream.linear.scatter [tilespmem:s1], [sflag:$0x3], $0x800, $0x38;
	[tilespmem:$0xE800] =	vst v63  }
0x15c: {  	_ =	swait.ge [sflag:s4], $0x800  }
0x15d: {  	[sflag:s4] =	ssyncset.done $0x0  }
0x15e: {  	[sflag:s4] =	ssyncadd.s32 $0xFFFFF800  }
0x15f: {  	[tilespmem:s1], [sflag:$0x3] =	stream.linear.gather [spmem:s28], $0x800, $0x38;
	[tilespmem:$0xE800] =	vst v63  }
0x160: {  	_ =	swait.ge [sflag:s4], $0x800  }
0x161: {  	[sflag:s4] =	ssyncset.done $0x0  }
0x162: {  	s21 =	rddreg [dreg:$0xd];
	[sflag:s4] =	ssyncadd.s32 $0xFFFFF800  }
0x163: {  	[hbm4b:s21+s3] =	stream.linear.scatter [tilespmem:s1], [sflag:$0x3], $0x800, $0x38;
	[tilespmem:$0xE800] =	vst v63  }
0x164: {  	_ =	swait.ge [sflag:s4], $0x800  }
0x165: {  	[sflag:s4] =	ssyncset.done $0x0  }
0x166: {  	[sflag:s4] =	ssyncadd.s32 $0xFFFFF800  }
0x167: {  	[tilespmem:s1], [sflag:$0x3] =	stream.linear.gather [spmem:s29], $0x800, $0x38;
	[tilespmem:$0xE800] =	vst v63  }
0x168: {  	_ =	swait.ge [sflag:s4], $0x800  }
0x169: {  	[sflag:s4] =	ssyncset.done $0x0  }
0x16a: {  	s22 =	rddreg [dreg:$0xe];
	[sflag:s4] =	ssyncadd.s32 $0xFFFFF800  }
0x16b: {  	[hbm4b:s22+s3] =	stream.linear.scatter [tilespmem:s1], [sflag:$0x3], $0x800, $0x38;
	[tilespmem:$0xE800] =	vst v63  }
0x16c: {  	_ =	swait.ge [sflag:s4], $0x800  }
0x16d: {  	s19 =	sadd.s32 $0x1, s19;
	s23 =	rddreg [dreg:$0x11]  }
0x16e: {  	p0 =	sne.s32 s19, s23  }
.Ltmp1:
0x16f: {  	_ = 	snop;
	(pc) =	sbr.rel @p0 .LBB2_1-.Ltmp1, $3  }
0x170: {  	_ =	sdelay $0x1  }
0x171: {  	[sflag:s4] =	ssyncset.done $0x0  }
0x172: {  	[sflag:s4] =	ssyncadd.s32 $0xFFFFF800  }
0x173: {  	_ =	sfence.sel $0x180000  }
0x174: {  	[bflag:$0x0] =	sbarrier.arrive $0xFFFF  }
0x175: {  	_ =	strace $0x9000004A  }
0x176: {  	s0 =	stileid.u32;
	[bflag:$0x2] =	sbarrier.arrive $0xFFFF  }
0x177: {  	p0 =	sne.s32 s0, $0x0;
	s0 =	rddreg [dreg:$0x4]  }
0x178: {  	s0 =	sadd.s32 @!p0 $0x100000, s0  }
0x179: {  	[sflag:s0] =	ssyncadd.tile.s32 @!p0 $0x1;
	_ =	shalt  }
.Lfunc_end2:
_tile_overlayer_lowered:
.L_overlay_start_2:
0x17a: {  	(tag) =	ssettag $0x2  }
0x17b: {  	s0 =	rddreg [dreg:$0x0];
	s2 =	stileid.u32  }
0x17c: {  	s1 =	rddreg [dreg:$0x1];
	p0 =	sne.s32 s2, $0x0  }
0x17d: {  	s3 =	rddreg [dreg:$0x2];
	[bflag:$0x3] =	sbarrier.arrive $0xFFFF;
	s2 =	simm.s32 @!p0 $0x1C03  }
0x17e: {  	[timem:s3], [sflag:s2] =	dma.local @!p0 [hbm:s0], s1  }
0x17f: {  	s0 =	simm.s32 @!p0 $0x3  }
0x180: {  	_ =	swait.ge @!p0 [sflag:s0], s1  }
0x181: {  	s1 =	ssub.s32 @!p0 $0x0, s1;
	[sflag:s0] =	ssyncset.done @!p0 $0x0  }
0x182: {  	[sflag:s0] =	ssyncadd.s32 @!p0 s1  }
0x183: {  	[bflag:$0x3] =	sbarrier.arrive $0xFFFF  }
0x184: {  	_ =	shalt  }

// kernel: kernel.14.cloned.1.call-start
scs
__scs_entry_jumppad:
0x0: {  	(pc) =	sbr.rel $0x88, $3  }
0x1: {  	(tag) =	ssettag $0x0;
	lr =	simm.s32 $0x1  }
0x2: {  	[smem:$0x3F9B] =	sst lr;
	_ =	strace $0xD0000000  }
0x3: {  	_ = 	snop  }
0x4: {  	_ = 	snop  }
0x5: {  	_ = 	snop  }
0x6: {  	_ = 	snop  }
0x7: {  	_ = 	snop  }
__scs_overlays_trampoline_lowered:
0x8: {  	[smem:$0x3FAA] =	sst s0  }
0x9: {  	[smem:$0x3FAB] =	sst s1  }
0xa: {  	[smem:$0x3FAC] =	sst s2  }
0xb: {  	[smem:$0x3FAD] =	sst s3  }
0xc: {  	[smem:$0x3FAE] =	sst s4  }
0xd: {  	[smem:$0x3FAF] =	sst s5  }
0xe: {  	[smem:$0x3FB0] =	sst s6  }
0xf: {  	[smem:$0x3FB1] =	sst s7  }
0x10: {  	[smem:$0x3FB2] =	sst s8  }
0x11: {  	[smem:$0x3FB3] =	sst s9;
	s0 =	simm.s32 @!p0 $0x0  }
0x12: {  	s1 =	sld [smem:$0x3F99];
	s0 =	simm.s32 @p0 $0x1  }
0x13: {  	[smem:$0x3FB4] =	sst s0;
	s0 =	simm.s32 @!p1 $0x0  }
0x14: {  	s2 =	sld [smem:$0x3F98];
	s0 =	simm.s32 @p1 $0x1  }
0x15: {  	[smem:$0x3FB5] =	sst s0;
	s0 =	simm.s32 @!p2 $0x0  }
0x16: {  	s3 =	sld [smem:$0x3FDB];
	s0 =	simm.s32 @p2 $0x1  }
0x17: {  	s4 =	simm.s32 $0x1BF5;
	[smem:$0x3FB7] =	sst s0  }
0x18: {  	s0 =	sld [smem:$0x3F9A];
	_ =	swait.ge [sflag:s4], $0x0  }
0x19: {  	s7 =	sld [smem:$0x3F9B]  }
0x1a: {  	s8 =	sadd.s32 $0xFFFFE003, lr  }
0x1b: {  	s9 =	sadd.s32 $0xFFFFFEF7, lr;
	s5 =	simm.s32 $0xFFFFFFFF;
	p2 =	slt.u32 s8, $0xFFFFF086  }
0x1c: {  	p1 =	slt.u32 s9, $0xF7A;
	s5 =	simm.s32 @!p2 $0x0  }
0x1d: {  	s5 =	simm.s32 @p1 $0x1;
	p0 =	seq.s32 s7, s2  }
0x1e: {  	s7 =	smul.u32 @!p0 $0xF7A, s2;
	p2 =	seq.s32 @!p0 s5, $0x0  }
0x1f: {  	s9 =	smul.u32 $0xF7A, s1;
	s8 =	simm.s32 @!p0 $0x1BF5;
	p2 =	por !p2, p0  }
0x20: {  	[sflag:s8] =	ssyncset.s32 @!p0 $0xFFFFF086;
	s6 =	sadd.s32 @!p0 s3, s7;
	s7 =	simm.s32 @!p0 $0x108  }
0x21: {  	s3 =	sadd.s32 s3, s9;
	s6 =	sadd.s32 @!p0 $0x88, s6;
	s7 =	simm.s32 @p2 $0x1082  }
0x22: {  	[simem:s7], [sflag:s8] =	dma.local @!p0 [hbm:s6], $0xF7A  }
0x23: {  	s9 =	sor.u32 $0xD0000000, s2;
	s6 =	simm.s32 $0x108;
	_ =	swait.ge @!p0 [sflag:s8], $0x0  }
0x24: {  	s3 =	sadd.s32 $0x88, s3;
	s6 =	simm.s32 @!p1 $0x1082;
	[sflag:s4] =	ssyncset.s32 $0xFFFFF086  }
0x25: {  	[simem:s6], [sflag:s4] =	dma.local [hbm:s3], $0xF7A  }
0x26: {  	[smem:$0x3F9B] =	sst s1;
	(tag) =	ssettag s2;
	_ =	strace s9  }
0x27: {  	s1 =	sld [smem:$0x3FAB]  }
0x28: {  	s2 =	sld [smem:$0x3FAC]  }
0x29: {  	s4 =	sld [smem:$0x3FAE]  }
0x2a: {  	p0 =	seq.s32 s5, $0x0;
	s5 =	sld [smem:$0x3FAF]  }
0x2b: {  	s6 =	sld [smem:$0x3FB0]  }
0x2c: {  	s7 =	sld [smem:$0x3FB1]  }
0x2d: {  	s3 =	simm.s32 $0x108;
	s8 =	sld [smem:$0x3FB2]  }
0x2e: {  	s3 =	simm.s32 @!p0 $0x1082;
	s9 =	sld [smem:$0x3FB3]  }
0x2f: {  	lr =	sadd.s32 s0, s3;
	s0 =	sld [smem:$0x3FAA]  }
0x30: {  	s3 =	sld [smem:$0x3FAD]  }
0x31: {  	[smem:$0x3FB6] =	sst s10  }
0x32: {  	s10 =	sld [smem:$0x3FB4];
	_ =	sdelay $0x3  }
0x33: {  	p0 =	seq.s32 s10, $0x1;
	s10 =	sld [smem:$0x3FB6];
	_ =	sdelay $0x3  }
0x34: {  	[smem:$0x3FB6] =	sst s10  }
0x35: {  	s10 =	sld [smem:$0x3FB5];
	_ =	sdelay $0x3  }
0x36: {  	p1 =	seq.s32 s10, $0x1;
	s10 =	sld [smem:$0x3FB6];
	_ =	sdelay $0x3  }
0x37: {  	[smem:$0x3FB6] =	sst s10  }
0x38: {  	s10 =	sld [smem:$0x3FB7]  }
0x39: {  	_ = 	snop;
	(pc) =	sbr.ind lr, $3  }
0x3a: {  	_ = 	snop  }
0x3b: {  	_ = 	snop  }
0x3c: {  	p2 =	seq.s32 s10, $0x1;
	s10 =	sld [smem:$0x3FB6]  }
0x3d: {  	_ =	shalt  }
0x3e: {  	_ =	shalt  }
0x3f: {  	_ =	shalt  }
0x40: {  	_ =	shalt  }
0x41: {  	_ =	shalt  }
0x42: {  	_ =	shalt  }
0x43: {  	_ =	shalt  }
0x44: {  	_ =	shalt  }
0x45: {  	_ =	shalt  }
0x46: {  	_ =	shalt  }
0x47: {  	_ =	shalt  }
0x48: {  	_ =	shalt  }
0x49: {  	_ =	shalt  }
0x4a: {  	_ =	shalt  }
0x4b: {  	_ =	shalt  }
0x4c: {  	_ =	shalt  }
0x4d: {  	_ =	shalt  }
0x4e: {  	_ =	shalt  }
0x4f: {  	_ =	shalt  }
0x50: {  	_ =	shalt  }
0x51: {  	_ =	shalt  }
0x52: {  	_ =	shalt  }
0x53: {  	_ =	shalt  }
0x54: {  	_ =	shalt  }
0x55: {  	_ =	shalt  }
0x56: {  	_ =	shalt  }
0x57: {  	_ =	shalt  }
0x58: {  	_ =	shalt  }
0x59: {  	_ =	shalt  }
0x5a: {  	_ =	shalt  }
0x5b: {  	_ =	shalt  }
0x5c: {  	_ =	shalt  }
0x5d: {  	_ =	shalt  }
0x5e: {  	_ =	shalt  }
0x5f: {  	_ =	shalt  }
0x60: {  	_ =	shalt  }
0x61: {  	_ =	shalt  }
0x62: {  	_ =	shalt  }
0x63: {  	_ =	shalt  }
0x64: {  	_ =	shalt  }
0x65: {  	_ =	shalt  }
0x66: {  	_ =	shalt  }
0x67: {  	_ =	shalt  }
0x68: {  	_ =	shalt  }
0x69: {  	_ =	shalt  }
0x6a: {  	_ =	shalt  }
0x6b: {  	_ =	shalt  }
0x6c: {  	_ =	shalt  }
0x6d: {  	_ =	shalt  }
0x6e: {  	_ =	shalt  }
0x6f: {  	_ =	shalt  }
0x70: {  	_ =	shalt  }
0x71: {  	_ =	shalt  }
0x72: {  	_ =	shalt  }
0x73: {  	_ =	shalt  }
0x74: {  	_ =	shalt  }
0x75: {  	_ =	shalt  }
0x76: {  	_ =	shalt  }
0x77: {  	_ =	shalt  }
0x78: {  	_ =	shalt  }
0x79: {  	_ =	shalt  }
0x7a: {  	_ =	shalt  }
0x7b: {  	_ =	shalt  }
0x7c: {  	_ =	shalt  }
0x7d: {  	_ =	shalt  }
0x7e: {  	_ =	shalt  }
0x7f: {  	_ =	shalt  }
0x80: {  	_ =	shalt  }
0x81: {  	_ =	shalt  }
0x82: {  	_ =	shalt  }
0x83: {  	_ =	shalt  }
0x84: {  	_ =	shalt  }
0x85: {  	_ =	shalt  }
0x86: {  	_ =	shalt  }
0x87: {  	_ =	shalt  }
.Lfunc_end0:
.L_simem_size_0:
called_computation.2_lowered:
.L_overlay_start_0:
0x88: {  	s2 =	sld [smem:$0x3FD9]  }
0x89: {  	s3 =	sld [smem:$0x3FFE];
	_ =	sdelay $0x1  }
0x8a: {  	s1 =	srdreg.scid  }
0x8b: {  	s0 =	sand.u32 $0x1, s1  }
0x8c: {  	s16 =	sshll.u32 s0, $0xA;
	s2 =	sadd.s32 s3, s2  }
0x8d: {  	s2 =	sadd.s32 s2, s16  }
0x8e: {  	[smem:$0x3FC2] =	sst s2  }
0x8f: {  	_ = 	snop  }
0x90: {  	(tm) =	ssettm $0x1  }
0x91: {  	s17 =	sld [smem:$0x3FFB];
	_ =	sdelay $0x3  }
0x92: {  	_ =	strace s17  }
0x93: {  	s2 =	sld [smem:$0x3FFC];
	_ =	sdelay $0x3  }
0x94: {  	_ =	strace s2  }
0x95: {  	s2 =	sld [smem:$0x3FFD];
	_ =	sdelay $0x3  }
0x96: {  	_ =	strace s2  }
0x97: {  	_ =	strace $0x8FFFFFFF  }
0x98: {  	s18 =	sld [smem:$0x3FDB];
	_ =	sdelay $0x1  }
0x99: {  	s19 =	simm.s32 $_scs_section_size  }
0x9a: {  	s4 =	simm.s32 $_size__tile_overlayer_lowered;
	s5 =	simm.s32 $_tile_overlayer_lowered  }
0x9b: {  	s22 =	simm.s32 $0x1BFF;
	s21 =	sshll.u32 s5, $0x1;
	s2 =	sadd.s32 s19, s18  }
0x9c: {  	s6 =	simm.s32 $0x0;
	s20 =	sshll.u32 s4, $0x1;
	s4 =	sadd.s32 s21, s2  }
0x9d: {  	[timem:s6], [sflag:s22] =	dma.local [hbm:s4], s20  }
0x9e: {  	_ =	swait.ge [sflag:s22], s20  }
0x9f: {  	s3 =	ssub.s32 $0x0, s20;
	[sflag:s22] =	ssyncset.done $0x0  }
0xa0: {  	[sflag:s22] =	ssyncadd.s32 s3;
	_ =	sdelay $0x1  }
0xa1: {  	s23 =	simm.s32 $0x1B8B  }
0xa2: {  	_ =	swait.ge [sflag:s23], $0x1  }
0xa3: {  	[sflag:s23] =	ssyncset.done $0x0  }
0xa4: {  	s25 =	simm.s32 $0x1B8E;
	s24 =	sld [smem:$0x3FFE];
	[sflag:s23] =	ssyncadd.s32 $0xFFFFFFFF  }
0xa5: {  	s26 =	simm.s32 $execute0_lowered;
	[smem:$0x3FD2] =	sst s25  }
0xa6: {  	s4 =	sshll.u32 s26, $0x1;
	_ =	strace $0x8000004C;
	[dreg:$0x1] =	wrdreg $0xFFFFFFFF  }
0xa7: {  	s28 =	simm.s32 $_size_execute0_lowered;
	s2 =	sadd.s32 s2, s4;
	[dreg:$0x0] =	wrdreg $0x0  }
0xa8: {  	s4 =	sshll.u32 s28, $0x1;
	[dreg:$0x2] =	wrdreg s2  }
0xa9: {  	[dreg:$0x3] =	wrdreg s4  }
0xaa: {  	[dreg:$0x4] =	wrdreg $0xC0  }
0xab: {  	_ =	task [dreg:s6], $0x5FFFF  }
0xac: {  	[dreg:$0x1] =	wrdreg $0xFFFFFFFF  }
0xad: {  	[dreg:$0x0] =	wrdreg $0x60  }
0xae: {  	[dreg:$0x2] =	wrdreg s24  }
0xaf: {  	[dreg:$0x3] =	wrdreg $0x59000  }
0xb0: {  	[dreg:$0x4] =	wrdreg $0x56800  }
0xb1: {  	[dreg:$0x5] =	wrdreg $0x9  }
0xb2: {  	_ =	task.clear_ibuf [dreg:s6], $0x6FFFF;
	_ =	strace $0x9000004C  }
0xb3: {  	s29 =	simm.s32 $0x9;
	_ =	strace $0x8000004E  }
0xb4: {  	_ =	swait.ge [sflag:s29], $0x1  }
0xb5: {  	[sflag:s29] =	ssyncadd.s32 $0xFFFFFFFF  }
0xb6: {  	_ =	strace $0x9000004E  }
0xb7: {  	_ =	sfence  }
0xb8: {  	s30 =	sld [smem:$0x0];
	_ =	sdelay $0x2  }
0xb9: {  	s31 =	sshll.u32 s1, $0xD;
	s1 =	sshrl.u32 s1, $0x2  }
0xba: {  	s3 =	sand.u32 $0x4000, s31;
	s1 =	sadd.s32 s1, s30  }
0xbb: {  	s0 =	sor.u32 s3, s0;
	s1 =	sshll.u32 s1, $0x11  }
0xbc: {  	s0 =	sor.u32 s1, s0  }
0xbd: {  	s0 =	sadd.s32 $0x8F2B, s0  }
0xbe: {  	[sflag:s0] =	ssyncadd.remote.s32 $0x1  }
0xbf: {  	_ =	sfence.sel $0xFFFF  }
0xc0: {  	[dreg:$0x0] =	wrdreg $0xFFFFFFFF;
	(pc) =	sbr.abs _section_cstart, $3  }
0xc1: {  	[dreg:$0x1] =	wrdreg $0xFFFFFFFF  }
0xc2: {  	_ =	task.clear_ibuf [dreg:s6], $0x2FFFF;
	_ =	strace $0x9FFFFFFF  }
0xc3: {  	(tm) =	ssettm $0x7FFFFFFF  }
tec
execute0_lowered:
.L_overlay_start_1:
0x0: {  	(tag) =	ssettag $0x1  }
0x1: {  	s1 =	rddreg [dreg:$0x0]  }
0x2: {  	s2 =	rddreg [dreg:$0x1]  }
0x3: {  	s0 =	srdreg.scid;
	s3 =	rddreg [dreg:$0x2]  }
0x4: {  	s13 =	simm.s32 $0x5400;
	s14 =	simm.s32 $0x3;
	s15 =	simm.s32 $0x2800  }
0x5: {  	s16 =	simm.s32 $0x80;
	s17 =	simm.s32 $0x5000;
	s18 =	simm.s32 $0x5080  }
0x6: {  	s19 =	simm.s32 $0x5100;
	s20 =	simm.s32 $0x5180;
	s21 =	simm.s32 $0x5200  }
0x7: {  	s22 =	simm.s32 $0x5280;
	s23 =	simm.s32 $0x5300;
	s24 =	simm.s32 $0x5380  }
0x8: {  	s25 =	simm.s32 $0x1;
	s5 =	sand.u32 $0x1, s0;
	s0 =	stileid.u32  }
0x9: {  	s26 =	simm.s32 $0x2;
	s28 =	simm.s32 $0x0;
	s8 =	smul.u32 $0x280, s0  }
0xa: {  	s4 =	sshll.u32 s5, $0x4;
	s9 =	smul.u32 $0x2800, s5;
	s31 =	ssub.s32 $0x2, s5  }
0xb: {  	s5 =	sadd.s32 $0x15000, s1;
	s6 =	sor.u32 s0, s4;
	s4 =	simm.s32 $0x0  }
0xc: {  	s11 =	sshrl.u32 s31, $0x1;
	s6 =	smul.u32 $0x500, s6;
	[smem:$0x7FF] =	sst s4  }
0xd: {  	s7 =	sshrl.u32 s8, $0x3;
	s30 =	sadd.s32 s8, s9;
	s12 =	ssub.s32 s31, s11  }
0xe: {  	_ =	strace $0x8000004D;
	s7 =	sadd.s32 s7, s1;
	s12 =	smax.u32 s12, $0x1  }
0xf: {  	s10 =	sadd.s32 s6, s1;
	s6 =	sshrl.u32 s30, $0x3;
	s7 =	sadd.s32 $0x15200, s7  }
0x10: {  	s1 =	sadd.s32 s6, s1;
	s6 =	sadd.s32 s8, s2;
	s8 =	sadd.s32 s8, s3  }
0x11: {  	s9 =	sadd.s32 $0x1000, s10;
	s10 =	sadd.s32 $0xB000, s10;
	s11 =	sadd.s32 $0x15800, s1  }
.LBB2_1:
0x12: {  	[tilespmem:s13], [sflag:$0x3] =	stream.linear.gather [hbm4b:s5+s4], $0x280, $0x38;
	[tilespmem:$0x5B80] =	vst v63  }
0x13: {  	_ =	swait.ge [sflag:s14], $0x280  }
0x14: {  	[sflag:s14] =	ssyncset.done $0x0  }
0x15: {  	[sflag:s14] =	ssyncadd.s32 $0xFFFFFD80  }
0x16: {  	[spmem:s6] =	stream.linear.scatter [tilespmem:s13], [sflag:$0x3], $0x280, $0x38;
	[tilespmem:$0x5B80] =	vst v63  }
0x17: {  	_ =	swait.ge [sflag:s14], $0x280  }
0x18: {  	[sflag:s14] =	ssyncset.done $0x0  }
0x19: {  	[sflag:s14] =	ssyncadd.s32 $0xFFFFFD80  }
0x1a: {  	[tilespmem:s13], [sflag:$0x3] =	stream.linear.gather [hbm4b:s7+s4], $0x280, $0x38;
	[tilespmem:$0x5B80] =	vst v63  }
0x1b: {  	_ =	swait.ge [sflag:s14], $0x280  }
0x1c: {  	[sflag:s14] =	ssyncset.done $0x0  }
0x1d: {  	[sflag:s14] =	ssyncadd.s32 $0xFFFFFD80  }
0x1e: {  	[spmem:s8] =	stream.linear.scatter [tilespmem:s13], [sflag:$0x3], $0x280, $0x38;
	[tilespmem:$0x5B80] =	vst v63  }
0x1f: {  	_ =	swait.ge [sflag:s14], $0x280  }
0x20: {  	[sflag:s14] =	ssyncset.done $0x0  }
0x21: {  	[sflag:s14] =	ssyncadd.s32 $0xFFFFFD80  }
0x22: {  	[tilespmem:s4], [sflag:$0x3] =	stream.linear.gather [hbm4b:s9+s4], $0x2800, $0x38;
	[tilespmem:$0x5B80] =	vst v63  }
0x23: {  	_ =	swait.ge [sflag:s14], $0x2800  }
0x24: {  	[sflag:s14] =	ssyncset.done $0x0  }
0x25: {  	[sflag:s14] =	ssyncadd.s32 $0xFFFFD800  }
0x26: {  	[tilespmem:s15], [sflag:$0x3] =	stream.linear.gather [hbm4b:s10+s4], $0x2800, $0x38;
	[tilespmem:$0x5B80] =	vst v63  }
0x27: {  	_ =	swait.ge [sflag:s14], $0x2800  }
0x28: {  	[sflag:s14] =	ssyncset.done $0x0  }
0x29: {  	[sflag:s14] =	ssyncadd.s32 $0xFFFFD800  }
0x2a: {  	s1 =	simm.s32 $0x0;
	[bflag:$0x0] =	sbarrier.arrive $0xFFFF  }
0x2b: {  	[tilespmem:s17], [sflag:$0x1] =	stream.indirect.gather [spmem:s3], $0x1, s1, s16, $0xb8;
	[tilespmem:$0x5B80] =	vst v63  }
0x2c: {  	s31 =	simm.s32 $0x80  }
0x2d: {  	[tilespmem:s18], [sflag:$0x1] =	stream.indirect.gather [spmem:s3], $0x1, s31, s16, $0xb8;
	[tilespmem:$0x5B80] =	vst v63  }
0x2e: {  	s31 =	simm.s32 $0x100  }
0x2f: {  	[tilespmem:s19], [sflag:$0x1] =	stream.indirect.gather [spmem:s3], $0x1, s31, s16, $0xb8;
	[tilespmem:$0x5B80] =	vst v63  }
0x30: {  	s31 =	simm.s32 $0x180  }
0x31: {  	[tilespmem:s20], [sflag:$0x1] =	stream.indirect.gather [spmem:s3], $0x1, s31, s16, $0xb8;
	[tilespmem:$0x5B80] =	vst v63  }
0x32: {  	s31 =	simm.s32 $0x200  }
0x33: {  	[tilespmem:s21], [sflag:$0x1] =	stream.indirect.gather [spmem:s3], $0x1, s31, s16, $0xb8;
	[tilespmem:$0x5B80] =	vst v63  }
0x34: {  	s31 =	simm.s32 $0x280  }
0x35: {  	[tilespmem:s22], [sflag:$0x1] =	stream.indirect.gather [spmem:s3], $0x1, s31, s16, $0xb8;
	[tilespmem:$0x5B80] =	vst v63  }
0x36: {  	s31 =	simm.s32 $0x300  }
0x37: {  	[tilespmem:s23], [sflag:$0x1] =	stream.indirect.gather [spmem:s3], $0x1, s31, s16, $0xb8;
	[tilespmem:$0x5B80] =	vst v63  }
0x38: {  	s31 =	simm.s32 $0x380  }
0x39: {  	[tilespmem:s24], [sflag:$0x1] =	stream.indirect.gather [spmem:s3], $0x1, s31, s16, $0xb8;
	[tilespmem:$0x5B80] =	vst v63  }
0x3a: {  	_ =	swait.ge [sflag:s25], $0x80  }
0x3b: {  	[sflag:s25] =	ssyncset.done $0x0  }
0x3c: {  	s31 =	simm.s32 $0x2800;
	[sflag:s25] =	ssyncadd.s32 $0xFFFFFF80  }
0x3d: {  	[spmem:s2] =	stream.indirect.scatter.add.f32 [tilespmem:s17], [sflag:$0x2], $0x1, s31, s16, $0xb8;
	[tilespmem:$0x5B80] =	vst v63  }
0x3e: {  	_ =	swait.ge [sflag:s25], $0x80  }
0x3f: {  	[sflag:s25] =	ssyncset.done $0x0  }
0x40: {  	s31 =	simm.s32 $0x2880;
	[sflag:s25] =	ssyncadd.s32 $0xFFFFFF80  }
0x41: {  	[spmem:s2] =	stream.indirect.scatter.add.f32 [tilespmem:s18], [sflag:$0x2], $0x1, s31, s16, $0xb8;
	[tilespmem:$0x5B80] =	vst v63  }
0x42: {  	_ =	swait.ge [sflag:s25], $0x80  }
0x43: {  	[sflag:s25] =	ssyncset.done $0x0  }
0x44: {  	s31 =	simm.s32 $0x2900;
	[sflag:s25] =	ssyncadd.s32 $0xFFFFFF80  }
0x45: {  	[spmem:s2] =	stream.indirect.scatter.add.f32 [tilespmem:s19], [sflag:$0x2], $0x1, s31, s16, $0xb8;
	[tilespmem:$0x5B80] =	vst v63  }
0x46: {  	_ =	swait.ge [sflag:s25], $0x80  }
0x47: {  	[sflag:s25] =	ssyncset.done $0x0  }
0x48: {  	s31 =	simm.s32 $0x2980;
	[sflag:s25] =	ssyncadd.s32 $0xFFFFFF80  }
0x49: {  	[spmem:s2] =	stream.indirect.scatter.add.f32 [tilespmem:s20], [sflag:$0x2], $0x1, s31, s16, $0xb8;
	[tilespmem:$0x5B80] =	vst v63  }
0x4a: {  	_ =	swait.ge [sflag:s25], $0x80  }
0x4b: {  	[sflag:s25] =	ssyncset.done $0x0  }
0x4c: {  	s31 =	simm.s32 $0x2A00;
	[sflag:s25] =	ssyncadd.s32 $0xFFFFFF80  }
0x4d: {  	[spmem:s2] =	stream.indirect.scatter.add.f32 [tilespmem:s21], [sflag:$0x2], $0x1, s31, s16, $0xb8;
	[tilespmem:$0x5B80] =	vst v63  }
0x4e: {  	_ =	swait.ge [sflag:s25], $0x80  }
0x4f: {  	[sflag:s25] =	ssyncset.done $0x0  }
0x50: {  	s31 =	simm.s32 $0x2A80;
	[sflag:s25] =	ssyncadd.s32 $0xFFFFFF80  }
0x51: {  	[spmem:s2] =	stream.indirect.scatter.add.f32 [tilespmem:s22], [sflag:$0x2], $0x1, s31, s16, $0xb8;
	[tilespmem:$0x5B80] =	vst v63  }
0x52: {  	_ =	swait.ge [sflag:s25], $0x80  }
0x53: {  	[sflag:s25] =	ssyncset.done $0x0  }
0x54: {  	s31 =	simm.s32 $0x2B00;
	[sflag:s25] =	ssyncadd.s32 $0xFFFFFF80  }
0x55: {  	[spmem:s2] =	stream.indirect.scatter.add.f32 [tilespmem:s23], [sflag:$0x2], $0x1, s31, s16, $0xb8;
	[tilespmem:$0x5B80] =	vst v63  }
0x56: {  	_ =	swait.ge [sflag:s25], $0x80  }
0x57: {  	[sflag:s25] =	ssyncset.done $0x0  }
0x58: {  	s31 =	simm.s32 $0x2B80;
	[sflag:s25] =	ssyncadd.s32 $0xFFFFFF80  }
0x59: {  	[spmem:s2] =	stream.indirect.scatter.add.f32 [tilespmem:s24], [sflag:$0x2], $0x1, s31, s16, $0xb8;
	[tilespmem:$0x5B80] =	vst v63  }
0x5a: {  	_ =	swait.ge [sflag:s26], $0x80  }
0x5b: {  	[sflag:s26] =	ssyncset.done $0x0  }
0x5c: {  	[sflag:s26] =	ssyncadd.s32 $0xFFFFFF80  }
0x5d: {  	_ =	swait.ge [sflag:s26], $0x80  }
0x5e: {  	[sflag:s26] =	ssyncset.done $0x0  }
0x5f: {  	[sflag:s26] =	ssyncadd.s32 $0xFFFFFF80  }
0x60: {  	_ =	swait.ge [sflag:s26], $0x80  }
0x61: {  	[sflag:s26] =	ssyncset.done $0x0  }
0x62: {  	[sflag:s26] =	ssyncadd.s32 $0xFFFFFF80  }
0x63: {  	_ =	swait.ge [sflag:s26], $0x80  }
0x64: {  	[sflag:s26] =	ssyncset.done $0x0  }
0x65: {  	[sflag:s26] =	ssyncadd.s32 $0xFFFFFF80  }
0x66: {  	_ =	swait.ge [sflag:s26], $0x80  }
0x67: {  	[sflag:s26] =	ssyncset.done $0x0  }
0x68: {  	[sflag:s26] =	ssyncadd.s32 $0xFFFFFF80  }
0x69: {  	_ =	swait.ge [sflag:s26], $0x80  }
0x6a: {  	[sflag:s26] =	ssyncset.done $0x0  }
0x6b: {  	[sflag:s26] =	ssyncadd.s32 $0xFFFFFF80  }
0x6c: {  	_ =	swait.ge [sflag:s26], $0x80  }
0x6d: {  	[sflag:s26] =	ssyncset.done $0x0  }
0x6e: {  	[sflag:s26] =	ssyncadd.s32 $0xFFFFFF80  }
0x6f: {  	_ =	swait.ge [sflag:s26], $0x80  }
0x70: {  	s29 =	simm.s32 $0x1000;
	s30 =	simm.s32 $0x2000;
	[sflag:s26] =	ssyncset.done $0x0  }
.LBB2_2:
0x71: {  	s31 =	sshra.s32 s29, $0x2  }
0x72: {  	[sflag:s26] =	ssyncadd.s32 $0xFFFFFF80;
	s29 =	smov.u32 s30;
	s1 =	sadd.s32 $0x1000, s30  }
0x73: {  	[tilespmem:s17], [sflag:$0x1] =	stream.indirect.gather [spmem:s3], $0x1, s31, s16, $0xb8;
	[tilespmem:$0x5B80] =	vst v63  }
0x74: {  	p0 =	sne.s32 s30, $0x9000;
	s30 =	sadd.s32 $0x80, s31  }
0x75: {  	[tilespmem:s18], [sflag:$0x1] =	stream.indirect.gather [spmem:s3], $0x1, s30, s16, $0xb8;
	[tilespmem:$0x5B80] =	vst v63  }
0x76: {  	s30 =	sadd.s32 $0x100, s31  }
0x77: {  	[tilespmem:s19], [sflag:$0x1] =	stream.indirect.gather [spmem:s3], $0x1, s30, s16, $0xb8;
	[tilespmem:$0x5B80] =	vst v63  }
0x78: {  	s30 =	sadd.s32 $0x180, s31  }
0x79: {  	[tilespmem:s20], [sflag:$0x1] =	stream.indirect.gather [spmem:s3], $0x1, s30, s16, $0xb8;
	[tilespmem:$0x5B80] =	vst v63  }
0x7a: {  	s30 =	sadd.s32 $0x200, s31  }
0x7b: {  	[tilespmem:s21], [sflag:$0x1] =	stream.indirect.gather [spmem:s3], $0x1, s30, s16, $0xb8;
	[tilespmem:$0x5B80] =	vst v63  }
0x7c: {  	s30 =	sadd.s32 $0x280, s31  }
0x7d: {  	[tilespmem:s22], [sflag:$0x1] =	stream.indirect.gather [spmem:s3], $0x1, s30, s16, $0xb8;
	[tilespmem:$0x5B80] =	vst v63  }
0x7e: {  	s30 =	sadd.s32 $0x300, s31  }
0x7f: {  	[tilespmem:s23], [sflag:$0x1] =	stream.indirect.gather [spmem:s3], $0x1, s30, s16, $0xb8;
	[tilespmem:$0x5B80] =	vst v63  }
0x80: {  	s30 =	sadd.s32 $0x380, s31  }
0x81: {  	[tilespmem:s24], [sflag:$0x1] =	stream.indirect.gather [spmem:s3], $0x1, s30, s16, $0xb8;
	[tilespmem:$0x5B80] =	vst v63  }
0x82: {  	_ =	swait.ge [sflag:s25], $0x80  }
0x83: {  	[sflag:s25] =	ssyncset.done $0x0  }
0x84: {  	s30 =	sadd.s32 $0x2800, s31;
	[sflag:s25] =	ssyncadd.s32 $0xFFFFFF80  }
0x85: {  	[spmem:s2] =	stream.indirect.scatter.add.f32 [tilespmem:s17], [sflag:$0x2], $0x1, s30, s16, $0xb8;
	[tilespmem:$0x5B80] =	vst v63  }
0x86: {  	_ =	swait.ge [sflag:s25], $0x80  }
0x87: {  	[sflag:s25] =	ssyncset.done $0x0  }
0x88: {  	s30 =	sadd.s32 $0x2880, s31;
	[sflag:s25] =	ssyncadd.s32 $0xFFFFFF80  }
0x89: {  	[spmem:s2] =	stream.indirect.scatter.add.f32 [tilespmem:s18], [sflag:$0x2], $0x1, s30, s16, $0xb8;
	[tilespmem:$0x5B80] =	vst v63  }
0x8a: {  	_ =	swait.ge [sflag:s25], $0x80  }
0x8b: {  	[sflag:s25] =	ssyncset.done $0x0  }
0x8c: {  	s30 =	sadd.s32 $0x2900, s31;
	[sflag:s25] =	ssyncadd.s32 $0xFFFFFF80  }
0x8d: {  	[spmem:s2] =	stream.indirect.scatter.add.f32 [tilespmem:s19], [sflag:$0x2], $0x1, s30, s16, $0xb8;
	[tilespmem:$0x5B80] =	vst v63  }
0x8e: {  	_ =	swait.ge [sflag:s25], $0x80  }
0x8f: {  	[sflag:s25] =	ssyncset.done $0x0  }
0x90: {  	s30 =	sadd.s32 $0x2980, s31;
	[sflag:s25] =	ssyncadd.s32 $0xFFFFFF80  }
0x91: {  	[spmem:s2] =	stream.indirect.scatter.add.f32 [tilespmem:s20], [sflag:$0x2], $0x1, s30, s16, $0xb8;
	[tilespmem:$0x5B80] =	vst v63  }
0x92: {  	_ =	swait.ge [sflag:s25], $0x80  }
0x93: {  	[sflag:s25] =	ssyncset.done $0x0  }
0x94: {  	s30 =	sadd.s32 $0x2A00, s31;
	[sflag:s25] =	ssyncadd.s32 $0xFFFFFF80  }
0x95: {  	[spmem:s2] =	stream.indirect.scatter.add.f32 [tilespmem:s21], [sflag:$0x2], $0x1, s30, s16, $0xb8;
	[tilespmem:$0x5B80] =	vst v63  }
0x96: {  	_ =	swait.ge [sflag:s25], $0x80  }
0x97: {  	[sflag:s25] =	ssyncset.done $0x0  }
0x98: {  	s30 =	sadd.s32 $0x2A80, s31;
	[sflag:s25] =	ssyncadd.s32 $0xFFFFFF80  }
0x99: {  	[spmem:s2] =	stream.indirect.scatter.add.f32 [tilespmem:s22], [sflag:$0x2], $0x1, s30, s16, $0xb8;
	[tilespmem:$0x5B80] =	vst v63  }
0x9a: {  	_ =	swait.ge [sflag:s25], $0x80  }
0x9b: {  	[sflag:s25] =	ssyncset.done $0x0  }
0x9c: {  	s30 =	sadd.s32 $0x2B00, s31;
	[sflag:s25] =	ssyncadd.s32 $0xFFFFFF80  }
0x9d: {  	[spmem:s2] =	stream.indirect.scatter.add.f32 [tilespmem:s23], [sflag:$0x2], $0x1, s30, s16, $0xb8;
	[tilespmem:$0x5B80] =	vst v63  }
0x9e: {  	_ =	swait.ge [sflag:s25], $0x80  }
0x9f: {  	[sflag:s25] =	ssyncset.done $0x0  }
0xa0: {  	s30 =	sadd.s32 $0x2B80, s31;
	[sflag:s25] =	ssyncadd.s32 $0xFFFFFF80  }
0xa1: {  	[spmem:s2] =	stream.indirect.scatter.add.f32 [tilespmem:s24], [sflag:$0x2], $0x1, s30, s16, $0xb8;
	[tilespmem:$0x5B80] =	vst v63  }
0xa2: {  	_ =	swait.ge [sflag:s26], $0x80  }
0xa3: {  	[sflag:s26] =	ssyncset.done $0x0  }
0xa4: {  	[sflag:s26] =	ssyncadd.s32 $0xFFFFFF80  }
0xa5: {  	_ =	swait.ge [sflag:s26], $0x80  }
0xa6: {  	[sflag:s26] =	ssyncset.done $0x0  }
0xa7: {  	[sflag:s26] =	ssyncadd.s32 $0xFFFFFF80  }
0xa8: {  	_ =	swait.ge [sflag:s26], $0x80  }
0xa9: {  	[sflag:s26] =	ssyncset.done $0x0  }
0xaa: {  	[sflag:s26] =	ssyncadd.s32 $0xFFFFFF80  }
0xab: {  	_ =	swait.ge [sflag:s26], $0x80  }
0xac: {  	[sflag:s26] =	ssyncset.done $0x0  }
0xad: {  	[sflag:s26] =	ssyncadd.s32 $0xFFFFFF80  }
0xae: {  	_ =	swait.ge [sflag:s26], $0x80  }
0xaf: {  	[sflag:s26] =	ssyncset.done $0x0  }
0xb0: {  	[sflag:s26] =	ssyncadd.s32 $0xFFFFFF80  }
0xb1: {  	_ =	swait.ge [sflag:s26], $0x80  }
0xb2: {  	[sflag:s26] =	ssyncset.done $0x0  }
0xb3: {  	[sflag:s26] =	ssyncadd.s32 $0xFFFFFF80  }
.Ltmp0:
0xb4: {  	_ =	swait.ge [sflag:s26], $0x80;
	(pc) =	sbr.rel @p0 .LBB2_2-.Ltmp0, $4  }
0xb5: {  	[sflag:s26] =	ssyncset.done $0x0  }
0xb6: {  	[sflag:s26] =	ssyncadd.s32 $0xFFFFFF80  }
0xb7: {  	_ =	swait.ge [sflag:s26], $0x80  }
0xb8: {  	s30 =	smov.u32 s1;
	[sflag:s26] =	ssyncset.done $0x0  }
0xb9: {  	s1 =	sshra.s32 s29, $0x2;
	[sflag:s26] =	ssyncadd.s32 $0xFFFFFF80  }
0xba: {  	[tilespmem:s17], [sflag:$0x1] =	stream.indirect.gather [spmem:s3], $0x1, s1, s16, $0xb8;
	[tilespmem:$0x5B80] =	vst v63  }
0xbb: {  	s29 =	sadd.s32 $0x80, s1  }
0xbc: {  	[tilespmem:s18], [sflag:$0x1] =	stream.indirect.gather [spmem:s3], $0x1, s29, s16, $0xb8;
	[tilespmem:$0x5B80] =	vst v63  }
0xbd: {  	s31 =	sadd.s32 $0x100, s1  }
0xbe: {  	[tilespmem:s19], [sflag:$0x1] =	stream.indirect.gather [spmem:s3], $0x1, s31, s16, $0xb8;
	[tilespmem:$0x5B80] =	vst v63  }
0xbf: {  	s30 =	sadd.s32 $0x180, s1  }
0xc0: {  	[tilespmem:s20], [sflag:$0x1] =	stream.indirect.gather [spmem:s3], $0x1, s30, s16, $0xb8;
	[tilespmem:$0x5B80] =	vst v63  }
0xc1: {  	s31 =	sadd.s32 $0x200, s1  }
0xc2: {  	[tilespmem:s21], [sflag:$0x1] =	stream.indirect.gather [spmem:s3], $0x1, s31, s16, $0xb8;
	[tilespmem:$0x5B80] =	vst v63  }
0xc3: {  	s30 =	sadd.s32 $0x280, s1  }
0xc4: {  	[tilespmem:s22], [sflag:$0x1] =	stream.indirect.gather [spmem:s3], $0x1, s30, s16, $0xb8;
	[tilespmem:$0x5B80] =	vst v63  }
0xc5: {  	s31 =	sadd.s32 $0x300, s1  }
0xc6: {  	[tilespmem:s23], [sflag:$0x1] =	stream.indirect.gather [spmem:s3], $0x1, s31, s16, $0xb8;
	[tilespmem:$0x5B80] =	vst v63  }
0xc7: {  	s30 =	sadd.s32 $0x380, s1  }
0xc8: {  	[tilespmem:s24], [sflag:$0x1] =	stream.indirect.gather [spmem:s3], $0x1, s30, s16, $0xb8;
	[tilespmem:$0x5B80] =	vst v63  }
0xc9: {  	_ =	swait.ge [sflag:s25], $0x80  }
0xca: {  	[sflag:s25] =	ssyncset.done $0x0  }
0xcb: {  	s31 =	sadd.s32 $0x2800, s1;
	[sflag:s25] =	ssyncadd.s32 $0xFFFFFF80  }
0xcc: {  	[spmem:s2] =	stream.indirect.scatter.add.f32 [tilespmem:s17], [sflag:$0x2], $0x1, s31, s16, $0xb8;
	[tilespmem:$0x5B80] =	vst v63  }
0xcd: {  	_ =	swait.ge [sflag:s25], $0x80  }
0xce: {  	[sflag:s25] =	ssyncset.done $0x0  }
0xcf: {  	s30 =	sadd.s32 $0x2880, s1;
	[sflag:s25] =	ssyncadd.s32 $0xFFFFFF80  }
0xd0: {  	[spmem:s2] =	stream.indirect.scatter.add.f32 [tilespmem:s18], [sflag:$0x2], $0x1, s30, s16, $0xb8;
	[tilespmem:$0x5B80] =	vst v63  }
0xd1: {  	_ =	swait.ge [sflag:s25], $0x80  }
0xd2: {  	[sflag:s25] =	ssyncset.done $0x0  }
0xd3: {  	s31 =	sadd.s32 $0x2900, s1;
	[sflag:s25] =	ssyncadd.s32 $0xFFFFFF80  }
0xd4: {  	[spmem:s2] =	stream.indirect.scatter.add.f32 [tilespmem:s19], [sflag:$0x2], $0x1, s31, s16, $0xb8;
	[tilespmem:$0x5B80] =	vst v63  }
0xd5: {  	_ =	swait.ge [sflag:s25], $0x80  }
0xd6: {  	[sflag:s25] =	ssyncset.done $0x0  }
0xd7: {  	s30 =	sadd.s32 $0x2980, s1;
	[sflag:s25] =	ssyncadd.s32 $0xFFFFFF80  }
0xd8: {  	[spmem:s2] =	stream.indirect.scatter.add.f32 [tilespmem:s20], [sflag:$0x2], $0x1, s30, s16, $0xb8;
	[tilespmem:$0x5B80] =	vst v63  }
0xd9: {  	_ =	swait.ge [sflag:s25], $0x80  }
0xda: {  	[sflag:s25] =	ssyncset.done $0x0  }
0xdb: {  	s31 =	sadd.s32 $0x2A00, s1;
	[sflag:s25] =	ssyncadd.s32 $0xFFFFFF80  }
0xdc: {  	[spmem:s2] =	stream.indirect.scatter.add.f32 [tilespmem:s21], [sflag:$0x2], $0x1, s31, s16, $0xb8;
	[tilespmem:$0x5B80] =	vst v63  }
0xdd: {  	_ =	swait.ge [sflag:s25], $0x80  }
0xde: {  	[sflag:s25] =	ssyncset.done $0x0  }
0xdf: {  	s30 =	sadd.s32 $0x2A80, s1;
	[sflag:s25] =	ssyncadd.s32 $0xFFFFFF80  }
0xe0: {  	[spmem:s2] =	stream.indirect.scatter.add.f32 [tilespmem:s22], [sflag:$0x2], $0x1, s30, s16, $0xb8;
	[tilespmem:$0x5B80] =	vst v63  }
0xe1: {  	_ =	swait.ge [sflag:s25], $0x80  }
0xe2: {  	[sflag:s25] =	ssyncset.done $0x0  }
0xe3: {  	s31 =	sadd.s32 $0x2B00, s1;
	[sflag:s25] =	ssyncadd.s32 $0xFFFFFF80  }
0xe4: {  	[spmem:s2] =	stream.indirect.scatter.add.f32 [tilespmem:s23], [sflag:$0x2], $0x1, s31, s16, $0xb8;
	[tilespmem:$0x5B80] =	vst v63  }
0xe5: {  	_ =	swait.ge [sflag:s25], $0x80  }
0xe6: {  	[sflag:s25] =	ssyncset.done $0x0  }
0xe7: {  	s1 =	sadd.s32 $0x2B80, s1;
	[sflag:s25] =	ssyncadd.s32 $0xFFFFFF80  }
0xe8: {  	[spmem:s2] =	stream.indirect.scatter.add.f32 [tilespmem:s24], [sflag:$0x2], $0x1, s1, s16, $0xb8;
	[tilespmem:$0x5B80] =	vst v63  }
0xe9: {  	_ =	swait.ge [sflag:s26], $0x80  }
0xea: {  	[sflag:s26] =	ssyncset.done $0x0  }
0xeb: {  	[sflag:s26] =	ssyncadd.s32 $0xFFFFFF80  }
0xec: {  	_ =	swait.ge [sflag:s26], $0x80  }
0xed: {  	[sflag:s26] =	ssyncset.done $0x0  }
0xee: {  	[sflag:s26] =	ssyncadd.s32 $0xFFFFFF80  }
0xef: {  	_ =	swait.ge [sflag:s26], $0x80  }
0xf0: {  	[sflag:s26] =	ssyncset.done $0x0  }
0xf1: {  	[sflag:s26] =	ssyncadd.s32 $0xFFFFFF80  }
0xf2: {  	_ =	swait.ge [sflag:s26], $0x80  }
0xf3: {  	[sflag:s26] =	ssyncset.done $0x0  }
0xf4: {  	[sflag:s26] =	ssyncadd.s32 $0xFFFFFF80  }
0xf5: {  	_ =	swait.ge [sflag:s26], $0x80  }
0xf6: {  	[sflag:s26] =	ssyncset.done $0x0  }
0xf7: {  	[sflag:s26] =	ssyncadd.s32 $0xFFFFFF80  }
0xf8: {  	_ =	swait.ge [sflag:s26], $0x80  }
0xf9: {  	[sflag:s26] =	ssyncset.done $0x0  }
0xfa: {  	[sflag:s26] =	ssyncadd.s32 $0xFFFFFF80  }
0xfb: {  	_ =	swait.ge [sflag:s26], $0x80  }
0xfc: {  	[sflag:s26] =	ssyncset.done $0x0  }
0xfd: {  	[sflag:s26] =	ssyncadd.s32 $0xFFFFFF80  }
0xfe: {  	_ =	swait.ge [sflag:s26], $0x80  }
0xff: {  	[sflag:s26] =	ssyncset.done $0x0  }
0x100: {  	[sflag:s26] =	ssyncadd.s32 $0xFFFFFF80  }
0x101: {  	[bflag:$0x0] =	sbarrier.arrive $0xFFFF  }
0x102: {  	[tilespmem:s13], [sflag:$0x3] =	stream.linear.gather [spmem:s6], $0x280, $0x38;
	[tilespmem:$0x5B80] =	vst v63  }
0x103: {  	s28 =	sadd.s32 $0x1, s28;
	_ =	swait.ge [sflag:s14], $0x280  }
0x104: {  	p0 =	sne.s32 s28, s12;
	[sflag:s14] =	ssyncset.done $0x0  }
.Ltmp1:
0x105: {  	[sflag:s14] =	ssyncadd.s32 $0xFFFFFD80;
	(pc) =	sbr.rel @p0 .LBB2_1-.Ltmp1, $4  }
0x106: {  	[hbm4b:s11+s4] =	stream.linear.scatter [tilespmem:s13], [sflag:$0x3], $0x280, $0x38;
	[tilespmem:$0x5B80] =	vst v63  }
0x107: {  	_ =	swait.ge [sflag:s14], $0x280  }
0x108: {  	[sflag:s14] =	ssyncset.done $0x0  }
0x109: {  	[sflag:s14] =	ssyncadd.s32 $0xFFFFFD80  }
0x10a: {  	_ =	sfence.sel $0x180000  }
0x10b: {  	[bflag:$0x0] =	sbarrier.arrive $0xFFFF  }
0x10c: {  	_ =	strace $0x9000004D  }
0x10d: {  	[bflag:$0x2] =	sbarrier.arrive $0xFFFF  }
0x10e: {  	p0 =	sne.s32 s0, $0x0;
	s0 =	rddreg [dreg:$0x3]  }
0x10f: {  	s0 =	sadd.s32 @!p0 $0x100000, s0  }
0x110: {  	[sflag:s0] =	ssyncadd.tile.s32 @!p0 $0x1;
	_ =	shalt  }
.Lfunc_end2:
_tile_overlayer_lowered:
.L_overlay_start_2:
0x111: {  	(tag) =	ssettag $0x2  }
0x112: {  	s0 =	rddreg [dreg:$0x0];
	s2 =	stileid.u32  }
0x113: {  	s1 =	rddreg [dreg:$0x1];
	p0 =	sne.s32 s2, $0x0  }
0x114: {  	s3 =	rddreg [dreg:$0x2];
	[bflag:$0x3] =	sbarrier.arrive $0xFFFF;
	s2 =	simm.s32 @!p0 $0x1C03  }
0x115: {  	[timem:s3], [sflag:s2] =	dma.local @!p0 [hbm:s0], s1  }
0x116: {  	s0 =	simm.s32 @!p0 $0x3  }
0x117: {  	_ =	swait.ge @!p0 [sflag:s0], s1  }
0x118: {  	s1 =	ssub.s32 @!p0 $0x0, s1;
	[sflag:s0] =	ssyncset.done @!p0 $0x0  }
0x119: {  	[sflag:s0] =	ssyncadd.s32 @!p0 s1  }
0x11a: {  	[bflag:$0x3] =	sbarrier.arrive $0xFFFF  }
0x11b: {  	_ =	shalt  }

// kernel: kernel.8.cloned.1.call-start
scs
__scs_entry_jumppad:
0x0: {  	(pc) =	sbr.rel $0x88, $3  }
0x1: {  	(tag) =	ssettag $0x0;
	lr =	simm.s32 $0x1  }
0x2: {  	[smem:$0x3F9B] =	sst lr;
	_ =	strace $0xD0000000  }
0x3: {  	_ = 	snop  }
0x4: {  	_ = 	snop  }
0x5: {  	_ = 	snop  }
0x6: {  	_ = 	snop  }
0x7: {  	_ = 	snop  }
__scs_overlays_trampoline_lowered:
0x8: {  	[smem:$0x3FAA] =	sst s0  }
0x9: {  	[smem:$0x3FAB] =	sst s1  }
0xa: {  	[smem:$0x3FAC] =	sst s2  }
0xb: {  	[smem:$0x3FAD] =	sst s3  }
0xc: {  	[smem:$0x3FAE] =	sst s4  }
0xd: {  	[smem:$0x3FAF] =	sst s5  }
0xe: {  	[smem:$0x3FB0] =	sst s6  }
0xf: {  	[smem:$0x3FB1] =	sst s7  }
0x10: {  	[smem:$0x3FB2] =	sst s8  }
0x11: {  	[smem:$0x3FB3] =	sst s9;
	s0 =	simm.s32 @!p0 $0x0  }
0x12: {  	s1 =	sld [smem:$0x3F99];
	s0 =	simm.s32 @p0 $0x1  }
0x13: {  	[smem:$0x3FB4] =	sst s0;
	s0 =	simm.s32 @!p1 $0x0  }
0x14: {  	s2 =	sld [smem:$0x3F98];
	s0 =	simm.s32 @p1 $0x1  }
0x15: {  	[smem:$0x3FB5] =	sst s0;
	s0 =	simm.s32 @!p2 $0x0  }
0x16: {  	s3 =	sld [smem:$0x3FDB];
	s0 =	simm.s32 @p2 $0x1  }
0x17: {  	s4 =	simm.s32 $0x1BF5;
	[smem:$0x3FB7] =	sst s0  }
0x18: {  	s0 =	sld [smem:$0x3F9A];
	_ =	swait.ge [sflag:s4], $0x0  }
0x19: {  	s7 =	sld [smem:$0x3F9B]  }
0x1a: {  	s8 =	sadd.s32 $0xFFFFE003, lr  }
0x1b: {  	s9 =	sadd.s32 $0xFFFFFEF7, lr;
	s5 =	simm.s32 $0xFFFFFFFF;
	p2 =	slt.u32 s8, $0xFFFFF086  }
0x1c: {  	p1 =	slt.u32 s9, $0xF7A;
	s5 =	simm.s32 @!p2 $0x0  }
0x1d: {  	s5 =	simm.s32 @p1 $0x1;
	p0 =	seq.s32 s7, s2  }
0x1e: {  	s7 =	smul.u32 @!p0 $0xF7A, s2;
	p2 =	seq.s32 @!p0 s5, $0x0  }
0x1f: {  	s9 =	smul.u32 $0xF7A, s1;
	s8 =	simm.s32 @!p0 $0x1BF5;
	p2 =	por !p2, p0  }
0x20: {  	[sflag:s8] =	ssyncset.s32 @!p0 $0xFFFFF086;
	s6 =	sadd.s32 @!p0 s3, s7;
	s7 =	simm.s32 @!p0 $0x108  }
0x21: {  	s3 =	sadd.s32 s3, s9;
	s6 =	sadd.s32 @!p0 $0x88, s6;
	s7 =	simm.s32 @p2 $0x1082  }
0x22: {  	[simem:s7], [sflag:s8] =	dma.local @!p0 [hbm:s6], $0xF7A  }
0x23: {  	s9 =	sor.u32 $0xD0000000, s2;
	s6 =	simm.s32 $0x108;
	_ =	swait.ge @!p0 [sflag:s8], $0x0  }
0x24: {  	s3 =	sadd.s32 $0x88, s3;
	s6 =	simm.s32 @!p1 $0x1082;
	[sflag:s4] =	ssyncset.s32 $0xFFFFF086  }
0x25: {  	[simem:s6], [sflag:s4] =	dma.local [hbm:s3], $0xF7A  }
0x26: {  	[smem:$0x3F9B] =	sst s1;
	(tag) =	ssettag s2;
	_ =	strace s9  }
0x27: {  	s1 =	sld [smem:$0x3FAB]  }
0x28: {  	s2 =	sld [smem:$0x3FAC]  }
0x29: {  	s4 =	sld [smem:$0x3FAE]  }
0x2a: {  	p0 =	seq.s32 s5, $0x0;
	s5 =	sld [smem:$0x3FAF]  }
0x2b: {  	s6 =	sld [smem:$0x3FB0]  }
0x2c: {  	s7 =	sld [smem:$0x3FB1]  }
0x2d: {  	s3 =	simm.s32 $0x108;
	s8 =	sld [smem:$0x3FB2]  }
0x2e: {  	s3 =	simm.s32 @!p0 $0x1082;
	s9 =	sld [smem:$0x3FB3]  }
0x2f: {  	lr =	sadd.s32 s0, s3;
	s0 =	sld [smem:$0x3FAA]  }
0x30: {  	s3 =	sld [smem:$0x3FAD]  }
0x31: {  	[smem:$0x3FB6] =	sst s10  }
0x32: {  	s10 =	sld [smem:$0x3FB4];
	_ =	sdelay $0x3  }
0x33: {  	p0 =	seq.s32 s10, $0x1;
	s10 =	sld [smem:$0x3FB6];
	_ =	sdelay $0x3  }
0x34: {  	[smem:$0x3FB6] =	sst s10  }
0x35: {  	s10 =	sld [smem:$0x3FB5];
	_ =	sdelay $0x3  }
0x36: {  	p1 =	seq.s32 s10, $0x1;
	s10 =	sld [smem:$0x3FB6];
	_ =	sdelay $0x3  }
0x37: {  	[smem:$0x3FB6] =	sst s10  }
0x38: {  	s10 =	sld [smem:$0x3FB7]  }
0x39: {  	_ = 	snop;
	(pc) =	sbr.ind lr, $3  }
0x3a: {  	_ = 	snop  }
0x3b: {  	_ = 	snop  }
0x3c: {  	p2 =	seq.s32 s10, $0x1;
	s10 =	sld [smem:$0x3FB6]  }
0x3d: {  	_ =	shalt  }
0x3e: {  	_ =	shalt  }
0x3f: {  	_ =	shalt  }
0x40: {  	_ =	shalt  }
0x41: {  	_ =	shalt  }
0x42: {  	_ =	shalt  }
0x43: {  	_ =	shalt  }
0x44: {  	_ =	shalt  }
0x45: {  	_ =	shalt  }
0x46: {  	_ =	shalt  }
0x47: {  	_ =	shalt  }
0x48: {  	_ =	shalt  }
0x49: {  	_ =	shalt  }
0x4a: {  	_ =	shalt  }
0x4b: {  	_ =	shalt  }
0x4c: {  	_ =	shalt  }
0x4d: {  	_ =	shalt  }
0x4e: {  	_ =	shalt  }
0x4f: {  	_ =	shalt  }
0x50: {  	_ =	shalt  }
0x51: {  	_ =	shalt  }
0x52: {  	_ =	shalt  }
0x53: {  	_ =	shalt  }
0x54: {  	_ =	shalt  }
0x55: {  	_ =	shalt  }
0x56: {  	_ =	shalt  }
0x57: {  	_ =	shalt  }
0x58: {  	_ =	shalt  }
0x59: {  	_ =	shalt  }
0x5a: {  	_ =	shalt  }
0x5b: {  	_ =	shalt  }
0x5c: {  	_ =	shalt  }
0x5d: {  	_ =	shalt  }
0x5e: {  	_ =	shalt  }
0x5f: {  	_ =	shalt  }
0x60: {  	_ =	shalt  }
0x61: {  	_ =	shalt  }
0x62: {  	_ =	shalt  }
0x63: {  	_ =	shalt  }
0x64: {  	_ =	shalt  }
0x65: {  	_ =	shalt  }
0x66: {  	_ =	shalt  }
0x67: {  	_ =	shalt  }
0x68: {  	_ =	shalt  }
0x69: {  	_ =	shalt  }
0x6a: {  	_ =	shalt  }
0x6b: {  	_ =	shalt  }
0x6c: {  	_ =	shalt  }
0x6d: {  	_ =	shalt  }
0x6e: {  	_ =	shalt  }
0x6f: {  	_ =	shalt  }
0x70: {  	_ =	shalt  }
0x71: {  	_ =	shalt  }
0x72: {  	_ =	shalt  }
0x73: {  	_ =	shalt  }
0x74: {  	_ =	shalt  }
0x75: {  	_ =	shalt  }
0x76: {  	_ =	shalt  }
0x77: {  	_ =	shalt  }
0x78: {  	_ =	shalt  }
0x79: {  	_ =	shalt  }
0x7a: {  	_ =	shalt  }
0x7b: {  	_ =	shalt  }
0x7c: {  	_ =	shalt  }
0x7d: {  	_ =	shalt  }
0x7e: {  	_ =	shalt  }
0x7f: {  	_ =	shalt  }
0x80: {  	_ =	shalt  }
0x81: {  	_ =	shalt  }
0x82: {  	_ =	shalt  }
0x83: {  	_ =	shalt  }
0x84: {  	_ =	shalt  }
0x85: {  	_ =	shalt  }
0x86: {  	_ =	shalt  }
0x87: {  	_ =	shalt  }
.Lfunc_end0:
.L_simem_size_0:
called_computation_lowered:
.L_overlay_start_0:
0x88: {  	s2 =	sld [smem:$0x3FD9]  }
0x89: {  	s3 =	sld [smem:$0x3FFE];
	_ =	sdelay $0x1  }
0x8a: {  	s1 =	srdreg.scid  }
0x8b: {  	s0 =	sand.u32 $0x1, s1  }
0x8c: {  	s17 =	sshll.u32 s0, $0xA;
	s2 =	sadd.s32 s3, s2  }
0x8d: {  	s2 =	sadd.s32 s2, s17  }
0x8e: {  	[smem:$0x3FC2] =	sst s2  }
0x8f: {  	_ = 	snop  }
0x90: {  	s2 =	sld [smem:$0x3FD0];
	(tm) =	ssettm $0x1  }
0x91: {  	s18 =	sld [smem:$0x3FFB];
	_ =	sdelay $0x3  }
0x92: {  	_ =	strace s18  }
0x93: {  	s3 =	sld [smem:$0x3FFC];
	_ =	sdelay $0x3  }
0x94: {  	_ =	strace s3  }
0x95: {  	s3 =	sld [smem:$0x3FFD];
	_ =	sdelay $0x3  }
0x96: {  	_ =	strace s3  }
0x97: {  	_ =	strace $0x8FFFFFFF  }
0x98: {  	s19 =	sld [smem:$0x3FDB];
	_ =	sdelay $0x1  }
0x99: {  	s4 =	simm.s32 $_scs_section_size  }
0x9a: {  	s5 =	simm.s32 $_size__tile_overlayer_lowered;
	s6 =	simm.s32 $_tile_overlayer_lowered  }
0x9b: {  	s22 =	simm.s32 $0x1BFF;
	s21 =	sshll.u32 s6, $0x1;
	s3 =	sadd.s32 s4, s19  }
0x9c: {  	s7 =	simm.s32 $0x0;
	s20 =	sshll.u32 s5, $0x1;
	s5 =	sadd.s32 s21, s3  }
0x9d: {  	[timem:s7], [sflag:s22] =	dma.local [hbm:s5], s20  }
0x9e: {  	_ =	swait.ge [sflag:s22], s20  }
0x9f: {  	s4 =	ssub.s32 $0x0, s20;
	[sflag:s22] =	ssyncset.done $0x0  }
0xa0: {  	[sflag:s22] =	ssyncadd.s32 s4;
	_ =	sdelay $0x1  }
0xa1: {  	s23 =	simm.s32 $0x1B8B  }
0xa2: {  	_ =	swait.ge [sflag:s23], $0x1  }
0xa3: {  	[sflag:s23] =	ssyncset.done $0x0  }
0xa4: {  	s25 =	simm.s32 $0x1B8E;
	s24 =	sld [smem:$0x3FFE];
	[sflag:s23] =	ssyncadd.s32 $0xFFFFFFFF  }
0xa5: {  	s26 =	simm.s32 $execute0_lowered;
	[smem:$0x3FD2] =	sst s25  }
0xa6: {  	s5 =	sshll.u32 s26, $0x1;
	_ =	strace $0x80000046;
	[dreg:$0x1] =	wrdreg $0xFFFFFFFF  }
0xa7: {  	s28 =	simm.s32 $_size_execute0_lowered;
	s3 =	sadd.s32 s3, s5;
	[dreg:$0x0] =	wrdreg $0x0  }
0xa8: {  	s5 =	sshll.u32 s28, $0x1;
	[dreg:$0x2] =	wrdreg s3  }
0xa9: {  	[dreg:$0x3] =	wrdreg s5  }
0xaa: {  	[dreg:$0x4] =	wrdreg $0xC0  }
0xab: {  	_ =	task [dreg:s7], $0x5FFFF  }
0xac: {  	[dreg:$0x1] =	wrdreg $0xFFFFFFFF  }
0xad: {  	[dreg:$0x0] =	wrdreg $0x60  }
0xae: {  	[dreg:$0x2] =	wrdreg s24  }
0xaf: {  	[dreg:$0x3] =	wrdreg s2  }
0xb0: {  	[dreg:$0x4] =	wrdreg $0x2B000  }
0xb1: {  	[dreg:$0x5] =	wrdreg $0x9  }
0xb2: {  	_ =	task.clear_ibuf [dreg:s7], $0x6FFFF;
	_ =	strace $0x90000046  }
0xb3: {  	s29 =	simm.s32 $0x9;
	_ =	strace $0x80000048  }
0xb4: {  	_ =	swait.ge [sflag:s29], $0x1  }
0xb5: {  	[sflag:s29] =	ssyncadd.s32 $0xFFFFFFFF  }
0xb6: {  	_ =	strace $0x90000048  }
0xb7: {  	_ =	sfence  }
0xb8: {  	s30 =	sld [smem:$0x0];
	_ =	sdelay $0x2  }
0xb9: {  	s31 =	sshll.u32 s1, $0xD;
	s1 =	sshrl.u32 s1, $0x2  }
0xba: {  	s3 =	sand.u32 $0x4000, s31;
	s1 =	sadd.s32 s1, s30  }
0xbb: {  	s0 =	sor.u32 s3, s0;
	s1 =	sshll.u32 s1, $0x11  }
0xbc: {  	s0 =	sor.u32 s1, s0  }
0xbd: {  	s0 =	sadd.s32 $0x8F2B, s0  }
0xbe: {  	[sflag:s0] =	ssyncadd.remote.s32 $0x1  }
0xbf: {  	_ =	sfence.sel $0xFFFF  }
0xc0: {  	[dreg:$0x0] =	wrdreg $0xFFFFFFFF;
	(pc) =	sbr.abs _section_cstart, $3  }
0xc1: {  	[dreg:$0x1] =	wrdreg $0xFFFFFFFF  }
0xc2: {  	_ =	task.clear_ibuf [dreg:s7], $0x2FFFF;
	_ =	strace $0x9FFFFFFF  }
0xc3: {  	(tm) =	ssettm $0x7FFFFFFF  }
tec
execute0_lowered:
.L_overlay_start_1:
0x0: {  	(tag) =	ssettag $0x1  }
0x1: {  	s6 =	rddreg [dreg:$0x0]  }
0x2: {  	s0 =	srdreg.scid;
	s2 =	rddreg [dreg:$0x1]  }
0x3: {  	s3 =	rddreg [dreg:$0x2];
	s4 =	simm.s32 $0x0;
	s12 =	simm.s32 $0x2880  }
0x4: {  	s13 =	simm.s32 $0x80;
	s5 =	sand.u32 $0x1, s0;
	s0 =	stileid.u32  }
0x5: {  	s14 =	simm.s32 $0x1;
	s15 =	simm.s32 $0x0;
	s8 =	smul.u32 $0x280, s0  }
0x6: {  	[smem:$0x7FF] =	sst s4;
	s1 =	sshll.u32 s5, $0x4;
	s9 =	smul.u32 $0x2800, s5  }
0x7: {  	s10 =	ssub.s32 $0x2, s5;
	s5 =	sadd.s32 $0x15000, s6;
	s1 =	sor.u32 s0, s1  }
0x8: {  	s11 =	sshrl.u32 s10, $0x1;
	s7 =	smul.u32 $0x500, s1;
	s1 =	rddreg [dreg:$0x3]  }
0x9: {  	_ =	strace $0x80000047;
	s9 =	sadd.s32 s8, s9;
	s10 =	ssub.s32 s10, s11  }
0xa: {  	s11 =	simm.s32 $0x2;
	s9 =	sshrl.u32 s9, $0x3;
	s7 =	sadd.s32 s7, s6  }
0xb: {  	s9 =	sadd.s32 s9, s6;
	s6 =	sadd.s32 s8, s3;
	s7 =	sadd.s32 $0xB000, s7  }
0xc: {  	s8 =	sadd.s32 $0x15200, s9;
	s9 =	smax.u32 s10, $0x1;
	s10 =	simm.s32 $0x2800  }
.LBB2_1:
0xd: {  	[tilespmem:s10], [sflag:$0x2] =	stream.linear.gather [hbm4b:s2+s4], $0x80, $0x38;
	[tilespmem:$0x2D80] =	vst v63  }
0xe: {  	_ =	swait.ge [sflag:s11], $0x80  }
0xf: {  	[sflag:s11] =	ssyncset.done $0x0  }
0x10: {  	[sflag:s11] =	ssyncadd.s32 $0xFFFFFF80  }
0x11: {  	[tilespmem:s12], [sflag:$0x2] =	stream.linear.gather [hbm4b:s5+s4], $0x280, $0x38;
	[tilespmem:$0x2D80] =	vst v63  }
0x12: {  	_ =	swait.ge [sflag:s11], $0x280  }
0x13: {  	[sflag:s11] =	ssyncset.done $0x0  }
0x14: {  	[sflag:s11] =	ssyncadd.s32 $0xFFFFFD80  }
0x15: {  	[spmem:s6] =	stream.linear.scatter [tilespmem:s12], [sflag:$0x2], $0x280, $0x38;
	[tilespmem:$0x2D80] =	vst v63  }
0x16: {  	_ =	swait.ge [sflag:s11], $0x280  }
0x17: {  	[sflag:s11] =	ssyncset.done $0x0  }
0x18: {  	[sflag:s11] =	ssyncadd.s32 $0xFFFFFD80  }
0x19: {  	[tilespmem:s4], [sflag:$0x2] =	stream.linear.gather [hbm4b:s7+s4], $0x2800, $0x38;
	[tilespmem:$0x2D80] =	vst v63  }
0x1a: {  	_ =	swait.ge [sflag:s11], $0x2800  }
0x1b: {  	[sflag:s11] =	ssyncset.done $0x0  }
0x1c: {  	[sflag:s11] =	ssyncadd.s32 $0xFFFFD800  }
0x1d: {  	s16 =	simm.s32 $0x0;
	[bflag:$0x0] =	sbarrier.arrive $0xFFFF  }
0x1e: {  	[spmem:s3] =	stream.indirect.scatter.add.f32 [tilespmem:s10], [sflag:$0x1], $0x1, s16, s13, $0xb8;
	[tilespmem:$0x2D80] =	vst v63  }
0x1f: {  	s24 =	simm.s32 $0x80  }
0x20: {  	[spmem:s3] =	stream.indirect.scatter.add.f32 [tilespmem:s10], [sflag:$0x1], $0x1, s24, s13, $0xb8;
	[tilespmem:$0x2D80] =	vst v63  }
0x21: {  	s25 =	simm.s32 $0x100  }
0x22: {  	[spmem:s3] =	stream.indirect.scatter.add.f32 [tilespmem:s10], [sflag:$0x1], $0x1, s25, s13, $0xb8;
	[tilespmem:$0x2D80] =	vst v63  }
0x23: {  	s26 =	simm.s32 $0x180  }
0x24: {  	[spmem:s3] =	stream.indirect.scatter.add.f32 [tilespmem:s10], [sflag:$0x1], $0x1, s26, s13, $0xb8;
	[tilespmem:$0x2D80] =	vst v63  }
0x25: {  	s28 =	simm.s32 $0x200  }
0x26: {  	[spmem:s3] =	stream.indirect.scatter.add.f32 [tilespmem:s10], [sflag:$0x1], $0x1, s28, s13, $0xb8;
	[tilespmem:$0x2D80] =	vst v63  }
0x27: {  	s29 =	simm.s32 $0x280  }
0x28: {  	[spmem:s3] =	stream.indirect.scatter.add.f32 [tilespmem:s10], [sflag:$0x1], $0x1, s29, s13, $0xb8;
	[tilespmem:$0x2D80] =	vst v63  }
0x29: {  	s30 =	simm.s32 $0x300  }
0x2a: {  	[spmem:s3] =	stream.indirect.scatter.add.f32 [tilespmem:s10], [sflag:$0x1], $0x1, s30, s13, $0xb8;
	[tilespmem:$0x2D80] =	vst v63  }
0x2b: {  	s31 =	simm.s32 $0x380  }
0x2c: {  	[spmem:s3] =	stream.indirect.scatter.add.f32 [tilespmem:s10], [sflag:$0x1], $0x1, s31, s13, $0xb8;
	[tilespmem:$0x2D80] =	vst v63  }
0x2d: {  	_ =	swait.ge [sflag:s14], $0x80  }
0x2e: {  	[sflag:s14] =	ssyncset.done $0x0  }
0x2f: {  	[sflag:s14] =	ssyncadd.s32 $0xFFFFFF80  }
0x30: {  	_ =	swait.ge [sflag:s14], $0x80  }
0x31: {  	[sflag:s14] =	ssyncset.done $0x0  }
0x32: {  	[sflag:s14] =	ssyncadd.s32 $0xFFFFFF80  }
0x33: {  	_ =	swait.ge [sflag:s14], $0x80  }
0x34: {  	[sflag:s14] =	ssyncset.done $0x0  }
0x35: {  	[sflag:s14] =	ssyncadd.s32 $0xFFFFFF80  }
0x36: {  	_ =	swait.ge [sflag:s14], $0x80  }
0x37: {  	[sflag:s14] =	ssyncset.done $0x0  }
0x38: {  	[sflag:s14] =	ssyncadd.s32 $0xFFFFFF80  }
0x39: {  	_ =	swait.ge [sflag:s14], $0x80  }
0x3a: {  	[sflag:s14] =	ssyncset.done $0x0  }
0x3b: {  	[sflag:s14] =	ssyncadd.s32 $0xFFFFFF80  }
0x3c: {  	_ =	swait.ge [sflag:s14], $0x80  }
0x3d: {  	[sflag:s14] =	ssyncset.done $0x0  }
0x3e: {  	[sflag:s14] =	ssyncadd.s32 $0xFFFFFF80  }
0x3f: {  	_ =	swait.ge [sflag:s14], $0x80  }
0x40: {  	[sflag:s14] =	ssyncset.done $0x0  }
0x41: {  	[sflag:s14] =	ssyncadd.s32 $0xFFFFFF80  }
0x42: {  	_ =	swait.ge [sflag:s14], $0x80  }
0x43: {  	s18 =	simm.s32 $0x2000;
	s16 =	simm.s32 $0x1000;
	[sflag:s14] =	ssyncset.done $0x0  }
.LBB2_2:
0x44: {  	s19 =	sshra.s32 s16, $0x2  }
0x45: {  	[sflag:s14] =	ssyncadd.s32 $0xFFFFFF80;
	s16 =	smov.u32 s18;
	s17 =	sadd.s32 $0x1000, s18  }
0x46: {  	[spmem:s3] =	stream.indirect.scatter.add.f32 [tilespmem:s10], [sflag:$0x1], $0x1, s19, s13, $0xb8;
	[tilespmem:$0x2D80] =	vst v63  }
0x47: {  	p0 =	sne.s32 s18, $0x9000;
	s18 =	sadd.s32 $0x80, s19  }
0x48: {  	[spmem:s3] =	stream.indirect.scatter.add.f32 [tilespmem:s10], [sflag:$0x1], $0x1, s18, s13, $0xb8;
	[tilespmem:$0x2D80] =	vst v63  }
0x49: {  	s18 =	sadd.s32 $0x100, s19  }
0x4a: {  	[spmem:s3] =	stream.indirect.scatter.add.f32 [tilespmem:s10], [sflag:$0x1], $0x1, s18, s13, $0xb8;
	[tilespmem:$0x2D80] =	vst v63  }
0x4b: {  	s18 =	sadd.s32 $0x180, s19  }
0x4c: {  	[spmem:s3] =	stream.indirect.scatter.add.f32 [tilespmem:s10], [sflag:$0x1], $0x1, s18, s13, $0xb8;
	[tilespmem:$0x2D80] =	vst v63  }
0x4d: {  	s18 =	sadd.s32 $0x200, s19  }
0x4e: {  	[spmem:s3] =	stream.indirect.scatter.add.f32 [tilespmem:s10], [sflag:$0x1], $0x1, s18, s13, $0xb8;
	[tilespmem:$0x2D80] =	vst v63  }
0x4f: {  	s18 =	sadd.s32 $0x280, s19  }
0x50: {  	[spmem:s3] =	stream.indirect.scatter.add.f32 [tilespmem:s10], [sflag:$0x1], $0x1, s18, s13, $0xb8;
	[tilespmem:$0x2D80] =	vst v63  }
0x51: {  	s18 =	sadd.s32 $0x300, s19  }
0x52: {  	[spmem:s3] =	stream.indirect.scatter.add.f32 [tilespmem:s10], [sflag:$0x1], $0x1, s18, s13, $0xb8;
	[tilespmem:$0x2D80] =	vst v63  }
0x53: {  	s18 =	sadd.s32 $0x380, s19  }
0x54: {  	[spmem:s3] =	stream.indirect.scatter.add.f32 [tilespmem:s10], [sflag:$0x1], $0x1, s18, s13, $0xb8;
	[tilespmem:$0x2D80] =	vst v63  }
0x55: {  	_ =	swait.ge [sflag:s14], $0x80  }
0x56: {  	[sflag:s14] =	ssyncset.done $0x0  }
0x57: {  	[sflag:s14] =	ssyncadd.s32 $0xFFFFFF80  }
0x58: {  	_ =	swait.ge [sflag:s14], $0x80  }
0x59: {  	[sflag:s14] =	ssyncset.done $0x0  }
0x5a: {  	[sflag:s14] =	ssyncadd.s32 $0xFFFFFF80  }
0x5b: {  	_ =	swait.ge [sflag:s14], $0x80  }
0x5c: {  	[sflag:s14] =	ssyncset.done $0x0  }
0x5d: {  	[sflag:s14] =	ssyncadd.s32 $0xFFFFFF80  }
0x5e: {  	_ =	swait.ge [sflag:s14], $0x80  }
0x5f: {  	[sflag:s14] =	ssyncset.done $0x0  }
0x60: {  	[sflag:s14] =	ssyncadd.s32 $0xFFFFFF80  }
0x61: {  	_ =	swait.ge [sflag:s14], $0x80  }
0x62: {  	[sflag:s14] =	ssyncset.done $0x0  }
0x63: {  	[sflag:s14] =	ssyncadd.s32 $0xFFFFFF80  }
0x64: {  	_ =	swait.ge [sflag:s14], $0x80  }
0x65: {  	[sflag:s14] =	ssyncset.done $0x0  }
0x66: {  	[sflag:s14] =	ssyncadd.s32 $0xFFFFFF80  }
.Ltmp0:
0x67: {  	_ =	swait.ge [sflag:s14], $0x80;
	(pc) =	sbr.rel @p0 .LBB2_2-.Ltmp0, $4  }
0x68: {  	[sflag:s14] =	ssyncset.done $0x0  }
0x69: {  	[sflag:s14] =	ssyncadd.s32 $0xFFFFFF80  }
0x6a: {  	_ =	swait.ge [sflag:s14], $0x80  }
0x6b: {  	s18 =	smov.u32 s17;
	[sflag:s14] =	ssyncset.done $0x0  }
0x6c: {  	s16 =	sshra.s32 s16, $0x2;
	[sflag:s14] =	ssyncadd.s32 $0xFFFFFF80  }
0x6d: {  	[spmem:s3] =	stream.indirect.scatter.add.f32 [tilespmem:s10], [sflag:$0x1], $0x1, s16, s13, $0xb8;
	[tilespmem:$0x2D80] =	vst v63  }
0x6e: {  	s17 =	sadd.s32 $0x80, s16  }
0x6f: {  	[spmem:s3] =	stream.indirect.scatter.add.f32 [tilespmem:s10], [sflag:$0x1], $0x1, s17, s13, $0xb8;
	[tilespmem:$0x2D80] =	vst v63  }
0x70: {  	s26 =	sadd.s32 $0x100, s16  }
0x71: {  	[spmem:s3] =	stream.indirect.scatter.add.f32 [tilespmem:s10], [sflag:$0x1], $0x1, s26, s13, $0xb8;
	[tilespmem:$0x2D80] =	vst v63  }
0x72: {  	s28 =	sadd.s32 $0x180, s16  }
0x73: {  	[spmem:s3] =	stream.indirect.scatter.add.f32 [tilespmem:s10], [sflag:$0x1], $0x1, s28, s13, $0xb8;
	[tilespmem:$0x2D80] =	vst v63  }
0x74: {  	s29 =	sadd.s32 $0x200, s16  }
0x75: {  	[spmem:s3] =	stream.indirect.scatter.add.f32 [tilespmem:s10], [sflag:$0x1], $0x1, s29, s13, $0xb8;
	[tilespmem:$0x2D80] =	vst v63  }
0x76: {  	s30 =	sadd.s32 $0x280, s16  }
0x77: {  	[spmem:s3] =	stream.indirect.scatter.add.f32 [tilespmem:s10], [sflag:$0x1], $0x1, s30, s13, $0xb8;
	[tilespmem:$0x2D80] =	vst v63  }
0x78: {  	s31 =	sadd.s32 $0x300, s16  }
0x79: {  	[spmem:s3] =	stream.indirect.scatter.add.f32 [tilespmem:s10], [sflag:$0x1], $0x1, s31, s13, $0xb8;
	[tilespmem:$0x2D80] =	vst v63  }
0x7a: {  	s16 =	sadd.s32 $0x380, s16  }
0x7b: {  	[spmem:s3] =	stream.indirect.scatter.add.f32 [tilespmem:s10], [sflag:$0x1], $0x1, s16, s13, $0xb8;
	[tilespmem:$0x2D80] =	vst v63  }
0x7c: {  	_ =	swait.ge [sflag:s14], $0x80  }
0x7d: {  	[sflag:s14] =	ssyncset.done $0x0  }
0x7e: {  	[sflag:s14] =	ssyncadd.s32 $0xFFFFFF80  }
0x7f: {  	_ =	swait.ge [sflag:s14], $0x80  }
0x80: {  	[sflag:s14] =	ssyncset.done $0x0  }
0x81: {  	[sflag:s14] =	ssyncadd.s32 $0xFFFFFF80  }
0x82: {  	_ =	swait.ge [sflag:s14], $0x80  }
0x83: {  	[sflag:s14] =	ssyncset.done $0x0  }
0x84: {  	[sflag:s14] =	ssyncadd.s32 $0xFFFFFF80  }
0x85: {  	_ =	swait.ge [sflag:s14], $0x80  }
0x86: {  	[sflag:s14] =	ssyncset.done $0x0  }
0x87: {  	[sflag:s14] =	ssyncadd.s32 $0xFFFFFF80  }
0x88: {  	_ =	swait.ge [sflag:s14], $0x80  }
0x89: {  	[sflag:s14] =	ssyncset.done $0x0  }
0x8a: {  	[sflag:s14] =	ssyncadd.s32 $0xFFFFFF80  }
0x8b: {  	_ =	swait.ge [sflag:s14], $0x80  }
0x8c: {  	[sflag:s14] =	ssyncset.done $0x0  }
0x8d: {  	[sflag:s14] =	ssyncadd.s32 $0xFFFFFF80  }
0x8e: {  	_ =	swait.ge [sflag:s14], $0x80  }
0x8f: {  	[sflag:s14] =	ssyncset.done $0x0  }
0x90: {  	[sflag:s14] =	ssyncadd.s32 $0xFFFFFF80  }
0x91: {  	_ =	swait.ge [sflag:s14], $0x80  }
0x92: {  	[sflag:s14] =	ssyncset.done $0x0  }
0x93: {  	[sflag:s14] =	ssyncadd.s32 $0xFFFFFF80  }
0x94: {  	[bflag:$0x0] =	sbarrier.arrive $0xFFFF  }
0x95: {  	[tilespmem:s12], [sflag:$0x2] =	stream.linear.gather [spmem:s6], $0x280, $0x38;
	[tilespmem:$0x2D80] =	vst v63  }
0x96: {  	s15 =	sadd.s32 $0x1, s15;
	_ =	swait.ge [sflag:s11], $0x280  }
0x97: {  	p0 =	sne.s32 s15, s9;
	[sflag:s11] =	ssyncset.done $0x0  }
.Ltmp1:
0x98: {  	[sflag:s11] =	ssyncadd.s32 $0xFFFFFD80;
	(pc) =	sbr.rel @p0 .LBB2_1-.Ltmp1, $4  }
0x99: {  	[hbm4b:s8+s4] =	stream.linear.scatter [tilespmem:s12], [sflag:$0x2], $0x280, $0x38;
	[tilespmem:$0x2D80] =	vst v63  }
0x9a: {  	_ =	swait.ge [sflag:s11], $0x280  }
0x9b: {  	[sflag:s11] =	ssyncset.done $0x0  }
0x9c: {  	[sflag:s11] =	ssyncadd.s32 $0xFFFFFD80  }
0x9d: {  	_ =	sfence.sel $0x180000  }
0x9e: {  	[bflag:$0x0] =	sbarrier.arrive $0xFFFF  }
0x9f: {  	p0 =	sne.s32 s0, $0x0;
	_ =	strace $0x90000047  }
0xa0: {  	s0 =	sadd.s32 @!p0 $0x100000, s1;
	[bflag:$0x2] =	sbarrier.arrive $0xFFFF  }
0xa1: {  	[sflag:s0] =	ssyncadd.tile.s32 @!p0 $0x1;
	_ =	shalt  }
.Lfunc_end2:
_tile_overlayer_lowered:
.L_overlay_start_2:
0xa2: {  	(tag) =	ssettag $0x2  }
0xa3: {  	s0 =	rddreg [dreg:$0x0];
	s2 =	stileid.u32  }
0xa4: {  	s1 =	rddreg [dreg:$0x1];
	p0 =	sne.s32 s2, $0x0  }
0xa5: {  	s3 =	rddreg [dreg:$0x2];
	[bflag:$0x3] =	sbarrier.arrive $0xFFFF;
	s2 =	simm.s32 @!p0 $0x1C02  }
0xa6: {  	[timem:s3], [sflag:s2] =	dma.local @!p0 [hbm:s0], s1  }
0xa7: {  	s0 =	simm.s32 @!p0 $0x2  }
0xa8: {  	_ =	swait.ge @!p0 [sflag:s0], s1  }
0xa9: {  	s1 =	ssub.s32 @!p0 $0x0, s1;
	[sflag:s0] =	ssyncset.done @!p0 $0x0  }
0xaa: {  	[sflag:s0] =	ssyncadd.s32 @!p0 s1  }
0xab: {  	[bflag:$0x3] =	sbarrier.arrive $0xFFFF  }
0xac: {  	_ =	shalt  }

</sc_bundles>
